<compile_context>
chip_gen: v7x
topology: tpu7x:2x2x1
jax: 0.10.2.dev20260603
libtpu: 0.0.44.dev20260713+nightly
codegen_flags: <defaults>
</compile_context>

<pallas_src>
import jax
import jax.numpy as jnp
from jax import lax
from jax.experimental import pallas as pl
from jax.experimental.pallas import tpu as pltpu
from jax.experimental.pallas import tpu_sc as plsc

N = 100000
C = 128
G = 512

L = 16
NCORES = 2
NSUB = 16
NW = NCORES * NSUB
RG = 4
CGRP = 8
RPW = N // RG
CHUNK = 1000
NCHUNK = RPW // CHUNK
BLK = 2 * L

_NEG_INF = float("-inf")


def _bcast_f32(v):
    return jnp.full((L,), 1.0, jnp.float32) * v


def _seg_partials_body(x_hbm, b_hbm, dsum_hbm, dmax_hbm, dcnt_hbm,
                       xbuf0, bbuf0, xbuf1, bbuf1,
                       accs_d, accm_d, accc_d, smbuf, mxbuf, sem0, sem1):
    c = lax.axis_index("c")
    s = lax.axis_index("s")
    wid = c * NSUB + s
    rg = wid // CGRP
    cg = wid % CGRP
    row0 = rg * RPW
    col0 = cg * L

    zeros = jnp.zeros((L,), jnp.float32)
    neginf = jnp.full((L,), _NEG_INF, jnp.float32)

    def init_body(i, _):
        o = i * L
        accs_d[pl.ds(o, L)] = zeros
        accm_d[pl.ds(o, L)] = neginf
        accc_d[pl.ds(o, L)] = zeros
        return 0

    lax.fori_loop(0, G + 1, init_body, 0)

    def flush_run(cur_seg, cnt):
        o = (cur_seg + 1) * L
        accs_d[pl.ds(o, L)] = smbuf[...]
        accm_d[pl.ds(o, L)] = mxbuf[...]
        accc_d[pl.ds(o, L)] = _bcast_f32(cnt)

    NBLK = CHUNK // BLK
    TAIL = CHUNK - NBLK * BLK

    def make_chunk_processor(xbuf, bbuf):
        def run_slow(lo, hi, carry):
            cur_seg0, cnt0 = carry
            sm0 = smbuf[...]
            mx0 = mxbuf[...]

            def rb(r, cy):
                cur_seg, cnt, sm, mx = cy
                seg = bbuf[pl.ds(r, L)][0]
                v = xbuf[r]
                o = (cur_seg + 1) * L
                accs_d[pl.ds(o, L)] = sm
                accm_d[pl.ds(o, L)] = mx
                accc_d[pl.ds(o, L)] = _bcast_f32(cnt)
                changed = seg != cur_seg
                sm = jnp.where(changed, v, sm + v)
                mx = jnp.where(changed, v, jnp.maximum(mx, v))
                cnt = jnp.where(changed, 1.0, cnt + 1.0)
                return seg, cnt, sm, mx

            cur_seg, cnt, sm, mx = lax.fori_loop(lo, hi, rb,
                                                 (cur_seg0, cnt0, sm0, mx0))
            smbuf[...] = sm
            mxbuf[...] = mx
            return cur_seg, cnt

        def block_body(t, carry):
            base = t * BLK
            cur_seg = carry[0]
            first = bbuf[pl.ds(base, L)][0]
            last = bbuf[pl.ds(base + L, L)][L - 1]
            fast = jnp.logical_and(first == cur_seg, last == cur_seg)

            def fast_fn(cy):
                seg0, cnt = cy
                sm = smbuf[...]
                mx = mxbuf[...]
                for j in range(BLK):
                    v = xbuf[base + j]
                    sm = sm + v
                    mx = jnp.maximum(mx, v)
                smbuf[...] = sm
                mxbuf[...] = mx
                return seg0, cnt + float(BLK)

            def slow_fn(cy):
                return run_slow(base, base + BLK, cy)

            return lax.cond(fast, fast_fn, slow_fn, carry)

        def process(carry):
            carry = lax.fori_loop(0, NBLK, block_body, carry)
            return run_slow(NBLK * BLK, NBLK * BLK + TAIL, carry)

        return process

    proc0 = make_chunk_processor(xbuf0, bbuf0)
    proc1 = make_chunk_processor(xbuf1, bbuf1)

    def x_src(k):
        return x_hbm.at[pl.ds(row0 + k * CHUNK, CHUNK), pl.ds(col0, L)]

    def b_src(k):
        return b_hbm.at[pl.ds(row0 + k * CHUNK, CHUNK)]

    def start_dma(k, xbuf, bbuf, sem):
        pltpu.async_copy(x_src(k), xbuf, sem)
        pltpu.async_copy(b_src(k), bbuf.at[pl.ds(0, CHUNK)], sem)

    def wait_dma(k, xbuf, bbuf, sem):
        pltpu.make_async_copy(x_src(k), xbuf, sem).wait()
        pltpu.make_async_copy(b_src(k), bbuf.at[pl.ds(0, CHUNK)], sem).wait()

    smbuf[...] = zeros
    mxbuf[...] = neginf
    carry = (jnp.int32(-1), jnp.float32(0.0))

    start_dma(0, xbuf0, bbuf0, sem0)

    def pair_body(p, carry):
        k0 = 2 * p
        wait_dma(k0, xbuf0, bbuf0, sem0)
        start_dma(k0 + 1, xbuf1, bbuf1, sem1)
        carry = proc0(carry)
        wait_dma(k0 + 1, xbuf1, bbuf1, sem1)
        start_dma(k0 + 2, xbuf0, bbuf0, sem0)
        return proc1(carry)

    carry = lax.fori_loop(0, NCHUNK // 2, pair_body, carry)
    wait_dma(NCHUNK - 1, xbuf0, bbuf0, sem0)
    carry = proc0(carry)

    cur_seg, cnt = carry
    flush_run(cur_seg, cnt)

    pltpu.sync_copy(accs_d.at[pl.ds(L, G * L)], dsum_hbm.at[wid])
    pltpu.sync_copy(accm_d.at[pl.ds(L, G * L)], dmax_hbm.at[wid])
    pltpu.sync_copy(accc_d.at[pl.ds(L, G * L)], dcnt_hbm.at[wid])


def _combine_body(dsum_hbm, dmax_hbm, dcnt_hbm, mean_hbm, maxp_hbm,
                  accs, accm, accc, lsum, lmax, lcnt):
    c = lax.axis_index("c")
    s = lax.axis_index("s")
    active = jnp.logical_and(c == 0, s < CGRP)

    @pl.when(active)
    def _():
        cg = s

        pltpu.sync_copy(dsum_hbm.at[cg], accs)
        pltpu.sync_copy(dmax_hbm.at[cg], accm)
        pltpu.sync_copy(dcnt_hbm.at[cg], accc)

        def merge_rg(rg):
            wid = rg * CGRP + cg
            pltpu.sync_copy(dsum_hbm.at[wid], lsum)
            pltpu.sync_copy(dmax_hbm.at[wid], lmax)
            pltpu.sync_copy(dcnt_hbm.at[wid], lcnt)

            def merge_one(i, _):
                o = i * L
                accs[pl.ds(o, L)] = accs[pl.ds(o, L)] + lsum[pl.ds(o, L)]
                accm[pl.ds(o, L)] = jnp.maximum(accm[pl.ds(o, L)],
                                                lmax[pl.ds(o, L)])
                accc[pl.ds(o, L)] = accc[pl.ds(o, L)] + lcnt[pl.ds(o, L)]
                return 0

            lax.fori_loop(0, G, merge_one, 0)

        for rg in range(1, RG):
            merge_rg(rg)

        def mean_body(i, _):
            o = i * L
            inv = 1.0 / jnp.maximum(accc[pl.ds(o, L)], 1.0)
            accs[pl.ds(o, L)] = accs[pl.ds(o, L)] * inv
            return 0

        lax.fori_loop(0, G, mean_body, 0)

        pltpu.sync_copy(accs, mean_hbm.at[cg])
        pltpu.sync_copy(accm, maxp_hbm.at[cg])


def _merge_tc_body(mean_ref, maxp_ref, w_ref, b_ref, out_ref):
    mean = mean_ref[...]
    mx = maxp_ref[...]
    z = (jnp.dot(mean, w_ref[0:C, :], preferred_element_type=jnp.float32)
         + jnp.dot(mx, w_ref[C:2 * C, :], preferred_element_type=jnp.float32)
         + b_ref[...])
    alpha = jax.nn.sigmoid(z)
    out_ref[...] = alpha * mean + (1.0 - alpha) * mx


@jax.jit
def kernel(x, batch, W, b):
    batch_i = batch.astype(jnp.int32)
    f32 = jnp.float32

    seg_partials = pl.kernel(
        _seg_partials_body,
        out_type=(
            jax.ShapeDtypeStruct((NW, G * L), f32),
            jax.ShapeDtypeStruct((NW, G * L), f32),
            jax.ShapeDtypeStruct((NW, G * L), f32),
        ),
        mesh=plsc.VectorSubcoreMesh(core_axis_name="c", subcore_axis_name="s"),
        compiler_params=pltpu.CompilerParams(use_tc_tiling_on_sc=False),
        scratch_types=[
            pltpu.VMEM((CHUNK, L), f32),
            pltpu.VMEM((CHUNK + L,), jnp.int32),
            pltpu.VMEM((CHUNK, L), f32),
            pltpu.VMEM((CHUNK + L,), jnp.int32),
            pltpu.VMEM(((G + 1) * L,), f32),
            pltpu.VMEM(((G + 1) * L,), f32),
            pltpu.VMEM(((G + 1) * L,), f32),
            pltpu.VMEM((L,), f32),
            pltpu.VMEM((L,), f32),
            pltpu.SemaphoreType.DMA,
            pltpu.SemaphoreType.DMA,
        ],
    )
    dsum, dmax, dcnt = seg_partials(x, batch_i)

    combine = pl.kernel(
        _combine_body,
        out_type=(
            jax.ShapeDtypeStruct((CGRP, G * L), f32),
            jax.ShapeDtypeStruct((CGRP, G * L), f32),
        ),
        mesh=plsc.VectorSubcoreMesh(core_axis_name="c", subcore_axis_name="s"),
        compiler_params=pltpu.CompilerParams(use_tc_tiling_on_sc=False),
        scratch_types=[
            pltpu.VMEM((G * L,), f32),
            pltpu.VMEM((G * L,), f32),
            pltpu.VMEM((G * L,), f32),
            pltpu.VMEM((G * L,), f32),
            pltpu.VMEM((G * L,), f32),
            pltpu.VMEM((G * L,), f32),
        ],
    )
    meant, maxt = combine(dsum, dmax, dcnt)

    mean = meant.reshape(CGRP, G, L).transpose(1, 0, 2).reshape(G, C)
    maxp = maxt.reshape(CGRP, G, L).transpose(1, 0, 2).reshape(G, C)

    out = pl.pallas_call(
        _merge_tc_body,
        out_shape=jax.ShapeDtypeStruct((G, C), f32),
    )(mean, maxp, W, b.reshape(1, C))
    return out

# --- scband reference (transcript-rebuilt; emitter-appended) ---
"""Pipeline reference for scband-merge-pooling-9552007266577 (READ-ONLY COPY).

The authoritative reference and input builder live on the scoring server;
editing this copy changes nothing except your own understanding.
"""

import jax, jax.numpy as jnp
import numpy as np

N = 100000
C = 128
G = 512

def setup_inputs(seed: int = 0) -> dict:
    key = jax.random.key(seed)
    k1, k2, k3, k4 = jax.random.split(key, 4)
    x = jax.random.normal(k1, (N, C), dtype=jnp.float32)
    batch = jnp.sort(jax.random.randint(k2, (N,), 0, G, dtype=jnp.int64))
    # Linear(in=2C, out=C): torch weight [C, 2C]; store transposed [2C, C]
    bound = 1.0 / np.sqrt(2 * C)
    W = jax.random.uniform(k3, (2 * C, C), dtype=jnp.float32, minval=-bound, maxval=bound)
    b = jax.random.uniform(k4, (C,), dtype=jnp.float32, minval=-bound, maxval=bound)
    return {"x": x, "batch": batch, "W": W, "b": b}

def reference(x, batch, W, b):
    # global_mean_pool
    sums = jax.ops.segment_sum(x, batch, num_segments=G)
    counts = jax.ops.segment_sum(jnp.ones((x.shape[0],), dtype=x.dtype), batch, num_segments=G)
    mean_pooled = sums / jnp.maximum(counts, 1.0)[:, None]
    # global_max_pool
    max_pooled = jax.ops.segment_max(x, batch, num_segments=G)
    merged = jnp.concatenate([mean_pooled, max_pooled], axis=1)
    alpha = jax.nn.sigmoid(merged @ W + b)
    attended = alpha * mean_pooled + (1.0 - alpha) * max_pooled
    return attended

if __name__ == "__main__":
    import jax
    _d = setup_inputs()
    print(jax.jit(kernel)(*tuple(_d.values())))

</pallas_src>

<mosaic_0001>
#map = affine_map<(d0, d1) -> (0, 0)>
module attributes {stable_mosaic.version = 14 : i64} {
  func.func @_combine_body(%arg0: i32, %arg1: i32, %arg2: memref<32x8192xf32, #tpu.memory_space<hbm>>, %arg3: memref<32x8192xf32, #tpu.memory_space<hbm>>, %arg4: memref<32x8192xf32, #tpu.memory_space<hbm>>, %arg5: memref<8x8192xf32, #tpu.memory_space<hbm>>, %arg6: memref<8x8192xf32, #tpu.memory_space<hbm>>, %arg7: memref<8192xf32, #tpu.memory_space<vmem>>, %arg8: memref<8192xf32, #tpu.memory_space<vmem>>, %arg9: memref<8192xf32, #tpu.memory_space<vmem>>, %arg10: memref<8192xf32, #tpu.memory_space<vmem>>, %arg11: memref<8192xf32, #tpu.memory_space<vmem>>, %arg12: memref<8192xf32, #tpu.memory_space<vmem>>) attributes {dimension_semantics = [#tpu.dimension_semantics<core_parallel>, #tpu.dimension_semantics<subcore_parallel>], iteration_bounds = array<i64: 2, 16>, scalar_prefetch = 0 : i64, scratch_operands = 6 : i64, tpu.core_type = #tpu.core_type<sc_vector_subcore>, window_params = [{transform_indices = #map}, {transform_indices = #map}, {transform_indices = #map}, {transform_indices = #map}, {transform_indices = #map}]} {
    %eq3A = arith.constant 0 : i32
    %eq3A_0 = arith.cmpi eq, %arg0, %eq3A : i32
    %lt3A = arith.constant 8 : i32
    %lt3A_1 = arith.cmpi slt, %arg1, %lt3A : i32
    %and3A = arith.andi %eq3A_0, %lt3A_1 : i1
    %convert_element_type3A = arith.extui %and3A : i1 to i32
    %cond3A = arith.constant 0 : i32
    %cond3A_2 = arith.cmpi ne, %convert_element_type3A, %cond3A : i32
    scf.if %cond3A_2 {
      "tpu.region"() ({
        %run_scoped3A = tpu.sem_alloc : memref<!tpu.dma_semaphore, #tpu.memory_space<semaphore_mem>>
        %dma_start3A = arith.constant 0 : i32
        %dma_start3A_35 = tpu.memref_slice %arg2[%arg1, %dma_start3A] : memref<32x8192xf32, #tpu.memory_space<hbm>> -> memref<1x8192xf32, #tpu.memory_space<hbm>>
        %dma_start3A_36 = tpu.memref_squeeze %dma_start3A_35 : memref<1x8192xf32, #tpu.memory_space<hbm>> -> memref<8192xf32, #tpu.memory_space<hbm>>
        %dma_start3A_37 = arith.constant 0 : i32
        %dma_start3A_38 = tpu.memref_slice %arg2[%arg1, %dma_start3A_37] : memref<32x8192xf32, #tpu.memory_space<hbm>> -> memref<1x8192xf32, #tpu.memory_space<hbm>>
        %dma_start3A_39 = tpu.memref_squeeze %dma_start3A_38 : memref<1x8192xf32, #tpu.memory_space<hbm>> -> memref<8192xf32, #tpu.memory_space<hbm>>
        tpu.enqueue_dma source(%dma_start3A_39 : memref<8192xf32, #tpu.memory_space<hbm>>) target(%arg7 : memref<8192xf32, #tpu.memory_space<vmem>>) target_semaphore(%run_scoped3A : memref<!tpu.dma_semaphore, #tpu.memory_space<semaphore_mem>>)
        %dma_wait3A = arith.constant 0 : i32
        %dma_wait3A_40 = tpu.memref_slice %arg2[%arg1, %dma_wait3A] : memref<32x8192xf32, #tpu.memory_space<hbm>> -> memref<1x8192xf32, #tpu.memory_space<hbm>>
        %dma_wait3A_41 = tpu.memref_squeeze %dma_wait3A_40 : memref<1x8192xf32, #tpu.memory_space<hbm>> -> memref<8192xf32, #tpu.memory_space<hbm>>
        %dma_wait3A_42 = arith.constant 0 : i32
        %dma_wait3A_43 = tpu.memref_slice %arg2[%arg1, %dma_wait3A_42] : memref<32x8192xf32, #tpu.memory_space<hbm>> -> memref<1x8192xf32, #tpu.memory_space<hbm>>
        %dma_wait3A_44 = tpu.memref_squeeze %dma_wait3A_43 : memref<1x8192xf32, #tpu.memory_space<hbm>> -> memref<8192xf32, #tpu.memory_space<hbm>>
        tpu.wait_dma2 semaphore(%run_scoped3A : memref<!tpu.dma_semaphore, #tpu.memory_space<semaphore_mem>>) src(%dma_wait3A_44 : memref<8192xf32, #tpu.memory_space<hbm>>) dst(%arg7 : memref<8192xf32, #tpu.memory_space<vmem>>)
        tpu.yield
      }) : () -> ()
      "tpu.region"() ({
        %run_scoped3A = tpu.sem_alloc : memref<!tpu.dma_semaphore, #tpu.memory_space<semaphore_mem>>
        %dma_start3A = arith.constant 0 : i32
        %dma_start3A_35 = tpu.memref_slice %arg3[%arg1, %dma_start3A] : memref<32x8192xf32, #tpu.memory_space<hbm>> -> memref<1x8192xf32, #tpu.memory_space<hbm>>
        %dma_start3A_36 = tpu.memref_squeeze %dma_start3A_35 : memref<1x8192xf32, #tpu.memory_space<hbm>> -> memref<8192xf32, #tpu.memory_space<hbm>>
        %dma_start3A_37 = arith.constant 0 : i32
        %dma_start3A_38 = tpu.memref_slice %arg3[%arg1, %dma_start3A_37] : memref<32x8192xf32, #tpu.memory_space<hbm>> -> memref<1x8192xf32, #tpu.memory_space<hbm>>
        %dma_start3A_39 = tpu.memref_squeeze %dma_start3A_38 : memref<1x8192xf32, #tpu.memory_space<hbm>> -> memref<8192xf32, #tpu.memory_space<hbm>>
        tpu.enqueue_dma source(%dma_start3A_39 : memref<8192xf32, #tpu.memory_space<hbm>>) target(%arg8 : memref<8192xf32, #tpu.memory_space<vmem>>) target_semaphore(%run_scoped3A : memref<!tpu.dma_semaphore, #tpu.memory_space<semaphore_mem>>)
        %dma_wait3A = arith.constant 0 : i32
        %dma_wait3A_40 = tpu.memref_slice %arg3[%arg1, %dma_wait3A] : memref<32x8192xf32, #tpu.memory_space<hbm>> -> memref<1x8192xf32, #tpu.memory_space<hbm>>
        %dma_wait3A_41 = tpu.memref_squeeze %dma_wait3A_40 : memref<1x8192xf32, #tpu.memory_space<hbm>> -> memref<8192xf32, #tpu.memory_space<hbm>>
        %dma_wait3A_42 = arith.constant 0 : i32
        %dma_wait3A_43 = tpu.memref_slice %arg3[%arg1, %dma_wait3A_42] : memref<32x8192xf32, #tpu.memory_space<hbm>> -> memref<1x8192xf32, #tpu.memory_space<hbm>>
        %dma_wait3A_44 = tpu.memref_squeeze %dma_wait3A_43 : memref<1x8192xf32, #tpu.memory_space<hbm>> -> memref<8192xf32, #tpu.memory_space<hbm>>
        tpu.wait_dma2 semaphore(%run_scoped3A : memref<!tpu.dma_semaphore, #tpu.memory_space<semaphore_mem>>) src(%dma_wait3A_44 : memref<8192xf32, #tpu.memory_space<hbm>>) dst(%arg8 : memref<8192xf32, #tpu.memory_space<vmem>>)
        tpu.yield
      }) : () -> ()
      "tpu.region"() ({
        %run_scoped3A = tpu.sem_alloc : memref<!tpu.dma_semaphore, #tpu.memory_space<semaphore_mem>>
        %dma_start3A = arith.constant 0 : i32
        %dma_start3A_35 = tpu.memref_slice %arg4[%arg1, %dma_start3A] : memref<32x8192xf32, #tpu.memory_space<hbm>> -> memref<1x8192xf32, #tpu.memory_space<hbm>>
        %dma_start3A_36 = tpu.memref_squeeze %dma_start3A_35 : memref<1x8192xf32, #tpu.memory_space<hbm>> -> memref<8192xf32, #tpu.memory_space<hbm>>
        %dma_start3A_37 = arith.constant 0 : i32
        %dma_start3A_38 = tpu.memref_slice %arg4[%arg1, %dma_start3A_37] : memref<32x8192xf32, #tpu.memory_space<hbm>> -> memref<1x8192xf32, #tpu.memory_space<hbm>>
        %dma_start3A_39 = tpu.memref_squeeze %dma_start3A_38 : memref<1x8192xf32, #tpu.memory_space<hbm>> -> memref<8192xf32, #tpu.memory_space<hbm>>
        tpu.enqueue_dma source(%dma_start3A_39 : memref<8192xf32, #tpu.memory_space<hbm>>) target(%arg9 : memref<8192xf32, #tpu.memory_space<vmem>>) target_semaphore(%run_scoped3A : memref<!tpu.dma_semaphore, #tpu.memory_space<semaphore_mem>>)
        %dma_wait3A = arith.constant 0 : i32
        %dma_wait3A_40 = tpu.memref_slice %arg4[%arg1, %dma_wait3A] : memref<32x8192xf32, #tpu.memory_space<hbm>> -> memref<1x8192xf32, #tpu.memory_space<hbm>>
        %dma_wait3A_41 = tpu.memref_squeeze %dma_wait3A_40 : memref<1x8192xf32, #tpu.memory_space<hbm>> -> memref<8192xf32, #tpu.memory_space<hbm>>
        %dma_wait3A_42 = arith.constant 0 : i32
        %dma_wait3A_43 = tpu.memref_slice %arg4[%arg1, %dma_wait3A_42] : memref<32x8192xf32, #tpu.memory_space<hbm>> -> memref<1x8192xf32, #tpu.memory_space<hbm>>
        %dma_wait3A_44 = tpu.memref_squeeze %dma_wait3A_43 : memref<1x8192xf32, #tpu.memory_space<hbm>> -> memref<8192xf32, #tpu.memory_space<hbm>>
        tpu.wait_dma2 semaphore(%run_scoped3A : memref<!tpu.dma_semaphore, #tpu.memory_space<semaphore_mem>>) src(%dma_wait3A_44 : memref<8192xf32, #tpu.memory_space<hbm>>) dst(%arg9 : memref<8192xf32, #tpu.memory_space<vmem>>)
        tpu.yield
      }) : () -> ()
      %add3A = arith.constant 8 : i32
      %add3A_3 = arith.addi %add3A, %arg1 : i32
      "tpu.region"() ({
        %run_scoped3A = tpu.sem_alloc : memref<!tpu.dma_semaphore, #tpu.memory_space<semaphore_mem>>
        %dma_start3A = arith.constant 0 : i32
        %dma_start3A_35 = tpu.memref_slice %arg2[%add3A_3, %dma_start3A] : memref<32x8192xf32, #tpu.memory_space<hbm>> -> memref<1x8192xf32, #tpu.memory_space<hbm>>
        %dma_start3A_36 = tpu.memref_squeeze %dma_start3A_35 : memref<1x8192xf32, #tpu.memory_space<hbm>> -> memref<8192xf32, #tpu.memory_space<hbm>>
        %dma_start3A_37 = arith.constant 0 : i32
        %dma_start3A_38 = tpu.memref_slice %arg2[%add3A_3, %dma_start3A_37] : memref<32x8192xf32, #tpu.memory_space<hbm>> -> memref<1x8192xf32, #tpu.memory_space<hbm>>
        %dma_start3A_39 = tpu.memref_squeeze %dma_start3A_38 : memref<1x8192xf32, #tpu.memory_space<hbm>> -> memref<8192xf32, #tpu.memory_space<hbm>>
        tpu.enqueue_dma source(%dma_start3A_39 : memref<8192xf32, #tpu.memory_space<hbm>>) target(%arg10 : memref<8192xf32, #tpu.memory_space<vmem>>) target_semaphore(%run_scoped3A : memref<!tpu.dma_semaphore, #tpu.memory_space<semaphore_mem>>)
        %dma_wait3A = arith.constant 0 : i32
        %dma_wait3A_40 = tpu.memref_slice %arg2[%add3A_3, %dma_wait3A] : memref<32x8192xf32, #tpu.memory_space<hbm>> -> memref<1x8192xf32, #tpu.memory_space<hbm>>
        %dma_wait3A_41 = tpu.memref_squeeze %dma_wait3A_40 : memref<1x8192xf32, #tpu.memory_space<hbm>> -> memref<8192xf32, #tpu.memory_space<hbm>>
        %dma_wait3A_42 = arith.constant 0 : i32
        %dma_wait3A_43 = tpu.memref_slice %arg2[%add3A_3, %dma_wait3A_42] : memref<32x8192xf32, #tpu.memory_space<hbm>> -> memref<1x8192xf32, #tpu.memory_space<hbm>>
        %dma_wait3A_44 = tpu.memref_squeeze %dma_wait3A_43 : memref<1x8192xf32, #tpu.memory_space<hbm>> -> memref<8192xf32, #tpu.memory_space<hbm>>
        tpu.wait_dma2 semaphore(%run_scoped3A : memref<!tpu.dma_semaphore, #tpu.memory_space<semaphore_mem>>) src(%dma_wait3A_44 : memref<8192xf32, #tpu.memory_space<hbm>>) dst(%arg10 : memref<8192xf32, #tpu.memory_space<vmem>>)
        tpu.yield
      }) : () -> ()
      "tpu.region"() ({
        %run_scoped3A = tpu.sem_alloc : memref<!tpu.dma_semaphore, #tpu.memory_space<semaphore_mem>>
        %dma_start3A = arith.constant 0 : i32
        %dma_start3A_35 = tpu.memref_slice %arg3[%add3A_3, %dma_start3A] : memref<32x8192xf32, #tpu.memory_space<hbm>> -> memref<1x8192xf32, #tpu.memory_space<hbm>>
        %dma_start3A_36 = tpu.memref_squeeze %dma_start3A_35 : memref<1x8192xf32, #tpu.memory_space<hbm>> -> memref<8192xf32, #tpu.memory_space<hbm>>
        %dma_start3A_37 = arith.constant 0 : i32
        %dma_start3A_38 = tpu.memref_slice %arg3[%add3A_3, %dma_start3A_37] : memref<32x8192xf32, #tpu.memory_space<hbm>> -> memref<1x8192xf32, #tpu.memory_space<hbm>>
        %dma_start3A_39 = tpu.memref_squeeze %dma_start3A_38 : memref<1x8192xf32, #tpu.memory_space<hbm>> -> memref<8192xf32, #tpu.memory_space<hbm>>
        tpu.enqueue_dma source(%dma_start3A_39 : memref<8192xf32, #tpu.memory_space<hbm>>) target(%arg11 : memref<8192xf32, #tpu.memory_space<vmem>>) target_semaphore(%run_scoped3A : memref<!tpu.dma_semaphore, #tpu.memory_space<semaphore_mem>>)
        %dma_wait3A = arith.constant 0 : i32
        %dma_wait3A_40 = tpu.memref_slice %arg3[%add3A_3, %dma_wait3A] : memref<32x8192xf32, #tpu.memory_space<hbm>> -> memref<1x8192xf32, #tpu.memory_space<hbm>>
        %dma_wait3A_41 = tpu.memref_squeeze %dma_wait3A_40 : memref<1x8192xf32, #tpu.memory_space<hbm>> -> memref<8192xf32, #tpu.memory_space<hbm>>
        %dma_wait3A_42 = arith.constant 0 : i32
        %dma_wait3A_43 = tpu.memref_slice %arg3[%add3A_3, %dma_wait3A_42] : memref<32x8192xf32, #tpu.memory_space<hbm>> -> memref<1x8192xf32, #tpu.memory_space<hbm>>
        %dma_wait3A_44 = tpu.memref_squeeze %dma_wait3A_43 : memref<1x8192xf32, #tpu.memory_space<hbm>> -> memref<8192xf32, #tpu.memory_space<hbm>>
        tpu.wait_dma2 semaphore(%run_scoped3A : memref<!tpu.dma_semaphore, #tpu.memory_space<semaphore_mem>>) src(%dma_wait3A_44 : memref<8192xf32, #tpu.memory_space<hbm>>) dst(%arg11 : memref<8192xf32, #tpu.memory_space<vmem>>)
        tpu.yield
      }) : () -> ()
      "tpu.region"() ({
        %run_scoped3A = tpu.sem_alloc : memref<!tpu.dma_semaphore, #tpu.memory_space<semaphore_mem>>
        %dma_start3A = arith.constant 0 : i32
        %dma_start3A_35 = tpu.memref_slice %arg4[%add3A_3, %dma_start3A] : memref<32x8192xf32, #tpu.memory_space<hbm>> -> memref<1x8192xf32, #tpu.memory_space<hbm>>
        %dma_start3A_36 = tpu.memref_squeeze %dma_start3A_35 : memref<1x8192xf32, #tpu.memory_space<hbm>> -> memref<8192xf32, #tpu.memory_space<hbm>>
        %dma_start3A_37 = arith.constant 0 : i32
        %dma_start3A_38 = tpu.memref_slice %arg4[%add3A_3, %dma_start3A_37] : memref<32x8192xf32, #tpu.memory_space<hbm>> -> memref<1x8192xf32, #tpu.memory_space<hbm>>
        %dma_start3A_39 = tpu.memref_squeeze %dma_start3A_38 : memref<1x8192xf32, #tpu.memory_space<hbm>> -> memref<8192xf32, #tpu.memory_space<hbm>>
        tpu.enqueue_dma source(%dma_start3A_39 : memref<8192xf32, #tpu.memory_space<hbm>>) target(%arg12 : memref<8192xf32, #tpu.memory_space<vmem>>) target_semaphore(%run_scoped3A : memref<!tpu.dma_semaphore, #tpu.memory_space<semaphore_mem>>)
        %dma_wait3A = arith.constant 0 : i32
        %dma_wait3A_40 = tpu.memref_slice %arg4[%add3A_3, %dma_wait3A] : memref<32x8192xf32, #tpu.memory_space<hbm>> -> memref<1x8192xf32, #tpu.memory_space<hbm>>
        %dma_wait3A_41 = tpu.memref_squeeze %dma_wait3A_40 : memref<1x8192xf32, #tpu.memory_space<hbm>> -> memref<8192xf32, #tpu.memory_space<hbm>>
        %dma_wait3A_42 = arith.constant 0 : i32
        %dma_wait3A_43 = tpu.memref_slice %arg4[%add3A_3, %dma_wait3A_42] : memref<32x8192xf32, #tpu.memory_space<hbm>> -> memref<1x8192xf32, #tpu.memory_space<hbm>>
        %dma_wait3A_44 = tpu.memref_squeeze %dma_wait3A_43 : memref<1x8192xf32, #tpu.memory_space<hbm>> -> memref<8192xf32, #tpu.memory_space<hbm>>
        tpu.wait_dma2 semaphore(%run_scoped3A : memref<!tpu.dma_semaphore, #tpu.memory_space<semaphore_mem>>) src(%dma_wait3A_44 : memref<8192xf32, #tpu.memory_space<hbm>>) dst(%arg12 : memref<8192xf32, #tpu.memory_space<vmem>>)
        tpu.yield
      }) : () -> ()
      %scan3A = arith.constant 0 : i32
      %scan3A_4 = arith.constant 0 : i32
      %scan3A_5 = arith.constant 512 : i32
      %scan3A_6 = arith.addi %scan3A_4, %scan3A_5 : i32
      %scan3A_7 = arith.constant 1 : i32
      %scan3A_8 = scf.for %scan3A_35 = %scan3A_4 to %scan3A_6 step %scan3A_7 iter_args(%scan3A_36 = %scan3A) -> (i32)  : i32 {
        %mul3A = arith.constant 16 : i32
        %mul3A_37 = arith.muli %scan3A_35, %mul3A : i32
        %get3A = arith.index_cast %mul3A_37 : i32 to index
        %get3A_38 = tpu.vector_load %arg7[%get3A] {strides = array<i32>} : memref<8192xf32, #tpu.memory_space<vmem>>, vector<16xf32>,
        %get3A_39 = vector.shape_cast %get3A_38 : vector<16xf32> to vector<16xf32>
        %get3A_40 = arith.index_cast %mul3A_37 : i32 to index
        %get3A_41 = tpu.vector_load %arg10[%get3A_40] {strides = array<i32>} : memref<8192xf32, #tpu.memory_space<vmem>>, vector<16xf32>,
        %get3A_42 = vector.shape_cast %get3A_41 : vector<16xf32> to vector<16xf32>
        %add3A_43 = arith.addf %get3A_39, %get3A_42 : vector<16xf32>
        %swap3A = arith.index_cast %mul3A_37 : i32 to index
        %swap3A_44 = tpu.vector_load %arg7[%swap3A] {strides = array<i32>} : memref<8192xf32, #tpu.memory_space<vmem>>, vector<16xf32>,
        %swap3A_45 = vector.shape_cast %swap3A_44 : vector<16xf32> to vector<16xf32>
        %swap3A_46 = vector.shape_cast %add3A_43 : vector<16xf32> to vector<16xf32>
        tpu.vector_store %arg7[%swap3A], %swap3A_46 {strides = array<i32>} : memref<8192xf32, #tpu.memory_space<vmem>>, vector<16xf32>,
        %get3A_47 = arith.index_cast %mul3A_37 : i32 to index
        %get3A_48 = tpu.vector_load %arg8[%get3A_47] {strides = array<i32>} : memref<8192xf32, #tpu.memory_space<vmem>>, vector<16xf32>,
        %get3A_49 = vector.shape_cast %get3A_48 : vector<16xf32> to vector<16xf32>
        %get3A_50 = arith.index_cast %mul3A_37 : i32 to index
        %get3A_51 = tpu.vector_load %arg11[%get3A_50] {strides = array<i32>} : memref<8192xf32, #tpu.memory_space<vmem>>, vector<16xf32>,
        %get3A_52 = vector.shape_cast %get3A_51 : vector<16xf32> to vector<16xf32>
        %max3A = arith.maximumf %get3A_49, %get3A_52 : vector<16xf32>
        %swap3A_53 = arith.index_cast %mul3A_37 : i32 to index
        %swap3A_54 = tpu.vector_load %arg8[%swap3A_53] {strides = array<i32>} : memref<8192xf32, #tpu.memory_space<vmem>>, vector<16xf32>,
        %swap3A_55 = vector.shape_cast %swap3A_54 : vector<16xf32> to vector<16xf32>
        %swap3A_56 = vector.shape_cast %max3A : vector<16xf32> to vector<16xf32>
        tpu.vector_store %arg8[%swap3A_53], %swap3A_56 {strides = array<i32>} : memref<8192xf32, #tpu.memory_space<vmem>>, vector<16xf32>,
        %get3A_57 = arith.index_cast %mul3A_37 : i32 to index
        %get3A_58 = tpu.vector_load %arg9[%get3A_57] {strides = array<i32>} : memref<8192xf32, #tpu.memory_space<vmem>>, vector<16xf32>,
        %get3A_59 = vector.shape_cast %get3A_58 : vector<16xf32> to vector<16xf32>
        %get3A_60 = arith.index_cast %mul3A_37 : i32 to index
        %get3A_61 = tpu.vector_load %arg12[%get3A_60] {strides = array<i32>} : memref<8192xf32, #tpu.memory_space<vmem>>, vector<16xf32>,
        %get3A_62 = vector.shape_cast %get3A_61 : vector<16xf32> to vector<16xf32>
        %add3A_63 = arith.addf %get3A_59, %get3A_62 : vector<16xf32>
        %swap3A_64 = arith.index_cast %mul3A_37 : i32 to index
        %swap3A_65 = tpu.vector_load %arg9[%swap3A_64] {strides = array<i32>} : memref<8192xf32, #tpu.memory_space<vmem>>, vector<16xf32>,
        %swap3A_66 = vector.shape_cast %swap3A_65 : vector<16xf32> to vector<16xf32>
        %swap3A_67 = vector.shape_cast %add3A_63 : vector<16xf32> to vector<16xf32>
        tpu.vector_store %arg9[%swap3A_64], %swap3A_67 {strides = array<i32>} : memref<8192xf32, #tpu.memory_space<vmem>>, vector<16xf32>,
        %scan3A_68 = arith.constant 0 : i32
        scf.yield %scan3A_68 : i32
      }
      %scan3A_9 = arith.constant 512 : i32
      %add3A_10 = arith.constant 16 : i32
      %add3A_11 = arith.addi %add3A_10, %arg1 : i32
      "tpu.region"() ({
        %run_scoped3A = tpu.sem_alloc : memref<!tpu.dma_semaphore, #tpu.memory_space<semaphore_mem>>
        %dma_start3A = arith.constant 0 : i32
        %dma_start3A_35 = tpu.memref_slice %arg2[%add3A_11, %dma_start3A] : memref<32x8192xf32, #tpu.memory_space<hbm>> -> memref<1x8192xf32, #tpu.memory_space<hbm>>
        %dma_start3A_36 = tpu.memref_squeeze %dma_start3A_35 : memref<1x8192xf32, #tpu.memory_space<hbm>> -> memref<8192xf32, #tpu.memory_space<hbm>>
        %dma_start3A_37 = arith.constant 0 : i32
        %dma_start3A_38 = tpu.memref_slice %arg2[%add3A_11, %dma_start3A_37] : memref<32x8192xf32, #tpu.memory_space<hbm>> -> memref<1x8192xf32, #tpu.memory_space<hbm>>
        %dma_start3A_39 = tpu.memref_squeeze %dma_start3A_38 : memref<1x8192xf32, #tpu.memory_space<hbm>> -> memref<8192xf32, #tpu.memory_space<hbm>>
        tpu.enqueue_dma source(%dma_start3A_39 : memref<8192xf32, #tpu.memory_space<hbm>>) target(%arg10 : memref<8192xf32, #tpu.memory_space<vmem>>) target_semaphore(%run_scoped3A : memref<!tpu.dma_semaphore, #tpu.memory_space<semaphore_mem>>)
        %dma_wait3A = arith.constant 0 : i32
        %dma_wait3A_40 = tpu.memref_slice %arg2[%add3A_11, %dma_wait3A] : memref<32x8192xf32, #tpu.memory_space<hbm>> -> memref<1x8192xf32, #tpu.memory_space<hbm>>
        %dma_wait3A_41 = tpu.memref_squeeze %dma_wait3A_40 : memref<1x8192xf32, #tpu.memory_space<hbm>> -> memref<8192xf32, #tpu.memory_space<hbm>>
        %dma_wait3A_42 = arith.constant 0 : i32
        %dma_wait3A_43 = tpu.memref_slice %arg2[%add3A_11, %dma_wait3A_42] : memref<32x8192xf32, #tpu.memory_space<hbm>> -> memref<1x8192xf32, #tpu.memory_space<hbm>>
        %dma_wait3A_44 = tpu.memref_squeeze %dma_wait3A_43 : memref<1x8192xf32, #tpu.memory_space<hbm>> -> memref<8192xf32, #tpu.memory_space<hbm>>
        tpu.wait_dma2 semaphore(%run_scoped3A : memref<!tpu.dma_semaphore, #tpu.memory_space<semaphore_mem>>) src(%dma_wait3A_44 : memref<8192xf32, #tpu.memory_space<hbm>>) dst(%arg10 : memref<8192xf32, #tpu.memory_space<vmem>>)
        tpu.yield
      }) : () -> ()
      "tpu.region"() ({
        %run_scoped3A = tpu.sem_alloc : memref<!tpu.dma_semaphore, #tpu.memory_space<semaphore_mem>>
        %dma_start3A = arith.constant 0 : i32
        %dma_start3A_35 = tpu.memref_slice %arg3[%add3A_11, %dma_start3A] : memref<32x8192xf32, #tpu.memory_space<hbm>> -> memref<1x8192xf32, #tpu.memory_space<hbm>>
        %dma_start3A_36 = tpu.memref_squeeze %dma_start3A_35 : memref<1x8192xf32, #tpu.memory_space<hbm>> -> memref<8192xf32, #tpu.memory_space<hbm>>
        %dma_start3A_37 = arith.constant 0 : i32
        %dma_start3A_38 = tpu.memref_slice %arg3[%add3A_11, %dma_start3A_37] : memref<32x8192xf32, #tpu.memory_space<hbm>> -> memref<1x8192xf32, #tpu.memory_space<hbm>>
        %dma_start3A_39 = tpu.memref_squeeze %dma_start3A_38 : memref<1x8192xf32, #tpu.memory_space<hbm>> -> memref<8192xf32, #tpu.memory_space<hbm>>
        tpu.enqueue_dma source(%dma_start3A_39 : memref<8192xf32, #tpu.memory_space<hbm>>) target(%arg11 : memref<8192xf32, #tpu.memory_space<vmem>>) target_semaphore(%run_scoped3A : memref<!tpu.dma_semaphore, #tpu.memory_space<semaphore_mem>>)
        %dma_wait3A = arith.constant 0 : i32
        %dma_wait3A_40 = tpu.memref_slice %arg3[%add3A_11, %dma_wait3A] : memref<32x8192xf32, #tpu.memory_space<hbm>> -> memref<1x8192xf32, #tpu.memory_space<hbm>>
        %dma_wait3A_41 = tpu.memref_squeeze %dma_wait3A_40 : memref<1x8192xf32, #tpu.memory_space<hbm>> -> memref<8192xf32, #tpu.memory_space<hbm>>
        %dma_wait3A_42 = arith.constant 0 : i32
        %dma_wait3A_43 = tpu.memref_slice %arg3[%add3A_11, %dma_wait3A_42] : memref<32x8192xf32, #tpu.memory_space<hbm>> -> memref<1x8192xf32, #tpu.memory_space<hbm>>
        %dma_wait3A_44 = tpu.memref_squeeze %dma_wait3A_43 : memref<1x8192xf32, #tpu.memory_space<hbm>> -> memref<8192xf32, #tpu.memory_space<hbm>>
        tpu.wait_dma2 semaphore(%run_scoped3A : memref<!tpu.dma_semaphore, #tpu.memory_space<semaphore_mem>>) src(%dma_wait3A_44 : memref<8192xf32, #tpu.memory_space<hbm>>) dst(%arg11 : memref<8192xf32, #tpu.memory_space<vmem>>)
        tpu.yield
      }) : () -> ()
      "tpu.region"() ({
        %run_scoped3A = tpu.sem_alloc : memref<!tpu.dma_semaphore, #tpu.memory_space<semaphore_mem>>
        %dma_start3A = arith.constant 0 : i32
        %dma_start3A_35 = tpu.memref_slice %arg4[%add3A_11, %dma_start3A] : memref<32x8192xf32, #tpu.memory_space<hbm>> -> memref<1x8192xf32, #tpu.memory_space<hbm>>
        %dma_start3A_36 = tpu.memref_squeeze %dma_start3A_35 : memref<1x8192xf32, #tpu.memory_space<hbm>> -> memref<8192xf32, #tpu.memory_space<hbm>>
        %dma_start3A_37 = arith.constant 0 : i32
        %dma_start3A_38 = tpu.memref_slice %arg4[%add3A_11, %dma_start3A_37] : memref<32x8192xf32, #tpu.memory_space<hbm>> -> memref<1x8192xf32, #tpu.memory_space<hbm>>
        %dma_start3A_39 = tpu.memref_squeeze %dma_start3A_38 : memref<1x8192xf32, #tpu.memory_space<hbm>> -> memref<8192xf32, #tpu.memory_space<hbm>>
        tpu.enqueue_dma source(%dma_start3A_39 : memref<8192xf32, #tpu.memory_space<hbm>>) target(%arg12 : memref<8192xf32, #tpu.memory_space<vmem>>) target_semaphore(%run_scoped3A : memref<!tpu.dma_semaphore, #tpu.memory_space<semaphore_mem>>)
        %dma_wait3A = arith.constant 0 : i32
        %dma_wait3A_40 = tpu.memref_slice %arg4[%add3A_11, %dma_wait3A] : memref<32x8192xf32, #tpu.memory_space<hbm>> -> memref<1x8192xf32, #tpu.memory_space<hbm>>
        %dma_wait3A_41 = tpu.memref_squeeze %dma_wait3A_40 : memref<1x8192xf32, #tpu.memory_space<hbm>> -> memref<8192xf32, #tpu.memory_space<hbm>>
        %dma_wait3A_42 = arith.constant 0 : i32
        %dma_wait3A_43 = tpu.memref_slice %arg4[%add3A_11, %dma_wait3A_42] : memref<32x8192xf32, #tpu.memory_space<hbm>> -> memref<1x8192xf32, #tpu.memory_space<hbm>>
        %dma_wait3A_44 = tpu.memref_squeeze %dma_wait3A_43 : memref<1x8192xf32, #tpu.memory_space<hbm>> -> memref<8192xf32, #tpu.memory_space<hbm>>
        tpu.wait_dma2 semaphore(%run_scoped3A : memref<!tpu.dma_semaphore, #tpu.memory_space<semaphore_mem>>) src(%dma_wait3A_44 : memref<8192xf32, #tpu.memory_space<hbm>>) dst(%arg12 : memref<8192xf32, #tpu.memory_space<vmem>>)
        tpu.yield
      }) : () -> ()
      %scan3A_12 = arith.constant 0 : i32
      %scan3A_13 = arith.constant 0 : i32
      %scan3A_14 = arith.constant 512 : i32
      %scan3A_15 = arith.addi %scan3A_13, %scan3A_14 : i32
      %scan3A_16 = arith.constant 1 : i32
      %scan3A_17 = scf.for %scan3A_35 = %scan3A_13 to %scan3A_15 step %scan3A_16 iter_args(%scan3A_36 = %scan3A_12) -> (i32)  : i32 {
        %mul3A = arith.constant 16 : i32
        %mul3A_37 = arith.muli %scan3A_35, %mul3A : i32
        %get3A = arith.index_cast %mul3A_37 : i32 to index
        %get3A_38 = tpu.vector_load %arg7[%get3A] {strides = array<i32>} : memref<8192xf32, #tpu.memory_space<vmem>>, vector<16xf32>,
        %get3A_39 = vector.shape_cast %get3A_38 : vector<16xf32> to vector<16xf32>
        %get3A_40 = arith.index_cast %mul3A_37 : i32 to index
        %get3A_41 = tpu.vector_load %arg10[%get3A_40] {strides = array<i32>} : memref<8192xf32, #tpu.memory_space<vmem>>, vector<16xf32>,
        %get3A_42 = vector.shape_cast %get3A_41 : vector<16xf32> to vector<16xf32>
        %add3A_43 = arith.addf %get3A_39, %get3A_42 : vector<16xf32>
        %swap3A = arith.index_cast %mul3A_37 : i32 to index
        %swap3A_44 = tpu.vector_load %arg7[%swap3A] {strides = array<i32>} : memref<8192xf32, #tpu.memory_space<vmem>>, vector<16xf32>,
        %swap3A_45 = vector.shape_cast %swap3A_44 : vector<16xf32> to vector<16xf32>
        %swap3A_46 = vector.shape_cast %add3A_43 : vector<16xf32> to vector<16xf32>
        tpu.vector_store %arg7[%swap3A], %swap3A_46 {strides = array<i32>} : memref<8192xf32, #tpu.memory_space<vmem>>, vector<16xf32>,
        %get3A_47 = arith.index_cast %mul3A_37 : i32 to index
        %get3A_48 = tpu.vector_load %arg8[%get3A_47] {strides = array<i32>} : memref<8192xf32, #tpu.memory_space<vmem>>, vector<16xf32>,
        %get3A_49 = vector.shape_cast %get3A_48 : vector<16xf32> to vector<16xf32>
        %get3A_50 = arith.index_cast %mul3A_37 : i32 to index
        %get3A_51 = tpu.vector_load %arg11[%get3A_50] {strides = array<i32>} : memref<8192xf32, #tpu.memory_space<vmem>>, vector<16xf32>,
        %get3A_52 = vector.shape_cast %get3A_51 : vector<16xf32> to vector<16xf32>
        %max3A = arith.maximumf %get3A_49, %get3A_52 : vector<16xf32>
        %swap3A_53 = arith.index_cast %mul3A_37 : i32 to index
        %swap3A_54 = tpu.vector_load %arg8[%swap3A_53] {strides = array<i32>} : memref<8192xf32, #tpu.memory_space<vmem>>, vector<16xf32>,
        %swap3A_55 = vector.shape_cast %swap3A_54 : vector<16xf32> to vector<16xf32>
        %swap3A_56 = vector.shape_cast %max3A : vector<16xf32> to vector<16xf32>
        tpu.vector_store %arg8[%swap3A_53], %swap3A_56 {strides = array<i32>} : memref<8192xf32, #tpu.memory_space<vmem>>, vector<16xf32>,
        %get3A_57 = arith.index_cast %mul3A_37 : i32 to index
        %get3A_58 = tpu.vector_load %arg9[%get3A_57] {strides = array<i32>} : memref<8192xf32, #tpu.memory_space<vmem>>, vector<16xf32>,
        %get3A_59 = vector.shape_cast %get3A_58 : vector<16xf32> to vector<16xf32>
        %get3A_60 = arith.index_cast %mul3A_37 : i32 to index
        %get3A_61 = tpu.vector_load %arg12[%get3A_60] {strides = array<i32>} : memref<8192xf32, #tpu.memory_space<vmem>>, vector<16xf32>,
        %get3A_62 = vector.shape_cast %get3A_61 : vector<16xf32> to vector<16xf32>
        %add3A_63 = arith.addf %get3A_59, %get3A_62 : vector<16xf32>
        %swap3A_64 = arith.index_cast %mul3A_37 : i32 to index
        %swap3A_65 = tpu.vector_load %arg9[%swap3A_64] {strides = array<i32>} : memref<8192xf32, #tpu.memory_space<vmem>>, vector<16xf32>,
        %swap3A_66 = vector.shape_cast %swap3A_65 : vector<16xf32> to vector<16xf32>
        %swap3A_67 = vector.shape_cast %add3A_63 : vector<16xf32> to vector<16xf32>
        tpu.vector_store %arg9[%swap3A_64], %swap3A_67 {strides = array<i32>} : memref<8192xf32, #tpu.memory_space<vmem>>, vector<16xf32>,
        %scan3A_68 = arith.constant 0 : i32
        scf.yield %scan3A_68 : i32
      }
      %scan3A_18 = arith.constant 512 : i32
      %add3A_19 = arith.constant 24 : i32
      %add3A_20 = arith.addi %add3A_19, %arg1 : i32
      "tpu.region"() ({
        %run_scoped3A = tpu.sem_alloc : memref<!tpu.dma_semaphore, #tpu.memory_space<semaphore_mem>>
        %dma_start3A = arith.constant 0 : i32
        %dma_start3A_35 = tpu.memref_slice %arg2[%add3A_20, %dma_start3A] : memref<32x8192xf32, #tpu.memory_space<hbm>> -> memref<1x8192xf32, #tpu.memory_space<hbm>>
        %dma_start3A_36 = tpu.memref_squeeze %dma_start3A_35 : memref<1x8192xf32, #tpu.memory_space<hbm>> -> memref<8192xf32, #tpu.memory_space<hbm>>
        %dma_start3A_37 = arith.constant 0 : i32
        %dma_start3A_38 = tpu.memref_slice %arg2[%add3A_20, %dma_start3A_37] : memref<32x8192xf32, #tpu.memory_space<hbm>> -> memref<1x8192xf32, #tpu.memory_space<hbm>>
        %dma_start3A_39 = tpu.memref_squeeze %dma_start3A_38 : memref<1x8192xf32, #tpu.memory_space<hbm>> -> memref<8192xf32, #tpu.memory_space<hbm>>
        tpu.enqueue_dma source(%dma_start3A_39 : memref<8192xf32, #tpu.memory_space<hbm>>) target(%arg10 : memref<8192xf32, #tpu.memory_space<vmem>>) target_semaphore(%run_scoped3A : memref<!tpu.dma_semaphore, #tpu.memory_space<semaphore_mem>>)
        %dma_wait3A = arith.constant 0 : i32
        %dma_wait3A_40 = tpu.memref_slice %arg2[%add3A_20, %dma_wait3A] : memref<32x8192xf32, #tpu.memory_space<hbm>> -> memref<1x8192xf32, #tpu.memory_space<hbm>>
        %dma_wait3A_41 = tpu.memref_squeeze %dma_wait3A_40 : memref<1x8192xf32, #tpu.memory_space<hbm>> -> memref<8192xf32, #tpu.memory_space<hbm>>
        %dma_wait3A_42 = arith.constant 0 : i32
        %dma_wait3A_43 = tpu.memref_slice %arg2[%add3A_20, %dma_wait3A_42] : memref<32x8192xf32, #tpu.memory_space<hbm>> -> memref<1x8192xf32, #tpu.memory_space<hbm>>
        %dma_wait3A_44 = tpu.memref_squeeze %dma_wait3A_43 : memref<1x8192xf32, #tpu.memory_space<hbm>> -> memref<8192xf32, #tpu.memory_space<hbm>>
        tpu.wait_dma2 semaphore(%run_scoped3A : memref<!tpu.dma_semaphore, #tpu.memory_space<semaphore_mem>>) src(%dma_wait3A_44 : memref<8192xf32, #tpu.memory_space<hbm>>) dst(%arg10 : memref<8192xf32, #tpu.memory_space<vmem>>)
        tpu.yield
      }) : () -> ()
      "tpu.region"() ({
        %run_scoped3A = tpu.sem_alloc : memref<!tpu.dma_semaphore, #tpu.memory_space<semaphore_mem>>
        %dma_start3A = arith.constant 0 : i32
        %dma_start3A_35 = tpu.memref_slice %arg3[%add3A_20, %dma_start3A] : memref<32x8192xf32, #tpu.memory_space<hbm>> -> memref<1x8192xf32, #tpu.memory_space<hbm>>
        %dma_start3A_36 = tpu.memref_squeeze %dma_start3A_35 : memref<1x8192xf32, #tpu.memory_space<hbm>> -> memref<8192xf32, #tpu.memory_space<hbm>>
        %dma_start3A_37 = arith.constant 0 : i32
        %dma_start3A_38 = tpu.memref_slice %arg3[%add3A_20, %dma_start3A_37] : memref<32x8192xf32, #tpu.memory_space<hbm>> -> memref<1x8192xf32, #tpu.memory_space<hbm>>
        %dma_start3A_39 = tpu.memref_squeeze %dma_start3A_38 : memref<1x8192xf32, #tpu.memory_space<hbm>> -> memref<8192xf32, #tpu.memory_space<hbm>>
        tpu.enqueue_dma source(%dma_start3A_39 : memref<8192xf32, #tpu.memory_space<hbm>>) target(%arg11 : memref<8192xf32, #tpu.memory_space<vmem>>) target_semaphore(%run_scoped3A : memref<!tpu.dma_semaphore, #tpu.memory_space<semaphore_mem>>)
        %dma_wait3A = arith.constant 0 : i32
        %dma_wait3A_40 = tpu.memref_slice %arg3[%add3A_20, %dma_wait3A] : memref<32x8192xf32, #tpu.memory_space<hbm>> -> memref<1x8192xf32, #tpu.memory_space<hbm>>
        %dma_wait3A_41 = tpu.memref_squeeze %dma_wait3A_40 : memref<1x8192xf32, #tpu.memory_space<hbm>> -> memref<8192xf32, #tpu.memory_space<hbm>>
        %dma_wait3A_42 = arith.constant 0 : i32
        %dma_wait3A_43 = tpu.memref_slice %arg3[%add3A_20, %dma_wait3A_42] : memref<32x8192xf32, #tpu.memory_space<hbm>> -> memref<1x8192xf32, #tpu.memory_space<hbm>>
        %dma_wait3A_44 = tpu.memref_squeeze %dma_wait3A_43 : memref<1x8192xf32, #tpu.memory_space<hbm>> -> memref<8192xf32, #tpu.memory_space<hbm>>
        tpu.wait_dma2 semaphore(%run_scoped3A : memref<!tpu.dma_semaphore, #tpu.memory_space<semaphore_mem>>) src(%dma_wait3A_44 : memref<8192xf32, #tpu.memory_space<hbm>>) dst(%arg11 : memref<8192xf32, #tpu.memory_space<vmem>>)
        tpu.yield
      }) : () -> ()
      "tpu.region"() ({
        %run_scoped3A = tpu.sem_alloc : memref<!tpu.dma_semaphore, #tpu.memory_space<semaphore_mem>>
        %dma_start3A = arith.constant 0 : i32
        %dma_start3A_35 = tpu.memref_slice %arg4[%add3A_20, %dma_start3A] : memref<32x8192xf32, #tpu.memory_space<hbm>> -> memref<1x8192xf32, #tpu.memory_space<hbm>>
        %dma_start3A_36 = tpu.memref_squeeze %dma_start3A_35 : memref<1x8192xf32, #tpu.memory_space<hbm>> -> memref<8192xf32, #tpu.memory_space<hbm>>
        %dma_start3A_37 = arith.constant 0 : i32
        %dma_start3A_38 = tpu.memref_slice %arg4[%add3A_20, %dma_start3A_37] : memref<32x8192xf32, #tpu.memory_space<hbm>> -> memref<1x8192xf32, #tpu.memory_space<hbm>>
        %dma_start3A_39 = tpu.memref_squeeze %dma_start3A_38 : memref<1x8192xf32, #tpu.memory_space<hbm>> -> memref<8192xf32, #tpu.memory_space<hbm>>
        tpu.enqueue_dma source(%dma_start3A_39 : memref<8192xf32, #tpu.memory_space<hbm>>) target(%arg12 : memref<8192xf32, #tpu.memory_space<vmem>>) target_semaphore(%run_scoped3A : memref<!tpu.dma_semaphore, #tpu.memory_space<semaphore_mem>>)
        %dma_wait3A = arith.constant 0 : i32
        %dma_wait3A_40 = tpu.memref_slice %arg4[%add3A_20, %dma_wait3A] : memref<32x8192xf32, #tpu.memory_space<hbm>> -> memref<1x8192xf32, #tpu.memory_space<hbm>>
        %dma_wait3A_41 = tpu.memref_squeeze %dma_wait3A_40 : memref<1x8192xf32, #tpu.memory_space<hbm>> -> memref<8192xf32, #tpu.memory_space<hbm>>
        %dma_wait3A_42 = arith.constant 0 : i32
        %dma_wait3A_43 = tpu.memref_slice %arg4[%add3A_20, %dma_wait3A_42] : memref<32x8192xf32, #tpu.memory_space<hbm>> -> memref<1x8192xf32, #tpu.memory_space<hbm>>
        %dma_wait3A_44 = tpu.memref_squeeze %dma_wait3A_43 : memref<1x8192xf32, #tpu.memory_space<hbm>> -> memref<8192xf32, #tpu.memory_space<hbm>>
        tpu.wait_dma2 semaphore(%run_scoped3A : memref<!tpu.dma_semaphore, #tpu.memory_space<semaphore_mem>>) src(%dma_wait3A_44 : memref<8192xf32, #tpu.memory_space<hbm>>) dst(%arg12 : memref<8192xf32, #tpu.memory_space<vmem>>)
        tpu.yield
      }) : () -> ()
      %scan3A_21 = arith.constant 0 : i32
      %scan3A_22 = arith.constant 0 : i32
      %scan3A_23 = arith.constant 512 : i32
      %scan3A_24 = arith.addi %scan3A_22, %scan3A_23 : i32
      %scan3A_25 = arith.constant 1 : i32
      %scan3A_26 = scf.for %scan3A_35 = %scan3A_22 to %scan3A_24 step %scan3A_25 iter_args(%scan3A_36 = %scan3A_21) -> (i32)  : i32 {
        %mul3A = arith.constant 16 : i32
        %mul3A_37 = arith.muli %scan3A_35, %mul3A : i32
        %get3A = arith.index_cast %mul3A_37 : i32 to index
        %get3A_38 = tpu.vector_load %arg7[%get3A] {strides = array<i32>} : memref<8192xf32, #tpu.memory_space<vmem>>, vector<16xf32>,
        %get3A_39 = vector.shape_cast %get3A_38 : vector<16xf32> to vector<16xf32>
        %get3A_40 = arith.index_cast %mul3A_37 : i32 to index
        %get3A_41 = tpu.vector_load %arg10[%get3A_40] {strides = array<i32>} : memref<8192xf32, #tpu.memory_space<vmem>>, vector<16xf32>,
        %get3A_42 = vector.shape_cast %get3A_41 : vector<16xf32> to vector<16xf32>
        %add3A_43 = arith.addf %get3A_39, %get3A_42 : vector<16xf32>
        %swap3A = arith.index_cast %mul3A_37 : i32 to index
        %swap3A_44 = tpu.vector_load %arg7[%swap3A] {strides = array<i32>} : memref<8192xf32, #tpu.memory_space<vmem>>, vector<16xf32>,
        %swap3A_45 = vector.shape_cast %swap3A_44 : vector<16xf32> to vector<16xf32>
        %swap3A_46 = vector.shape_cast %add3A_43 : vector<16xf32> to vector<16xf32>
        tpu.vector_store %arg7[%swap3A], %swap3A_46 {strides = array<i32>} : memref<8192xf32, #tpu.memory_space<vmem>>, vector<16xf32>,
        %get3A_47 = arith.index_cast %mul3A_37 : i32 to index
        %get3A_48 = tpu.vector_load %arg8[%get3A_47] {strides = array<i32>} : memref<8192xf32, #tpu.memory_space<vmem>>, vector<16xf32>,
        %get3A_49 = vector.shape_cast %get3A_48 : vector<16xf32> to vector<16xf32>
        %get3A_50 = arith.index_cast %mul3A_37 : i32 to index
        %get3A_51 = tpu.vector_load %arg11[%get3A_50] {strides = array<i32>} : memref<8192xf32, #tpu.memory_space<vmem>>, vector<16xf32>,
        %get3A_52 = vector.shape_cast %get3A_51 : vector<16xf32> to vector<16xf32>
        %max3A = arith.maximumf %get3A_49, %get3A_52 : vector<16xf32>
        %swap3A_53 = arith.index_cast %mul3A_37 : i32 to index
        %swap3A_54 = tpu.vector_load %arg8[%swap3A_53] {strides = array<i32>} : memref<8192xf32, #tpu.memory_space<vmem>>, vector<16xf32>,
        %swap3A_55 = vector.shape_cast %swap3A_54 : vector<16xf32> to vector<16xf32>
        %swap3A_56 = vector.shape_cast %max3A : vector<16xf32> to vector<16xf32>
        tpu.vector_store %arg8[%swap3A_53], %swap3A_56 {strides = array<i32>} : memref<8192xf32, #tpu.memory_space<vmem>>, vector<16xf32>,
        %get3A_57 = arith.index_cast %mul3A_37 : i32 to index
        %get3A_58 = tpu.vector_load %arg9[%get3A_57] {strides = array<i32>} : memref<8192xf32, #tpu.memory_space<vmem>>, vector<16xf32>,
        %get3A_59 = vector.shape_cast %get3A_58 : vector<16xf32> to vector<16xf32>
        %get3A_60 = arith.index_cast %mul3A_37 : i32 to index
        %get3A_61 = tpu.vector_load %arg12[%get3A_60] {strides = array<i32>} : memref<8192xf32, #tpu.memory_space<vmem>>, vector<16xf32>,
        %get3A_62 = vector.shape_cast %get3A_61 : vector<16xf32> to vector<16xf32>
        %add3A_63 = arith.addf %get3A_59, %get3A_62 : vector<16xf32>
        %swap3A_64 = arith.index_cast %mul3A_37 : i32 to index
        %swap3A_65 = tpu.vector_load %arg9[%swap3A_64] {strides = array<i32>} : memref<8192xf32, #tpu.memory_space<vmem>>, vector<16xf32>,
        %swap3A_66 = vector.shape_cast %swap3A_65 : vector<16xf32> to vector<16xf32>
        %swap3A_67 = vector.shape_cast %add3A_63 : vector<16xf32> to vector<16xf32>
        tpu.vector_store %arg9[%swap3A_64], %swap3A_67 {strides = array<i32>} : memref<8192xf32, #tpu.memory_space<vmem>>, vector<16xf32>,
        %scan3A_68 = arith.constant 0 : i32
        scf.yield %scan3A_68 : i32
      }
      %scan3A_27 = arith.constant 512 : i32
      %scan3A_28 = arith.constant 0 : i32
      %scan3A_29 = arith.constant 0 : i32
      %scan3A_30 = arith.constant 512 : i32
      %scan3A_31 = arith.addi %scan3A_29, %scan3A_30 : i32
      %scan3A_32 = arith.constant 1 : i32
      %scan3A_33 = scf.for %scan3A_35 = %scan3A_29 to %scan3A_31 step %scan3A_32 iter_args(%scan3A_36 = %scan3A_28) -> (i32)  : i32 {
        %mul3A = arith.constant 16 : i32
        %mul3A_37 = arith.muli %scan3A_35, %mul3A : i32
        %get3A = arith.index_cast %mul3A_37 : i32 to index
        %get3A_38 = tpu.vector_load %arg9[%get3A] {strides = array<i32>} : memref<8192xf32, #tpu.memory_space<vmem>>, vector<16xf32>,
        %get3A_39 = vector.shape_cast %get3A_38 : vector<16xf32> to vector<16xf32>
        %max3A = arith.constant 1.000000e+00 : f32
        %max3A_40 = vector.broadcast %max3A : f32 to vector<16xf32>
        %max3A_41 = arith.maximumf %get3A_39, %max3A_40 : vector<16xf32>
        %div3A = arith.constant 1.000000e+00 : f32
        %div3A_42 = vector.broadcast %div3A : f32 to vector<16xf32>
        %div3A_43 = arith.divf %div3A_42, %max3A_41 : vector<16xf32>
        %get3A_44 = arith.index_cast %mul3A_37 : i32 to index
        %get3A_45 = tpu.vector_load %arg7[%get3A_44] {strides = array<i32>} : memref<8192xf32, #tpu.memory_space<vmem>>, vector<16xf32>,
        %get3A_46 = vector.shape_cast %get3A_45 : vector<16xf32> to vector<16xf32>
        %mul3A_47 = arith.mulf %get3A_46, %div3A_43 : vector<16xf32>
        %swap3A = arith.index_cast %mul3A_37 : i32 to index
        %swap3A_48 = tpu.vector_load %arg7[%swap3A] {strides = array<i32>} : memref<8192xf32, #tpu.memory_space<vmem>>, vector<16xf32>,
        %swap3A_49 = vector.shape_cast %swap3A_48 : vector<16xf32> to vector<16xf32>
        %swap3A_50 = vector.shape_cast %mul3A_47 : vector<16xf32> to vector<16xf32>
        tpu.vector_store %arg7[%swap3A], %swap3A_50 {strides = array<i32>} : memref<8192xf32, #tpu.memory_space<vmem>>, vector<16xf32>,
        %scan3A_51 = arith.constant 0 : i32
        scf.yield %scan3A_51 : i32
      }
      %scan3A_34 = arith.constant 512 : i32
      "tpu.region"() ({
        %run_scoped3A = tpu.sem_alloc : memref<!tpu.dma_semaphore, #tpu.memory_space<semaphore_mem>>
        %dma_start3A = arith.constant 0 : i32
        %dma_start3A_35 = tpu.memref_slice %arg5[%arg1, %dma_start3A] : memref<8x8192xf32, #tpu.memory_space<hbm>> -> memref<1x8192xf32, #tpu.memory_space<hbm>>
        %dma_start3A_36 = tpu.memref_squeeze %dma_start3A_35 : memref<1x8192xf32, #tpu.memory_space<hbm>> -> memref<8192xf32, #tpu.memory_space<hbm>>
        %dma_start3A_37 = arith.constant 0 : i32
        %dma_start3A_38 = tpu.memref_slice %arg5[%arg1, %dma_start3A_37] : memref<8x8192xf32, #tpu.memory_space<hbm>> -> memref<1x8192xf32, #tpu.memory_space<hbm>>
        %dma_start3A_39 = tpu.memref_squeeze %dma_start3A_38 : memref<1x8192xf32, #tpu.memory_space<hbm>> -> memref<8192xf32, #tpu.memory_space<hbm>>
        tpu.enqueue_dma source(%arg7 : memref<8192xf32, #tpu.memory_space<vmem>>) target(%dma_start3A_39 : memref<8192xf32, #tpu.memory_space<hbm>>) target_semaphore(%run_scoped3A : memref<!tpu.dma_semaphore, #tpu.memory_space<semaphore_mem>>)
        %dma_wait3A = arith.constant 0 : i32
        %dma_wait3A_40 = tpu.memref_slice %arg5[%arg1, %dma_wait3A] : memref<8x8192xf32, #tpu.memory_space<hbm>> -> memref<1x8192xf32, #tpu.memory_space<hbm>>
        %dma_wait3A_41 = tpu.memref_squeeze %dma_wait3A_40 : memref<1x8192xf32, #tpu.memory_space<hbm>> -> memref<8192xf32, #tpu.memory_space<hbm>>
        %dma_wait3A_42 = arith.constant 0 : i32
        %dma_wait3A_43 = tpu.memref_slice %arg5[%arg1, %dma_wait3A_42] : memref<8x8192xf32, #tpu.memory_space<hbm>> -> memref<1x8192xf32, #tpu.memory_space<hbm>>
        %dma_wait3A_44 = tpu.memref_squeeze %dma_wait3A_43 : memref<1x8192xf32, #tpu.memory_space<hbm>> -> memref<8192xf32, #tpu.memory_space<hbm>>
        tpu.wait_dma2 semaphore(%run_scoped3A : memref<!tpu.dma_semaphore, #tpu.memory_space<semaphore_mem>>) src(%arg7 : memref<8192xf32, #tpu.memory_space<vmem>>) dst(%dma_wait3A_44 : memref<8192xf32, #tpu.memory_space<hbm>>)
        tpu.yield
      }) : () -> ()
      "tpu.region"() ({
        %run_scoped3A = tpu.sem_alloc : memref<!tpu.dma_semaphore, #tpu.memory_space<semaphore_mem>>
        %dma_start3A = arith.constant 0 : i32
        %dma_start3A_35 = tpu.memref_slice %arg6[%arg1, %dma_start3A] : memref<8x8192xf32, #tpu.memory_space<hbm>> -> memref<1x8192xf32, #tpu.memory_space<hbm>>
        %dma_start3A_36 = tpu.memref_squeeze %dma_start3A_35 : memref<1x8192xf32, #tpu.memory_space<hbm>> -> memref<8192xf32, #tpu.memory_space<hbm>>
        %dma_start3A_37 = arith.constant 0 : i32
        %dma_start3A_38 = tpu.memref_slice %arg6[%arg1, %dma_start3A_37] : memref<8x8192xf32, #tpu.memory_space<hbm>> -> memref<1x8192xf32, #tpu.memory_space<hbm>>
        %dma_start3A_39 = tpu.memref_squeeze %dma_start3A_38 : memref<1x8192xf32, #tpu.memory_space<hbm>> -> memref<8192xf32, #tpu.memory_space<hbm>>
        tpu.enqueue_dma source(%arg8 : memref<8192xf32, #tpu.memory_space<vmem>>) target(%dma_start3A_39 : memref<8192xf32, #tpu.memory_space<hbm>>) target_semaphore(%run_scoped3A : memref<!tpu.dma_semaphore, #tpu.memory_space<semaphore_mem>>)
        %dma_wait3A = arith.constant 0 : i32
        %dma_wait3A_40 = tpu.memref_slice %arg6[%arg1, %dma_wait3A] : memref<8x8192xf32, #tpu.memory_space<hbm>> -> memref<1x8192xf32, #tpu.memory_space<hbm>>
        %dma_wait3A_41 = tpu.memref_squeeze %dma_wait3A_40 : memref<1x8192xf32, #tpu.memory_space<hbm>> -> memref<8192xf32, #tpu.memory_space<hbm>>
        %dma_wait3A_42 = arith.constant 0 : i32
        %dma_wait3A_43 = tpu.memref_slice %arg6[%arg1, %dma_wait3A_42] : memref<8x8192xf32, #tpu.memory_space<hbm>> -> memref<1x8192xf32, #tpu.memory_space<hbm>>
        %dma_wait3A_44 = tpu.memref_squeeze %dma_wait3A_43 : memref<1x8192xf32, #tpu.memory_space<hbm>> -> memref<8192xf32, #tpu.memory_space<hbm>>
        tpu.wait_dma2 semaphore(%run_scoped3A : memref<!tpu.dma_semaphore, #tpu.memory_space<semaphore_mem>>) src(%arg8 : memref<8192xf32, #tpu.memory_space<vmem>>) dst(%dma_wait3A_44 : memref<8192xf32, #tpu.memory_space<hbm>>)
        tpu.yield
      }) : () -> ()
    } else {
    }
    return
  }
}

#map = affine_map<(d0, d1) -> (0, 0)>
#map1 = affine_map<(d0, d1) -> (0)>
module attributes {stable_mosaic.version = 14 : i64} {
  func.func @_seg_partials_body(%arg0: i32, %arg1: i32, %arg2: memref<100000x128xf32, #tpu.memory_space<hbm>>, %arg3: memref<100000xi32, #tpu.memory_space<hbm>>, %arg4: memref<32x8192xf32, #tpu.memory_space<hbm>>, %arg5: memref<32x8192xf32, #tpu.memory_space<hbm>>, %arg6: memref<32x8192xf32, #tpu.memory_space<hbm>>, %arg7: memref<1000x16xf32, #tpu.memory_space<vmem>>, %arg8: memref<1016xi32, #tpu.memory_space<vmem>>, %arg9: memref<1000x16xf32, #tpu.memory_space<vmem>>, %arg10: memref<1016xi32, #tpu.memory_space<vmem>>, %arg11: memref<8208xf32, #tpu.memory_space<vmem>>, %arg12: memref<8208xf32, #tpu.memory_space<vmem>>, %arg13: memref<8208xf32, #tpu.memory_space<vmem>>, %arg14: memref<16xf32, #tpu.memory_space<vmem>>, %arg15: memref<16xf32, #tpu.memory_space<vmem>>, %arg16: memref<!tpu.dma_semaphore, #tpu.memory_space<semaphore_mem>>, %arg17: memref<!tpu.dma_semaphore, #tpu.memory_space<semaphore_mem>>) attributes {dimension_semantics = [#tpu.dimension_semantics<core_parallel>, #tpu.dimension_semantics<subcore_parallel>], iteration_bounds = array<i64: 2, 16>, scalar_prefetch = 0 : i64, scratch_operands = 11 : i64, tpu.core_type = #tpu.core_type<sc_vector_subcore>, window_params = [{transform_indices = #map}, {transform_indices = #map1}, {transform_indices = #map}, {transform_indices = #map}, {transform_indices = #map}]} {
    %mul3A = arith.constant 16 : i32
    %mul3A_0 = arith.muli %arg0, %mul3A : i32
    %add3A = arith.addi %mul3A_0, %arg1 : i32
    %jit3A = arith.constant 8 : i32
    %div3A = arith.divsi %add3A, %jit3A : i32
    %sign3A = arith.constant 0 : i32
    %sign3A_1 = arith.cmpi sgt, %add3A, %sign3A : i32
    %sign3A_2 = arith.extui %sign3A_1 : i1 to i32
    %sign3A_3 = arith.constant 0 : i32
    %sign3A_4 = arith.cmpi slt, %add3A, %sign3A_3 : i32
    %sign3A_5 = arith.extui %sign3A_4 : i1 to i32
    %sign3A_6 = arith.subi %sign3A_2, %sign3A_5 : i32
    %sign3A_7 = arith.constant 0 : i32
    %sign3A_8 = arith.cmpi sgt, %jit3A, %sign3A_7 : i32
    %sign3A_9 = arith.extui %sign3A_8 : i1 to i32
    %sign3A_10 = arith.constant 0 : i32
    %sign3A_11 = arith.cmpi slt, %jit3A, %sign3A_10 : i32
    %sign3A_12 = arith.extui %sign3A_11 : i1 to i32
    %sign3A_13 = arith.subi %sign3A_9, %sign3A_12 : i32
    %ne3A = arith.cmpi ne, %sign3A_6, %sign3A_13 : i32
    %rem3A = arith.remsi %add3A, %jit3A : i32
    %ne3A_14 = arith.constant 0 : i32
    %ne3A_15 = arith.cmpi ne, %rem3A, %ne3A_14 : i32
    %and3A = arith.andi %ne3A, %ne3A_15 : i1
    %sub3A = arith.constant 1 : i32
    %sub3A_16 = arith.subi %div3A, %sub3A : i32
    %select_n3A = arith.select %and3A, %sub3A_16, %div3A : i32
    %jit3A_17 = arith.constant 8 : i32
    %eq3A = arith.constant 0 : i32
    %eq3A_18 = arith.cmpi eq, %jit3A_17, %eq3A : i32
    %jit3A_19 = arith.constant 1 : i32
    %select_n3A_20 = arith.select %eq3A_18, %jit3A_19, %jit3A_17 : i32
    %rem3A_21 = arith.remsi %add3A, %select_n3A_20 : i32
    %ne3A_22 = arith.constant 0 : i32
    %ne3A_23 = arith.cmpi ne, %rem3A_21, %ne3A_22 : i32
    %lt3A = arith.constant 0 : i32
    %lt3A_24 = arith.cmpi slt, %rem3A_21, %lt3A : i32
    %lt3A_25 = arith.constant 0 : i32
    %lt3A_26 = arith.cmpi slt, %select_n3A_20, %lt3A_25 : i32
    %ne3A_27 = arith.xori %lt3A_24, %lt3A_26 : i1
    %and3A_28 = arith.andi %ne3A_27, %ne3A_23 : i1
    %add3A_29 = arith.addi %rem3A_21, %select_n3A_20 : i32
    %select_n3A_30 = arith.select %and3A_28, %add3A_29, %rem3A_21 : i32
    %mul3A_31 = arith.constant 25000 : i32
    %mul3A_32 = arith.muli %select_n3A, %mul3A_31 : i32
    %mul3A_33 = arith.constant 16 : i32
    %mul3A_34 = arith.muli %select_n3A_30, %mul3A_33 : i32
    %broadcast_in_dim3A = arith.constant 0.000000e+00 : f32
    %broadcast_in_dim3A_35 = vector.broadcast %broadcast_in_dim3A : f32 to vector<16xf32>
    %broadcast_in_dim3A_36 = arith.constant 0xFF800000 : f32
    %broadcast_in_dim3A_37 = vector.broadcast %broadcast_in_dim3A_36 : f32 to vector<16xf32>
    %scan3A = arith.constant 0 : i32
    %scan3A_38 = arith.constant 0 : i32
    %scan3A_39 = arith.constant 513 : i32
    %scan3A_40 = arith.addi %scan3A_38, %scan3A_39 : i32
    %scan3A_41 = arith.constant 1 : i32
    %scan3A_42 = scf.for %scan3A_132 = %scan3A_38 to %scan3A_40 step %scan3A_41 iter_args(%scan3A_133 = %scan3A) -> (i32)  : i32 {
      %mul3A_134 = arith.constant 16 : i32
      %mul3A_135 = arith.muli %scan3A_132, %mul3A_134 : i32
      %swap3A_136 = arith.index_cast %mul3A_135 : i32 to index
      %swap3A_137 = tpu.vector_load %arg11[%swap3A_136] {strides = array<i32>} : memref<8208xf32, #tpu.memory_space<vmem>>, vector<16xf32>,
      %swap3A_138 = vector.shape_cast %swap3A_137 : vector<16xf32> to vector<16xf32>
      %swap3A_139 = vector.shape_cast %broadcast_in_dim3A_35 : vector<16xf32> to vector<16xf32>
      tpu.vector_store %arg11[%swap3A_136], %swap3A_139 {strides = array<i32>} : memref<8208xf32, #tpu.memory_space<vmem>>, vector<16xf32>,
      %swap3A_140 = arith.index_cast %mul3A_135 : i32 to index
      %swap3A_141 = tpu.vector_load %arg12[%swap3A_140] {strides = array<i32>} : memref<8208xf32, #tpu.memory_space<vmem>>, vector<16xf32>,
      %swap3A_142 = vector.shape_cast %swap3A_141 : vector<16xf32> to vector<16xf32>
      %swap3A_143 = vector.shape_cast %broadcast_in_dim3A_37 : vector<16xf32> to vector<16xf32>
      tpu.vector_store %arg12[%swap3A_140], %swap3A_143 {strides = array<i32>} : memref<8208xf32, #tpu.memory_space<vmem>>, vector<16xf32>,
      %swap3A_144 = arith.index_cast %mul3A_135 : i32 to index
      %swap3A_145 = tpu.vector_load %arg13[%swap3A_144] {strides = array<i32>} : memref<8208xf32, #tpu.memory_space<vmem>>, vector<16xf32>,
      %swap3A_146 = vector.shape_cast %swap3A_145 : vector<16xf32> to vector<16xf32>
      %swap3A_147 = vector.shape_cast %broadcast_in_dim3A_35 : vector<16xf32> to vector<16xf32>
      tpu.vector_store %arg13[%swap3A_144], %swap3A_147 {strides = array<i32>} : memref<8208xf32, #tpu.memory_space<vmem>>, vector<16xf32>,
      %scan3A_148 = arith.constant 0 : i32
      scf.yield %scan3A_148 : i32
    }
    %scan3A_43 = arith.constant 513 : i32
    %swap3A = arith.constant 0 : index
    %swap3A_44 = tpu.vector_load %arg14[%swap3A] {strides = array<i32>} : memref<16xf32, #tpu.memory_space<vmem>>, vector<16xf32>,
    %swap3A_45 = vector.shape_cast %swap3A_44 : vector<16xf32> to vector<16xf32>
    %swap3A_46 = vector.shape_cast %broadcast_in_dim3A_35 : vector<16xf32> to vector<16xf32>
    tpu.vector_store %arg14[%swap3A], %swap3A_46 {strides = array<i32>} : memref<16xf32, #tpu.memory_space<vmem>>, vector<16xf32>,
    %swap3A_47 = arith.constant 0 : index
    %swap3A_48 = tpu.vector_load %arg15[%swap3A_47] {strides = array<i32>} : memref<16xf32, #tpu.memory_space<vmem>>, vector<16xf32>,
    %swap3A_49 = vector.shape_cast %swap3A_48 : vector<16xf32> to vector<16xf32>
    %swap3A_50 = vector.shape_cast %broadcast_in_dim3A_37 : vector<16xf32> to vector<16xf32>
    tpu.vector_store %arg15[%swap3A_47], %swap3A_50 {strides = array<i32>} : memref<16xf32, #tpu.memory_space<vmem>>, vector<16xf32>,
    %add3A_51 = arith.constant 0 : i32
    %add3A_52 = arith.addi %mul3A_32, %add3A_51 : i32
    %dma_start3A = tpu.memref_slice %arg2[%add3A_52, %mul3A_34] : memref<100000x128xf32, #tpu.memory_space<hbm>> -> memref<1000x16xf32, #tpu.memory_space<hbm>>
    %dma_start3A_53 = tpu.memref_slice %arg2[%add3A_52, %mul3A_34] : memref<100000x128xf32, #tpu.memory_space<hbm>> -> memref<1000x16xf32, #tpu.memory_space<hbm>>
    tpu.enqueue_dma source(%dma_start3A_53 : memref<1000x16xf32, #tpu.memory_space<hbm>>) target(%arg7 : memref<1000x16xf32, #tpu.memory_space<vmem>>) target_semaphore(%arg16 : memref<!tpu.dma_semaphore, #tpu.memory_space<semaphore_mem>>)
    %add3A_54 = arith.constant 0 : i32
    %add3A_55 = arith.addi %mul3A_32, %add3A_54 : i32
    %dma_start3A_56 = arith.constant 0 : i32
    %dma_start3A_57 = tpu.memref_slice %arg8[%dma_start3A_56] : memref<1016xi32, #tpu.memory_space<vmem>> -> memref<1000xi32, #tpu.memory_space<vmem>>
    %dma_start3A_58 = tpu.memref_slice %arg3[%add3A_55] : memref<100000xi32, #tpu.memory_space<hbm>> -> memref<1000xi32, #tpu.memory_space<hbm>>
    %dma_start3A_59 = arith.constant 0 : i32
    %dma_start3A_60 = tpu.memref_slice %arg8[%dma_start3A_59] : memref<1016xi32, #tpu.memory_space<vmem>> -> memref<1000xi32, #tpu.memory_space<vmem>>
    %dma_start3A_61 = tpu.memref_slice %arg3[%add3A_55] : memref<100000xi32, #tpu.memory_space<hbm>> -> memref<1000xi32, #tpu.memory_space<hbm>>
    tpu.enqueue_dma source(%dma_start3A_61 : memref<1000xi32, #tpu.memory_space<hbm>>) target(%dma_start3A_60 : memref<1000xi32, #tpu.memory_space<vmem>>) target_semaphore(%arg16 : memref<!tpu.dma_semaphore, #tpu.memory_space<semaphore_mem>>)
    %scan3A_62 = arith.constant -1 : i32
    %scan3A_63 = arith.constant 0.000000e+00 : f32
    %scan3A_64 = arith.constant 0 : i32
    %scan3A_65 = arith.constant 12 : i32
    %scan3A_66 = arith.addi %scan3A_64, %scan3A_65 : i32
    %scan3A_67 = arith.constant 1 : i32
    %scan3A_68:2 = scf.for %scan3A_132 = %scan3A_64 to %scan3A_66 step %scan3A_67 iter_args(%scan3A_133 = %scan3A_62, %scan3A_134 = %scan3A_63) -> (i32, f32)  : i32 {
      %mul3A_135 = arith.constant 2 : i32
      %mul3A_136 = arith.muli %mul3A_135, %scan3A_132 : i32
      %mul3A_137 = arith.constant 1000 : i32
      %mul3A_138 = arith.muli %mul3A_136, %mul3A_137 : i32
      %add3A_139 = arith.addi %mul3A_32, %mul3A_138 : i32
      %dma_wait3A_140 = tpu.memref_slice %arg2[%add3A_139, %mul3A_34] : memref<100000x128xf32, #tpu.memory_space<hbm>> -> memref<1000x16xf32, #tpu.memory_space<hbm>>
      %dma_wait3A_141 = tpu.memref_slice %arg2[%add3A_139, %mul3A_34] : memref<100000x128xf32, #tpu.memory_space<hbm>> -> memref<1000x16xf32, #tpu.memory_space<hbm>>
      tpu.wait_dma2 semaphore(%arg16 : memref<!tpu.dma_semaphore, #tpu.memory_space<semaphore_mem>>) src(%dma_wait3A_141 : memref<1000x16xf32, #tpu.memory_space<hbm>>) dst(%arg7 : memref<1000x16xf32, #tpu.memory_space<vmem>>)
      %mul3A_142 = arith.constant 1000 : i32
      %mul3A_143 = arith.muli %mul3A_136, %mul3A_142 : i32
      %add3A_144 = arith.addi %mul3A_32, %mul3A_143 : i32
      %dma_wait3A_145 = arith.constant 0 : i32
      %dma_wait3A_146 = tpu.memref_slice %arg8[%dma_wait3A_145] : memref<1016xi32, #tpu.memory_space<vmem>> -> memref<1000xi32, #tpu.memory_space<vmem>>
      %dma_wait3A_147 = tpu.memref_slice %arg3[%add3A_144] : memref<100000xi32, #tpu.memory_space<hbm>> -> memref<1000xi32, #tpu.memory_space<hbm>>
      %dma_wait3A_148 = arith.constant 0 : i32
      %dma_wait3A_149 = tpu.memref_slice %arg8[%dma_wait3A_148] : memref<1016xi32, #tpu.memory_space<vmem>> -> memref<1000xi32, #tpu.memory_space<vmem>>
      %dma_wait3A_150 = tpu.memref_slice %arg3[%add3A_144] : memref<100000xi32, #tpu.memory_space<hbm>> -> memref<1000xi32, #tpu.memory_space<hbm>>
      tpu.wait_dma2 semaphore(%arg16 : memref<!tpu.dma_semaphore, #tpu.memory_space<semaphore_mem>>) src(%dma_wait3A_150 : memref<1000xi32, #tpu.memory_space<hbm>>) dst(%dma_wait3A_149 : memref<1000xi32, #tpu.memory_space<vmem>>)
      %add3A_151 = arith.constant 1 : i32
      %add3A_152 = arith.addi %mul3A_136, %add3A_151 : i32
      %mul3A_153 = arith.constant 1000 : i32
      %mul3A_154 = arith.muli %add3A_152, %mul3A_153 : i32
      %add3A_155 = arith.addi %mul3A_32, %mul3A_154 : i32
      %dma_start3A_156 = tpu.memref_slice %arg2[%add3A_155, %mul3A_34] : memref<100000x128xf32, #tpu.memory_space<hbm>> -> memref<1000x16xf32, #tpu.memory_space<hbm>>
      %dma_start3A_157 = tpu.memref_slice %arg2[%add3A_155, %mul3A_34] : memref<100000x128xf32, #tpu.memory_space<hbm>> -> memref<1000x16xf32, #tpu.memory_space<hbm>>
      tpu.enqueue_dma source(%dma_start3A_157 : memref<1000x16xf32, #tpu.memory_space<hbm>>) target(%arg9 : memref<1000x16xf32, #tpu.memory_space<vmem>>) target_semaphore(%arg17 : memref<!tpu.dma_semaphore, #tpu.memory_space<semaphore_mem>>)
      %mul3A_158 = arith.constant 1000 : i32
      %mul3A_159 = arith.muli %add3A_152, %mul3A_158 : i32
      %add3A_160 = arith.addi %mul3A_32, %mul3A_159 : i32
      %dma_start3A_161 = arith.constant 0 : i32
      %dma_start3A_162 = tpu.memref_slice %arg10[%dma_start3A_161] : memref<1016xi32, #tpu.memory_space<vmem>> -> memref<1000xi32, #tpu.memory_space<vmem>>
      %dma_start3A_163 = tpu.memref_slice %arg3[%add3A_160] : memref<100000xi32, #tpu.memory_space<hbm>> -> memref<1000xi32, #tpu.memory_space<hbm>>
      %dma_start3A_164 = arith.constant 0 : i32
      %dma_start3A_165 = tpu.memref_slice %arg10[%dma_start3A_164] : memref<1016xi32, #tpu.memory_space<vmem>> -> memref<1000xi32, #tpu.memory_space<vmem>>
      %dma_start3A_166 = tpu.memref_slice %arg3[%add3A_160] : memref<100000xi32, #tpu.memory_space<hbm>> -> memref<1000xi32, #tpu.memory_space<hbm>>
      tpu.enqueue_dma source(%dma_start3A_166 : memref<1000xi32, #tpu.memory_space<hbm>>) target(%dma_start3A_165 : memref<1000xi32, #tpu.memory_space<vmem>>) target_semaphore(%arg17 : memref<!tpu.dma_semaphore, #tpu.memory_space<semaphore_mem>>)
      %scan3A_167 = arith.constant 0 : i32
      %scan3A_168 = arith.constant 31 : i32
      %scan3A_169 = arith.addi %scan3A_167, %scan3A_168 : i32
      %scan3A_170 = arith.constant 1 : i32
      %scan3A_171:2 = scf.for %scan3A_251 = %scan3A_167 to %scan3A_169 step %scan3A_170 iter_args(%scan3A_252 = %scan3A_133, %scan3A_253 = %scan3A_134) -> (i32, f32)  : i32 {
        %mul3A_254 = arith.constant 32 : i32
        %mul3A_255 = arith.muli %scan3A_251, %mul3A_254 : i32
        %get3A_256 = arith.index_cast %mul3A_255 : i32 to index
        %get3A_257 = tpu.vector_load %arg8[%get3A_256] {strides = array<i32>} : memref<1016xi32, #tpu.memory_space<vmem>>, vector<16xi32>,
        %get3A_258 = vector.shape_cast %get3A_257 : vector<16xi32> to vector<16xi32>
        %slice3A = vector.extract_strided_slice %get3A_258 {offsets = [0], sizes = [1], strides = [1]} : vector<16xi32> to vector<1xi32>
        %squeeze3A = vector.extract %slice3A[0] : i32 from vector<1xi32>
        %add3A_259 = arith.constant 16 : i32
        %add3A_260 = arith.addi %mul3A_255, %add3A_259 : i32
        %get3A_261 = arith.index_cast %add3A_260 : i32 to index
        %get3A_262 = tpu.vector_load %arg8[%get3A_261] {strides = array<i32>} : memref<1016xi32, #tpu.memory_space<vmem>>, vector<16xi32>,
        %get3A_263 = vector.shape_cast %get3A_262 : vector<16xi32> to vector<16xi32>
        %slice3A_264 = vector.extract_strided_slice %get3A_263 {offsets = [15], sizes = [1], strides = [1]} : vector<16xi32> to vector<1xi32>
        %squeeze3A_265 = vector.extract %slice3A_264[0] : i32 from vector<1xi32>
        %eq3A_266 = arith.cmpi eq, %squeeze3A, %scan3A_252 : i32
        %eq3A_267 = arith.cmpi eq, %squeeze3A_265, %scan3A_252 : i32
        %and3A_268 = arith.andi %eq3A_266, %eq3A_267 : i1
        %convert_element_type3A = arith.extui %and3A_268 : i1 to i32
        %cond3A = arith.constant 0 : i32
        %cond3A_269 = arith.cmpi ne, %convert_element_type3A, %cond3A : i32
        %cond3A_270:2 = scf.if %cond3A_269 -> (i32, f32) {
          %get3A_271 = arith.constant 0 : index
          %get3A_272 = tpu.vector_load %arg14[%get3A_271] {strides = array<i32>} : memref<16xf32, #tpu.memory_space<vmem>>, vector<16xf32>,
          %get3A_273 = vector.shape_cast %get3A_272 : vector<16xf32> to vector<16xf32>
          %get3A_274 = arith.constant 0 : index
          %get3A_275 = tpu.vector_load %arg15[%get3A_274] {strides = array<i32>} : memref<16xf32, #tpu.memory_space<vmem>>, vector<16xf32>,
          %get3A_276 = vector.shape_cast %get3A_275 : vector<16xf32> to vector<16xf32>
          %add3A_277 = arith.constant 0 : i32
          %add3A_278 = arith.addi %mul3A_255, %add3A_277 : i32
          %get3A_279 = arith.index_cast %add3A_278 : i32 to index
          %get3A_280 = arith.constant 0 : index
          %get3A_281 = tpu.vector_load %arg7[%get3A_279, %get3A_280] {strides = array<i32>} : memref<1000x16xf32, #tpu.memory_space<vmem>>, vector<1x16xf32>,
          %get3A_282 = vector.shape_cast %get3A_281 : vector<1x16xf32> to vector<16xf32>
          %add3A_283 = arith.addf %get3A_273, %get3A_282 : vector<16xf32>
          %max3A = arith.maximumf %get3A_276, %get3A_282 : vector<16xf32>
          %add3A_284 = arith.constant 1 : i32
          %add3A_285 = arith.addi %mul3A_255, %add3A_284 : i32
          %get3A_286 = arith.index_cast %add3A_285 : i32 to index
          %get3A_287 = arith.constant 0 : index
          %get3A_288 = tpu.vector_load %arg7[%get3A_286, %get3A_287] {strides = array<i32>} : memref<1000x16xf32, #tpu.memory_space<vmem>>, vector<1x16xf32>,
          %get3A_289 = vector.shape_cast %get3A_288 : vector<1x16xf32> to vector<16xf32>
          %add3A_290 = arith.addf %add3A_283, %get3A_289 : vector<16xf32>
          %max3A_291 = arith.maximumf %max3A, %get3A_289 : vector<16xf32>
          %add3A_292 = arith.constant 2 : i32
          %add3A_293 = arith.addi %mul3A_255, %add3A_292 : i32
          %get3A_294 = arith.index_cast %add3A_293 : i32 to index
          %get3A_295 = arith.constant 0 : index
          %get3A_296 = tpu.vector_load %arg7[%get3A_294, %get3A_295] {strides = array<i32>} : memref<1000x16xf32, #tpu.memory_space<vmem>>, vector<1x16xf32>,
          %get3A_297 = vector.shape_cast %get3A_296 : vector<1x16xf32> to vector<16xf32>
          %add3A_298 = arith.addf %add3A_290, %get3A_297 : vector<16xf32>
          %max3A_299 = arith.maximumf %max3A_291, %get3A_297 : vector<16xf32>
          %add3A_300 = arith.constant 3 : i32
          %add3A_301 = arith.addi %mul3A_255, %add3A_300 : i32
          %get3A_302 = arith.index_cast %add3A_301 : i32 to index
          %get3A_303 = arith.constant 0 : index
          %get3A_304 = tpu.vector_load %arg7[%get3A_302, %get3A_303] {strides = array<i32>} : memref<1000x16xf32, #tpu.memory_space<vmem>>, vector<1x16xf32>,
          %get3A_305 = vector.shape_cast %get3A_304 : vector<1x16xf32> to vector<16xf32>
          %add3A_306 = arith.addf %add3A_298, %get3A_305 : vector<16xf32>
          %max3A_307 = arith.maximumf %max3A_299, %get3A_305 : vector<16xf32>
          %add3A_308 = arith.constant 4 : i32
          %add3A_309 = arith.addi %mul3A_255, %add3A_308 : i32
          %get3A_310 = arith.index_cast %add3A_309 : i32 to index
          %get3A_311 = arith.constant 0 : index
          %get3A_312 = tpu.vector_load %arg7[%get3A_310, %get3A_311] {strides = array<i32>} : memref<1000x16xf32, #tpu.memory_space<vmem>>, vector<1x16xf32>,
          %get3A_313 = vector.shape_cast %get3A_312 : vector<1x16xf32> to vector<16xf32>
          %add3A_314 = arith.addf %add3A_306, %get3A_313 : vector<16xf32>
          %max3A_315 = arith.maximumf %max3A_307, %get3A_313 : vector<16xf32>
          %add3A_316 = arith.constant 5 : i32
          %add3A_317 = arith.addi %mul3A_255, %add3A_316 : i32
          %get3A_318 = arith.index_cast %add3A_317 : i32 to index
          %get3A_319 = arith.constant 0 : index
          %get3A_320 = tpu.vector_load %arg7[%get3A_318, %get3A_319] {strides = array<i32>} : memref<1000x16xf32, #tpu.memory_space<vmem>>, vector<1x16xf32>,
          %get3A_321 = vector.shape_cast %get3A_320 : vector<1x16xf32> to vector<16xf32>
          %add3A_322 = arith.addf %add3A_314, %get3A_321 : vector<16xf32>
          %max3A_323 = arith.maximumf %max3A_315, %get3A_321 : vector<16xf32>
          %add3A_324 = arith.constant 6 : i32
          %add3A_325 = arith.addi %mul3A_255, %add3A_324 : i32
          %get3A_326 = arith.index_cast %add3A_325 : i32 to index
          %get3A_327 = arith.constant 0 : index
          %get3A_328 = tpu.vector_load %arg7[%get3A_326, %get3A_327] {strides = array<i32>} : memref<1000x16xf32, #tpu.memory_space<vmem>>, vector<1x16xf32>,
          %get3A_329 = vector.shape_cast %get3A_328 : vector<1x16xf32> to vector<16xf32>
          %add3A_330 = arith.addf %add3A_322, %get3A_329 : vector<16xf32>
          %max3A_331 = arith.maximumf %max3A_323, %get3A_329 : vector<16xf32>
          %add3A_332 = arith.constant 7 : i32
          %add3A_333 = arith.addi %mul3A_255, %add3A_332 : i32
          %get3A_334 = arith.index_cast %add3A_333 : i32 to index
          %get3A_335 = arith.constant 0 : index
          %get3A_336 = tpu.vector_load %arg7[%get3A_334, %get3A_335] {strides = array<i32>} : memref<1000x16xf32, #tpu.memory_space<vmem>>, vector<1x16xf32>,
          %get3A_337 = vector.shape_cast %get3A_336 : vector<1x16xf32> to vector<16xf32>
          %add3A_338 = arith.addf %add3A_330, %get3A_337 : vector<16xf32>
          %max3A_339 = arith.maximumf %max3A_331, %get3A_337 : vector<16xf32>
          %add3A_340 = arith.constant 8 : i32
          %add3A_341 = arith.addi %mul3A_255, %add3A_340 : i32
          %get3A_342 = arith.index_cast %add3A_341 : i32 to index
          %get3A_343 = arith.constant 0 : index
          %get3A_344 = tpu.vector_load %arg7[%get3A_342, %get3A_343] {strides = array<i32>} : memref<1000x16xf32, #tpu.memory_space<vmem>>, vector<1x16xf32>,
          %get3A_345 = vector.shape_cast %get3A_344 : vector<1x16xf32> to vector<16xf32>
          %add3A_346 = arith.addf %add3A_338, %get3A_345 : vector<16xf32>
          %max3A_347 = arith.maximumf %max3A_339, %get3A_345 : vector<16xf32>
          %add3A_348 = arith.constant 9 : i32
          %add3A_349 = arith.addi %mul3A_255, %add3A_348 : i32
          %get3A_350 = arith.index_cast %add3A_349 : i32 to index
          %get3A_351 = arith.constant 0 : index
          %get3A_352 = tpu.vector_load %arg7[%get3A_350, %get3A_351] {strides = array<i32>} : memref<1000x16xf32, #tpu.memory_space<vmem>>, vector<1x16xf32>,
          %get3A_353 = vector.shape_cast %get3A_352 : vector<1x16xf32> to vector<16xf32>
          %add3A_354 = arith.addf %add3A_346, %get3A_353 : vector<16xf32>
          %max3A_355 = arith.maximumf %max3A_347, %get3A_353 : vector<16xf32>
          %add3A_356 = arith.constant 10 : i32
          %add3A_357 = arith.addi %mul3A_255, %add3A_356 : i32
          %get3A_358 = arith.index_cast %add3A_357 : i32 to index
          %get3A_359 = arith.constant 0 : index
          %get3A_360 = tpu.vector_load %arg7[%get3A_358, %get3A_359] {strides = array<i32>} : memref<1000x16xf32, #tpu.memory_space<vmem>>, vector<1x16xf32>,
          %get3A_361 = vector.shape_cast %get3A_360 : vector<1x16xf32> to vector<16xf32>
          %add3A_362 = arith.addf %add3A_354, %get3A_361 : vector<16xf32>
          %max3A_363 = arith.maximumf %max3A_355, %get3A_361 : vector<16xf32>
          %add3A_364 = arith.constant 11 : i32
          %add3A_365 = arith.addi %mul3A_255, %add3A_364 : i32
          %get3A_366 = arith.index_cast %add3A_365 : i32 to index
          %get3A_367 = arith.constant 0 : index
          %get3A_368 = tpu.vector_load %arg7[%get3A_366, %get3A_367] {strides = array<i32>} : memref<1000x16xf32, #tpu.memory_space<vmem>>, vector<1x16xf32>,
          %get3A_369 = vector.shape_cast %get3A_368 : vector<1x16xf32> to vector<16xf32>
          %add3A_370 = arith.addf %add3A_362, %get3A_369 : vector<16xf32>
          %max3A_371 = arith.maximumf %max3A_363, %get3A_369 : vector<16xf32>
          %add3A_372 = arith.constant 12 : i32
          %add3A_373 = arith.addi %mul3A_255, %add3A_372 : i32
          %get3A_374 = arith.index_cast %add3A_373 : i32 to index
          %get3A_375 = arith.constant 0 : index
          %get3A_376 = tpu.vector_load %arg7[%get3A_374, %get3A_375] {strides = array<i32>} : memref<1000x16xf32, #tpu.memory_space<vmem>>, vector<1x16xf32>,
          %get3A_377 = vector.shape_cast %get3A_376 : vector<1x16xf32> to vector<16xf32>
          %add3A_378 = arith.addf %add3A_370, %get3A_377 : vector<16xf32>
          %max3A_379 = arith.maximumf %max3A_371, %get3A_377 : vector<16xf32>
          %add3A_380 = arith.constant 13 : i32
          %add3A_381 = arith.addi %mul3A_255, %add3A_380 : i32
          %get3A_382 = arith.index_cast %add3A_381 : i32 to index
          %get3A_383 = arith.constant 0 : index
          %get3A_384 = tpu.vector_load %arg7[%get3A_382, %get3A_383] {strides = array<i32>} : memref<1000x16xf32, #tpu.memory_space<vmem>>, vector<1x16xf32>,
          %get3A_385 = vector.shape_cast %get3A_384 : vector<1x16xf32> to vector<16xf32>
          %add3A_386 = arith.addf %add3A_378, %get3A_385 : vector<16xf32>
          %max3A_387 = arith.maximumf %max3A_379, %get3A_385 : vector<16xf32>
          %add3A_388 = arith.constant 14 : i32
          %add3A_389 = arith.addi %mul3A_255, %add3A_388 : i32
          %get3A_390 = arith.index_cast %add3A_389 : i32 to index
          %get3A_391 = arith.constant 0 : index
          %get3A_392 = tpu.vector_load %arg7[%get3A_390, %get3A_391] {strides = array<i32>} : memref<1000x16xf32, #tpu.memory_space<vmem>>, vector<1x16xf32>,
          %get3A_393 = vector.shape_cast %get3A_392 : vector<1x16xf32> to vector<16xf32>
          %add3A_394 = arith.addf %add3A_386, %get3A_393 : vector<16xf32>
          %max3A_395 = arith.maximumf %max3A_387, %get3A_393 : vector<16xf32>
          %add3A_396 = arith.constant 15 : i32
          %add3A_397 = arith.addi %mul3A_255, %add3A_396 : i32
          %get3A_398 = arith.index_cast %add3A_397 : i32 to index
          %get3A_399 = arith.constant 0 : index
          %get3A_400 = tpu.vector_load %arg7[%get3A_398, %get3A_399] {strides = array<i32>} : memref<1000x16xf32, #tpu.memory_space<vmem>>, vector<1x16xf32>,
          %get3A_401 = vector.shape_cast %get3A_400 : vector<1x16xf32> to vector<16xf32>
          %add3A_402 = arith.addf %add3A_394, %get3A_401 : vector<16xf32>
          %max3A_403 = arith.maximumf %max3A_395, %get3A_401 : vector<16xf32>
          %add3A_404 = arith.constant 16 : i32
          %add3A_405 = arith.addi %mul3A_255, %add3A_404 : i32
          %get3A_406 = arith.index_cast %add3A_405 : i32 to index
          %get3A_407 = arith.constant 0 : index
          %get3A_408 = tpu.vector_load %arg7[%get3A_406, %get3A_407] {strides = array<i32>} : memref<1000x16xf32, #tpu.memory_space<vmem>>, vector<1x16xf32>,
          %get3A_409 = vector.shape_cast %get3A_408 : vector<1x16xf32> to vector<16xf32>
          %add3A_410 = arith.addf %add3A_402, %get3A_409 : vector<16xf32>
          %max3A_411 = arith.maximumf %max3A_403, %get3A_409 : vector<16xf32>
          %add3A_412 = arith.constant 17 : i32
          %add3A_413 = arith.addi %mul3A_255, %add3A_412 : i32
          %get3A_414 = arith.index_cast %add3A_413 : i32 to index
          %get3A_415 = arith.constant 0 : index
          %get3A_416 = tpu.vector_load %arg7[%get3A_414, %get3A_415] {strides = array<i32>} : memref<1000x16xf32, #tpu.memory_space<vmem>>, vector<1x16xf32>,
          %get3A_417 = vector.shape_cast %get3A_416 : vector<1x16xf32> to vector<16xf32>
          %add3A_418 = arith.addf %add3A_410, %get3A_417 : vector<16xf32>
          %max3A_419 = arith.maximumf %max3A_411, %get3A_417 : vector<16xf32>
          %add3A_420 = arith.constant 18 : i32
          %add3A_421 = arith.addi %mul3A_255, %add3A_420 : i32
          %get3A_422 = arith.index_cast %add3A_421 : i32 to index
          %get3A_423 = arith.constant 0 : index
          %get3A_424 = tpu.vector_load %arg7[%get3A_422, %get3A_423] {strides = array<i32>} : memref<1000x16xf32, #tpu.memory_space<vmem>>, vector<1x16xf32>,
          %get3A_425 = vector.shape_cast %get3A_424 : vector<1x16xf32> to vector<16xf32>
          %add3A_426 = arith.addf %add3A_418, %get3A_425 : vector<16xf32>
          %max3A_427 = arith.maximumf %max3A_419, %get3A_425 : vector<16xf32>
          %add3A_428 = arith.constant 19 : i32
          %add3A_429 = arith.addi %mul3A_255, %add3A_428 : i32
          %get3A_430 = arith.index_cast %add3A_429 : i32 to index
          %get3A_431 = arith.constant 0 : index
          %get3A_432 = tpu.vector_load %arg7[%get3A_430, %get3A_431] {strides = array<i32>} : memref<1000x16xf32, #tpu.memory_space<vmem>>, vector<1x16xf32>,
          %get3A_433 = vector.shape_cast %get3A_432 : vector<1x16xf32> to vector<16xf32>
          %add3A_434 = arith.addf %add3A_426, %get3A_433 : vector<16xf32>
          %max3A_435 = arith.maximumf %max3A_427, %get3A_433 : vector<16xf32>
          %add3A_436 = arith.constant 20 : i32
          %add3A_437 = arith.addi %mul3A_255, %add3A_436 : i32
          %get3A_438 = arith.index_cast %add3A_437 : i32 to index
          %get3A_439 = arith.constant 0 : index
          %get3A_440 = tpu.vector_load %arg7[%get3A_438, %get3A_439] {strides = array<i32>} : memref<1000x16xf32, #tpu.memory_space<vmem>>, vector<1x16xf32>,
          %get3A_441 = vector.shape_cast %get3A_440 : vector<1x16xf32> to vector<16xf32>
          %add3A_442 = arith.addf %add3A_434, %get3A_441 : vector<16xf32>
          %max3A_443 = arith.maximumf %max3A_435, %get3A_441 : vector<16xf32>
          %add3A_444 = arith.constant 21 : i32
          %add3A_445 = arith.addi %mul3A_255, %add3A_444 : i32
          %get3A_446 = arith.index_cast %add3A_445 : i32 to index
          %get3A_447 = arith.constant 0 : index
          %get3A_448 = tpu.vector_load %arg7[%get3A_446, %get3A_447] {strides = array<i32>} : memref<1000x16xf32, #tpu.memory_space<vmem>>, vector<1x16xf32>,
          %get3A_449 = vector.shape_cast %get3A_448 : vector<1x16xf32> to vector<16xf32>
          %add3A_450 = arith.addf %add3A_442, %get3A_449 : vector<16xf32>
          %max3A_451 = arith.maximumf %max3A_443, %get3A_449 : vector<16xf32>
          %add3A_452 = arith.constant 22 : i32
          %add3A_453 = arith.addi %mul3A_255, %add3A_452 : i32
          %get3A_454 = arith.index_cast %add3A_453 : i32 to index
          %get3A_455 = arith.constant 0 : index
          %get3A_456 = tpu.vector_load %arg7[%get3A_454, %get3A_455] {strides = array<i32>} : memref<1000x16xf32, #tpu.memory_space<vmem>>, vector<1x16xf32>,
          %get3A_457 = vector.shape_cast %get3A_456 : vector<1x16xf32> to vector<16xf32>
          %add3A_458 = arith.addf %add3A_450, %get3A_457 : vector<16xf32>
          %max3A_459 = arith.maximumf %max3A_451, %get3A_457 : vector<16xf32>
          %add3A_460 = arith.constant 23 : i32
          %add3A_461 = arith.addi %mul3A_255, %add3A_460 : i32
          %get3A_462 = arith.index_cast %add3A_461 : i32 to index
          %get3A_463 = arith.constant 0 : index
          %get3A_464 = tpu.vector_load %arg7[%get3A_462, %get3A_463] {strides = array<i32>} : memref<1000x16xf32, #tpu.memory_space<vmem>>, vector<1x16xf32>,
          %get3A_465 = vector.shape_cast %get3A_464 : vector<1x16xf32> to vector<16xf32>
          %add3A_466 = arith.addf %add3A_458, %get3A_465 : vector<16xf32>
          %max3A_467 = arith.maximumf %max3A_459, %get3A_465 : vector<16xf32>
          %add3A_468 = arith.constant 24 : i32
          %add3A_469 = arith.addi %mul3A_255, %add3A_468 : i32
          %get3A_470 = arith.index_cast %add3A_469 : i32 to index
          %get3A_471 = arith.constant 0 : index
          %get3A_472 = tpu.vector_load %arg7[%get3A_470, %get3A_471] {strides = array<i32>} : memref<1000x16xf32, #tpu.memory_space<vmem>>, vector<1x16xf32>,
          %get3A_473 = vector.shape_cast %get3A_472 : vector<1x16xf32> to vector<16xf32>
          %add3A_474 = arith.addf %add3A_466, %get3A_473 : vector<16xf32>
          %max3A_475 = arith.maximumf %max3A_467, %get3A_473 : vector<16xf32>
          %add3A_476 = arith.constant 25 : i32
          %add3A_477 = arith.addi %mul3A_255, %add3A_476 : i32
          %get3A_478 = arith.index_cast %add3A_477 : i32 to index
          %get3A_479 = arith.constant 0 : index
          %get3A_480 = tpu.vector_load %arg7[%get3A_478, %get3A_479] {strides = array<i32>} : memref<1000x16xf32, #tpu.memory_space<vmem>>, vector<1x16xf32>,
          %get3A_481 = vector.shape_cast %get3A_480 : vector<1x16xf32> to vector<16xf32>
          %add3A_482 = arith.addf %add3A_474, %get3A_481 : vector<16xf32>
          %max3A_483 = arith.maximumf %max3A_475, %get3A_481 : vector<16xf32>
          %add3A_484 = arith.constant 26 : i32
          %add3A_485 = arith.addi %mul3A_255, %add3A_484 : i32
          %get3A_486 = arith.index_cast %add3A_485 : i32 to index
          %get3A_487 = arith.constant 0 : index
          %get3A_488 = tpu.vector_load %arg7[%get3A_486, %get3A_487] {strides = array<i32>} : memref<1000x16xf32, #tpu.memory_space<vmem>>, vector<1x16xf32>,
          %get3A_489 = vector.shape_cast %get3A_488 : vector<1x16xf32> to vector<16xf32>
          %add3A_490 = arith.addf %add3A_482, %get3A_489 : vector<16xf32>
          %max3A_491 = arith.maximumf %max3A_483, %get3A_489 : vector<16xf32>
          %add3A_492 = arith.constant 27 : i32
          %add3A_493 = arith.addi %mul3A_255, %add3A_492 : i32
          %get3A_494 = arith.index_cast %add3A_493 : i32 to index
          %get3A_495 = arith.constant 0 : index
          %get3A_496 = tpu.vector_load %arg7[%get3A_494, %get3A_495] {strides = array<i32>} : memref<1000x16xf32, #tpu.memory_space<vmem>>, vector<1x16xf32>,
          %get3A_497 = vector.shape_cast %get3A_496 : vector<1x16xf32> to vector<16xf32>
          %add3A_498 = arith.addf %add3A_490, %get3A_497 : vector<16xf32>
          %max3A_499 = arith.maximumf %max3A_491, %get3A_497 : vector<16xf32>
          %add3A_500 = arith.constant 28 : i32
          %add3A_501 = arith.addi %mul3A_255, %add3A_500 : i32
          %get3A_502 = arith.index_cast %add3A_501 : i32 to index
          %get3A_503 = arith.constant 0 : index
          %get3A_504 = tpu.vector_load %arg7[%get3A_502, %get3A_503] {strides = array<i32>} : memref<1000x16xf32, #tpu.memory_space<vmem>>, vector<1x16xf32>,
          %get3A_505 = vector.shape_cast %get3A_504 : vector<1x16xf32> to vector<16xf32>
          %add3A_506 = arith.addf %add3A_498, %get3A_505 : vector<16xf32>
          %max3A_507 = arith.maximumf %max3A_499, %get3A_505 : vector<16xf32>
          %add3A_508 = arith.constant 29 : i32
          %add3A_509 = arith.addi %mul3A_255, %add3A_508 : i32
          %get3A_510 = arith.index_cast %add3A_509 : i32 to index
          %get3A_511 = arith.constant 0 : index
          %get3A_512 = tpu.vector_load %arg7[%get3A_510, %get3A_511] {strides = array<i32>} : memref<1000x16xf32, #tpu.memory_space<vmem>>, vector<1x16xf32>,
          %get3A_513 = vector.shape_cast %get3A_512 : vector<1x16xf32> to vector<16xf32>
          %add3A_514 = arith.addf %add3A_506, %get3A_513 : vector<16xf32>
          %max3A_515 = arith.maximumf %max3A_507, %get3A_513 : vector<16xf32>
          %add3A_516 = arith.constant 30 : i32
          %add3A_517 = arith.addi %mul3A_255, %add3A_516 : i32
          %get3A_518 = arith.index_cast %add3A_517 : i32 to index
          %get3A_519 = arith.constant 0 : index
          %get3A_520 = tpu.vector_load %arg7[%get3A_518, %get3A_519] {strides = array<i32>} : memref<1000x16xf32, #tpu.memory_space<vmem>>, vector<1x16xf32>,
          %get3A_521 = vector.shape_cast %get3A_520 : vector<1x16xf32> to vector<16xf32>
          %add3A_522 = arith.addf %add3A_514, %get3A_521 : vector<16xf32>
          %max3A_523 = arith.maximumf %max3A_515, %get3A_521 : vector<16xf32>
          %add3A_524 = arith.constant 31 : i32
          %add3A_525 = arith.addi %mul3A_255, %add3A_524 : i32
          %get3A_526 = arith.index_cast %add3A_525 : i32 to index
          %get3A_527 = arith.constant 0 : index
          %get3A_528 = tpu.vector_load %arg7[%get3A_526, %get3A_527] {strides = array<i32>} : memref<1000x16xf32, #tpu.memory_space<vmem>>, vector<1x16xf32>,
          %get3A_529 = vector.shape_cast %get3A_528 : vector<1x16xf32> to vector<16xf32>
          %add3A_530 = arith.addf %add3A_522, %get3A_529 : vector<16xf32>
          %max3A_531 = arith.maximumf %max3A_523, %get3A_529 : vector<16xf32>
          %swap3A_532 = arith.constant 0 : index
          %swap3A_533 = tpu.vector_load %arg14[%swap3A_532] {strides = array<i32>} : memref<16xf32, #tpu.memory_space<vmem>>, vector<16xf32>,
          %swap3A_534 = vector.shape_cast %swap3A_533 : vector<16xf32> to vector<16xf32>
          %swap3A_535 = vector.shape_cast %add3A_530 : vector<16xf32> to vector<16xf32>
          tpu.vector_store %arg14[%swap3A_532], %swap3A_535 {strides = array<i32>} : memref<16xf32, #tpu.memory_space<vmem>>, vector<16xf32>,
          %swap3A_536 = arith.constant 0 : index
          %swap3A_537 = tpu.vector_load %arg15[%swap3A_536] {strides = array<i32>} : memref<16xf32, #tpu.memory_space<vmem>>, vector<16xf32>,
          %swap3A_538 = vector.shape_cast %swap3A_537 : vector<16xf32> to vector<16xf32>
          %swap3A_539 = vector.shape_cast %max3A_531 : vector<16xf32> to vector<16xf32>
          tpu.vector_store %arg15[%swap3A_536], %swap3A_539 {strides = array<i32>} : memref<16xf32, #tpu.memory_space<vmem>>, vector<16xf32>,
          %add3A_540 = arith.constant 3.200000e+01 : f32
          %add3A_541 = arith.addf %scan3A_253, %add3A_540 : f32
          scf.yield %scan3A_252, %add3A_541 : i32, f32
        } else {
          %add3A_271 = arith.constant 32 : i32
          %add3A_272 = arith.addi %mul3A_255, %add3A_271 : i32
          %get3A_273 = arith.constant 0 : index
          %get3A_274 = tpu.vector_load %arg14[%get3A_273] {strides = array<i32>} : memref<16xf32, #tpu.memory_space<vmem>>, vector<16xf32>,
          %get3A_275 = vector.shape_cast %get3A_274 : vector<16xf32> to vector<16xf32>
          %get3A_276 = arith.constant 0 : index
          %get3A_277 = tpu.vector_load %arg15[%get3A_276] {strides = array<i32>} : memref<16xf32, #tpu.memory_space<vmem>>, vector<16xf32>,
          %get3A_278 = vector.shape_cast %get3A_277 : vector<16xf32> to vector<16xf32>
          %while3A = arith.subi %add3A_272, %mul3A_255 : i32
          %while3A_279 = arith.addi %mul3A_255, %while3A : i32
          %while3A_280 = arith.constant 1 : i32
          %while3A_281 = arith.divsi %while3A, %while3A_280 : i32
          %while3A_282 = arith.muli %while3A_281, %while3A_280 : i32
          %while3A_283 = arith.addi %mul3A_255, %while3A_282 : i32
          %while3A_284 = arith.constant 1 : i32
          %while3A_285:4 = scf.for %while3A_296 = %mul3A_255 to %while3A_283 step %while3A_284 iter_args(%while3A_297 = %scan3A_252, %while3A_298 = %scan3A_253, %while3A_299 = %get3A_275, %while3A_300 = %get3A_278) -> (i32, f32, vector<16xf32>, vector<16xf32>)  : i32 {
            %get3A_301 = arith.index_cast %while3A_296 : i32 to index
            %get3A_302 = tpu.vector_load %arg8[%get3A_301] {strides = array<i32>} : memref<1016xi32, #tpu.memory_space<vmem>>, vector<16xi32>,
            %get3A_303 = vector.shape_cast %get3A_302 : vector<16xi32> to vector<16xi32>
            %slice3A_304 = vector.extract_strided_slice %get3A_303 {offsets = [0], sizes = [1], strides = [1]} : vector<16xi32> to vector<1xi32>
            %squeeze3A_305 = vector.extract %slice3A_304[0] : i32 from vector<1xi32>
            %get3A_306 = arith.index_cast %while3A_296 : i32 to index
            %get3A_307 = arith.constant 0 : index
            %get3A_308 = tpu.vector_load %arg7[%get3A_306, %get3A_307] {strides = array<i32>} : memref<1000x16xf32, #tpu.memory_space<vmem>>, vector<1x16xf32>,
            %get3A_309 = vector.shape_cast %get3A_308 : vector<1x16xf32> to vector<16xf32>
            %add3A_310 = arith.constant 1 : i32
            %add3A_311 = arith.addi %while3A_297, %add3A_310 : i32
            %mul3A_312 = arith.constant 16 : i32
            %mul3A_313 = arith.muli %add3A_311, %mul3A_312 : i32
            %swap3A_314 = arith.index_cast %mul3A_313 : i32 to index
            %swap3A_315 = tpu.vector_load %arg11[%swap3A_314] {strides = array<i32>} : memref<8208xf32, #tpu.memory_space<vmem>>, vector<16xf32>,
            %swap3A_316 = vector.shape_cast %swap3A_315 : vector<16xf32> to vector<16xf32>
            %swap3A_317 = vector.shape_cast %while3A_299 : vector<16xf32> to vector<16xf32>
            tpu.vector_store %arg11[%swap3A_314], %swap3A_317 {strides = array<i32>} : memref<8208xf32, #tpu.memory_space<vmem>>, vector<16xf32>,
            %swap3A_318 = arith.index_cast %mul3A_313 : i32 to index
            %swap3A_319 = tpu.vector_load %arg12[%swap3A_318] {strides = array<i32>} : memref<8208xf32, #tpu.memory_space<vmem>>, vector<16xf32>,
            %swap3A_320 = vector.shape_cast %swap3A_319 : vector<16xf32> to vector<16xf32>
            %swap3A_321 = vector.shape_cast %while3A_300 : vector<16xf32> to vector<16xf32>
            tpu.vector_store %arg12[%swap3A_318], %swap3A_321 {strides = array<i32>} : memref<8208xf32, #tpu.memory_space<vmem>>, vector<16xf32>,
            %broadcast_in_dim3A_322 = arith.constant 1.000000e+00 : f32
            %broadcast_in_dim3A_323 = vector.broadcast %broadcast_in_dim3A_322 : f32 to vector<16xf32>
            %mul3A_324 = vector.broadcast %while3A_298 : f32 to vector<16xf32>
            %mul3A_325 = arith.mulf %broadcast_in_dim3A_323, %mul3A_324 : vector<16xf32>
            %swap3A_326 = arith.index_cast %mul3A_313 : i32 to index
            %swap3A_327 = tpu.vector_load %arg13[%swap3A_326] {strides = array<i32>} : memref<8208xf32, #tpu.memory_space<vmem>>, vector<16xf32>,
            %swap3A_328 = vector.shape_cast %swap3A_327 : vector<16xf32> to vector<16xf32>
            %swap3A_329 = vector.shape_cast %mul3A_325 : vector<16xf32> to vector<16xf32>
            tpu.vector_store %arg13[%swap3A_326], %swap3A_329 {strides = array<i32>} : memref<8208xf32, #tpu.memory_space<vmem>>, vector<16xf32>,
            %ne3A_330 = arith.cmpi ne, %squeeze3A_305, %while3A_297 : i32
            %add3A_331 = arith.addf %while3A_299, %get3A_309 : vector<16xf32>
            %select_n3A_332 = arith.select %ne3A_330, %get3A_309, %add3A_331 : vector<16xf32>
            %max3A = arith.maximumf %while3A_300, %get3A_309 : vector<16xf32>
            %select_n3A_333 = arith.select %ne3A_330, %get3A_309, %max3A : vector<16xf32>
            %add3A_334 = arith.constant 1.000000e+00 : f32
            %add3A_335 = arith.addf %while3A_298, %add3A_334 : f32
            %jit3A_336 = arith.constant 1.000000e+00 : f32
            %select_n3A_337 = arith.select %ne3A_330, %jit3A_336, %add3A_335 : f32
            scf.yield %squeeze3A_305, %select_n3A_337, %select_n3A_332, %select_n3A_333 : i32, f32, vector<16xf32>, vector<16xf32>
          }
          %while3A_286 = arith.constant 1 : i32
          %while3A_287:4 = scf.for %while3A_296 = %while3A_283 to %while3A_279 step %while3A_286 iter_args(%while3A_297 = %while3A_285#0, %while3A_298 = %while3A_285#1, %while3A_299 = %while3A_285#2, %while3A_300 = %while3A_285#3) -> (i32, f32, vector<16xf32>, vector<16xf32>)  : i32 {
            %get3A_301 = arith.index_cast %while3A_296 : i32 to index
            %get3A_302 = tpu.vector_load %arg8[%get3A_301] {strides = array<i32>} : memref<1016xi32, #tpu.memory_space<vmem>>, vector<16xi32>,
            %get3A_303 = vector.shape_cast %get3A_302 : vector<16xi32> to vector<16xi32>
            %slice3A_304 = vector.extract_strided_slice %get3A_303 {offsets = [0], sizes = [1], strides = [1]} : vector<16xi32> to vector<1xi32>
            %squeeze3A_305 = vector.extract %slice3A_304[0] : i32 from vector<1xi32>
            %get3A_306 = arith.index_cast %while3A_296 : i32 to index
            %get3A_307 = arith.constant 0 : index
            %get3A_308 = tpu.vector_load %arg7[%get3A_306, %get3A_307] {strides = array<i32>} : memref<1000x16xf32, #tpu.memory_space<vmem>>, vector<1x16xf32>,
            %get3A_309 = vector.shape_cast %get3A_308 : vector<1x16xf32> to vector<16xf32>
            %add3A_310 = arith.constant 1 : i32
            %add3A_311 = arith.addi %while3A_297, %add3A_310 : i32
            %mul3A_312 = arith.constant 16 : i32
            %mul3A_313 = arith.muli %add3A_311, %mul3A_312 : i32
            %swap3A_314 = arith.index_cast %mul3A_313 : i32 to index
            %swap3A_315 = tpu.vector_load %arg11[%swap3A_314] {strides = array<i32>} : memref<8208xf32, #tpu.memory_space<vmem>>, vector<16xf32>,
            %swap3A_316 = vector.shape_cast %swap3A_315 : vector<16xf32> to vector<16xf32>
            %swap3A_317 = vector.shape_cast %while3A_299 : vector<16xf32> to vector<16xf32>
            tpu.vector_store %arg11[%swap3A_314], %swap3A_317 {strides = array<i32>} : memref<8208xf32, #tpu.memory_space<vmem>>, vector<16xf32>,
            %swap3A_318 = arith.index_cast %mul3A_313 : i32 to index
            %swap3A_319 = tpu.vector_load %arg12[%swap3A_318] {strides = array<i32>} : memref<8208xf32, #tpu.memory_space<vmem>>, vector<16xf32>,
            %swap3A_320 = vector.shape_cast %swap3A_319 : vector<16xf32> to vector<16xf32>
            %swap3A_321 = vector.shape_cast %while3A_300 : vector<16xf32> to vector<16xf32>
            tpu.vector_store %arg12[%swap3A_318], %swap3A_321 {strides = array<i32>} : memref<8208xf32, #tpu.memory_space<vmem>>, vector<16xf32>,
            %broadcast_in_dim3A_322 = arith.constant 1.000000e+00 : f32
            %broadcast_in_dim3A_323 = vector.broadcast %broadcast_in_dim3A_322 : f32 to vector<16xf32>
            %mul3A_324 = vector.broadcast %while3A_298 : f32 to vector<16xf32>
            %mul3A_325 = arith.mulf %broadcast_in_dim3A_323, %mul3A_324 : vector<16xf32>
            %swap3A_326 = arith.index_cast %mul3A_313 : i32 to index
            %swap3A_327 = tpu.vector_load %arg13[%swap3A_326] {strides = array<i32>} : memref<8208xf32, #tpu.memory_space<vmem>>, vector<16xf32>,
            %swap3A_328 = vector.shape_cast %swap3A_327 : vector<16xf32> to vector<16xf32>
            %swap3A_329 = vector.shape_cast %mul3A_325 : vector<16xf32> to vector<16xf32>
            tpu.vector_store %arg13[%swap3A_326], %swap3A_329 {strides = array<i32>} : memref<8208xf32, #tpu.memory_space<vmem>>, vector<16xf32>,
            %ne3A_330 = arith.cmpi ne, %squeeze3A_305, %while3A_297 : i32
            %add3A_331 = arith.addf %while3A_299, %get3A_309 : vector<16xf32>
            %select_n3A_332 = arith.select %ne3A_330, %get3A_309, %add3A_331 : vector<16xf32>
            %max3A = arith.maximumf %while3A_300, %get3A_309 : vector<16xf32>
            %select_n3A_333 = arith.select %ne3A_330, %get3A_309, %max3A : vector<16xf32>
            %add3A_334 = arith.constant 1.000000e+00 : f32
            %add3A_335 = arith.addf %while3A_298, %add3A_334 : f32
            %jit3A_336 = arith.constant 1.000000e+00 : f32
            %select_n3A_337 = arith.select %ne3A_330, %jit3A_336, %add3A_335 : f32
            scf.yield %squeeze3A_305, %select_n3A_337, %select_n3A_332, %select_n3A_333 : i32, f32, vector<16xf32>, vector<16xf32>
          }
          %swap3A_288 = arith.constant 0 : index
          %swap3A_289 = tpu.vector_load %arg14[%swap3A_288] {strides = array<i32>} : memref<16xf32, #tpu.memory_space<vmem>>, vector<16xf32>,
          %swap3A_290 = vector.shape_cast %swap3A_289 : vector<16xf32> to vector<16xf32>
          %swap3A_291 = vector.shape_cast %while3A_287#2 : vector<16xf32> to vector<16xf32>
          tpu.vector_store %arg14[%swap3A_288], %swap3A_291 {strides = array<i32>} : memref<16xf32, #tpu.memory_space<vmem>>, vector<16xf32>,
          %swap3A_292 = arith.constant 0 : index
          %swap3A_293 = tpu.vector_load %arg15[%swap3A_292] {strides = array<i32>} : memref<16xf32, #tpu.memory_space<vmem>>, vector<16xf32>,
          %swap3A_294 = vector.shape_cast %swap3A_293 : vector<16xf32> to vector<16xf32>
          %swap3A_295 = vector.shape_cast %while3A_287#3 : vector<16xf32> to vector<16xf32>
          tpu.vector_store %arg15[%swap3A_292], %swap3A_295 {strides = array<i32>} : memref<16xf32, #tpu.memory_space<vmem>>, vector<16xf32>,
          scf.yield %while3A_287#0, %while3A_287#1 : i32, f32
        }
        scf.yield %cond3A_270#0, %cond3A_270#1 : i32, f32
      }
      %scan3A_172 = arith.constant 31 : i32
      %get3A_173 = arith.constant 0 : index
      %get3A_174 = tpu.vector_load %arg14[%get3A_173] {strides = array<i32>} : memref<16xf32, #tpu.memory_space<vmem>>, vector<16xf32>,
      %get3A_175 = vector.shape_cast %get3A_174 : vector<16xf32> to vector<16xf32>
      %get3A_176 = arith.constant 0 : index
      %get3A_177 = tpu.vector_load %arg15[%get3A_176] {strides = array<i32>} : memref<16xf32, #tpu.memory_space<vmem>>, vector<16xf32>,
      %get3A_178 = vector.shape_cast %get3A_177 : vector<16xf32> to vector<16xf32>
      %scan3A_179 = arith.constant 992 : i32
      %scan3A_180 = arith.constant 8 : i32
      %scan3A_181 = arith.addi %scan3A_179, %scan3A_180 : i32
      %scan3A_182 = arith.constant 1 : i32
      %scan3A_183:4 = scf.for %scan3A_251 = %scan3A_179 to %scan3A_181 step %scan3A_182 iter_args(%scan3A_252 = %scan3A_171#0, %scan3A_253 = %scan3A_171#1, %scan3A_254 = %get3A_175, %scan3A_255 = %get3A_178) -> (i32, f32, vector<16xf32>, vector<16xf32>)  : i32 {
        %get3A_256 = arith.index_cast %scan3A_251 : i32 to index
        %get3A_257 = tpu.vector_load %arg8[%get3A_256] {strides = array<i32>} : memref<1016xi32, #tpu.memory_space<vmem>>, vector<16xi32>,
        %get3A_258 = vector.shape_cast %get3A_257 : vector<16xi32> to vector<16xi32>
        %slice3A = vector.extract_strided_slice %get3A_258 {offsets = [0], sizes = [1], strides = [1]} : vector<16xi32> to vector<1xi32>
        %squeeze3A = vector.extract %slice3A[0] : i32 from vector<1xi32>
        %get3A_259 = arith.index_cast %scan3A_251 : i32 to index
        %get3A_260 = arith.constant 0 : index
        %get3A_261 = tpu.vector_load %arg7[%get3A_259, %get3A_260] {strides = array<i32>} : memref<1000x16xf32, #tpu.memory_space<vmem>>, vector<1x16xf32>,
        %get3A_262 = vector.shape_cast %get3A_261 : vector<1x16xf32> to vector<16xf32>
        %add3A_263 = arith.constant 1 : i32
        %add3A_264 = arith.addi %scan3A_252, %add3A_263 : i32
        %mul3A_265 = arith.constant 16 : i32
        %mul3A_266 = arith.muli %add3A_264, %mul3A_265 : i32
        %swap3A_267 = arith.index_cast %mul3A_266 : i32 to index
        %swap3A_268 = tpu.vector_load %arg11[%swap3A_267] {strides = array<i32>} : memref<8208xf32, #tpu.memory_space<vmem>>, vector<16xf32>,
        %swap3A_269 = vector.shape_cast %swap3A_268 : vector<16xf32> to vector<16xf32>
        %swap3A_270 = vector.shape_cast %scan3A_254 : vector<16xf32> to vector<16xf32>
        tpu.vector_store %arg11[%swap3A_267], %swap3A_270 {strides = array<i32>} : memref<8208xf32, #tpu.memory_space<vmem>>, vector<16xf32>,
        %swap3A_271 = arith.index_cast %mul3A_266 : i32 to index
        %swap3A_272 = tpu.vector_load %arg12[%swap3A_271] {strides = array<i32>} : memref<8208xf32, #tpu.memory_space<vmem>>, vector<16xf32>,
        %swap3A_273 = vector.shape_cast %swap3A_272 : vector<16xf32> to vector<16xf32>
        %swap3A_274 = vector.shape_cast %scan3A_255 : vector<16xf32> to vector<16xf32>
        tpu.vector_store %arg12[%swap3A_271], %swap3A_274 {strides = array<i32>} : memref<8208xf32, #tpu.memory_space<vmem>>, vector<16xf32>,
        %broadcast_in_dim3A_275 = arith.constant 1.000000e+00 : f32
        %broadcast_in_dim3A_276 = vector.broadcast %broadcast_in_dim3A_275 : f32 to vector<16xf32>
        %mul3A_277 = vector.broadcast %scan3A_253 : f32 to vector<16xf32>
        %mul3A_278 = arith.mulf %broadcast_in_dim3A_276, %mul3A_277 : vector<16xf32>
        %swap3A_279 = arith.index_cast %mul3A_266 : i32 to index
        %swap3A_280 = tpu.vector_load %arg13[%swap3A_279] {strides = array<i32>} : memref<8208xf32, #tpu.memory_space<vmem>>, vector<16xf32>,
        %swap3A_281 = vector.shape_cast %swap3A_280 : vector<16xf32> to vector<16xf32>
        %swap3A_282 = vector.shape_cast %mul3A_278 : vector<16xf32> to vector<16xf32>
        tpu.vector_store %arg13[%swap3A_279], %swap3A_282 {strides = array<i32>} : memref<8208xf32, #tpu.memory_space<vmem>>, vector<16xf32>,
        %ne3A_283 = arith.cmpi ne, %squeeze3A, %scan3A_252 : i32
        %add3A_284 = arith.addf %scan3A_254, %get3A_262 : vector<16xf32>
        %select_n3A_285 = arith.select %ne3A_283, %get3A_262, %add3A_284 : vector<16xf32>
        %max3A = arith.maximumf %scan3A_255, %get3A_262 : vector<16xf32>
        %select_n3A_286 = arith.select %ne3A_283, %get3A_262, %max3A : vector<16xf32>
        %add3A_287 = arith.constant 1.000000e+00 : f32
        %add3A_288 = arith.addf %scan3A_253, %add3A_287 : f32
        %jit3A_289 = arith.constant 1.000000e+00 : f32
        %select_n3A_290 = arith.select %ne3A_283, %jit3A_289, %add3A_288 : f32
        scf.yield %squeeze3A, %select_n3A_290, %select_n3A_285, %select_n3A_286 : i32, f32, vector<16xf32>, vector<16xf32>
      }
      %scan3A_184 = arith.constant 8 : i32
      %swap3A_185 = arith.constant 0 : index
      %swap3A_186 = tpu.vector_load %arg14[%swap3A_185] {strides = array<i32>} : memref<16xf32, #tpu.memory_space<vmem>>, vector<16xf32>,
      %swap3A_187 = vector.shape_cast %swap3A_186 : vector<16xf32> to vector<16xf32>
      %swap3A_188 = vector.shape_cast %scan3A_183#2 : vector<16xf32> to vector<16xf32>
      tpu.vector_store %arg14[%swap3A_185], %swap3A_188 {strides = array<i32>} : memref<16xf32, #tpu.memory_space<vmem>>, vector<16xf32>,
      %swap3A_189 = arith.constant 0 : index
      %swap3A_190 = tpu.vector_load %arg15[%swap3A_189] {strides = array<i32>} : memref<16xf32, #tpu.memory_space<vmem>>, vector<16xf32>,
      %swap3A_191 = vector.shape_cast %swap3A_190 : vector<16xf32> to vector<16xf32>
      %swap3A_192 = vector.shape_cast %scan3A_183#3 : vector<16xf32> to vector<16xf32>
      tpu.vector_store %arg15[%swap3A_189], %swap3A_192 {strides = array<i32>} : memref<16xf32, #tpu.memory_space<vmem>>, vector<16xf32>,
      %add3A_193 = arith.constant 1 : i32
      %add3A_194 = arith.addi %mul3A_136, %add3A_193 : i32
      %mul3A_195 = arith.constant 1000 : i32
      %mul3A_196 = arith.muli %add3A_194, %mul3A_195 : i32
      %add3A_197 = arith.addi %mul3A_32, %mul3A_196 : i32
      %dma_wait3A_198 = tpu.memref_slice %arg2[%add3A_197, %mul3A_34] : memref<100000x128xf32, #tpu.memory_space<hbm>> -> memref<1000x16xf32, #tpu.memory_space<hbm>>
      %dma_wait3A_199 = tpu.memref_slice %arg2[%add3A_197, %mul3A_34] : memref<100000x128xf32, #tpu.memory_space<hbm>> -> memref<1000x16xf32, #tpu.memory_space<hbm>>
      tpu.wait_dma2 semaphore(%arg17 : memref<!tpu.dma_semaphore, #tpu.memory_space<semaphore_mem>>) src(%dma_wait3A_199 : memref<1000x16xf32, #tpu.memory_space<hbm>>) dst(%arg9 : memref<1000x16xf32, #tpu.memory_space<vmem>>)
      %mul3A_200 = arith.constant 1000 : i32
      %mul3A_201 = arith.muli %add3A_194, %mul3A_200 : i32
      %add3A_202 = arith.addi %mul3A_32, %mul3A_201 : i32
      %dma_wait3A_203 = arith.constant 0 : i32
      %dma_wait3A_204 = tpu.memref_slice %arg10[%dma_wait3A_203] : memref<1016xi32, #tpu.memory_space<vmem>> -> memref<1000xi32, #tpu.memory_space<vmem>>
      %dma_wait3A_205 = tpu.memref_slice %arg3[%add3A_202] : memref<100000xi32, #tpu.memory_space<hbm>> -> memref<1000xi32, #tpu.memory_space<hbm>>
      %dma_wait3A_206 = arith.constant 0 : i32
      %dma_wait3A_207 = tpu.memref_slice %arg10[%dma_wait3A_206] : memref<1016xi32, #tpu.memory_space<vmem>> -> memref<1000xi32, #tpu.memory_space<vmem>>
      %dma_wait3A_208 = tpu.memref_slice %arg3[%add3A_202] : memref<100000xi32, #tpu.memory_space<hbm>> -> memref<1000xi32, #tpu.memory_space<hbm>>
      tpu.wait_dma2 semaphore(%arg17 : memref<!tpu.dma_semaphore, #tpu.memory_space<semaphore_mem>>) src(%dma_wait3A_208 : memref<1000xi32, #tpu.memory_space<hbm>>) dst(%dma_wait3A_207 : memref<1000xi32, #tpu.memory_space<vmem>>)
      %add3A_209 = arith.constant 2 : i32
      %add3A_210 = arith.addi %mul3A_136, %add3A_209 : i32
      %mul3A_211 = arith.constant 1000 : i32
      %mul3A_212 = arith.muli %add3A_210, %mul3A_211 : i32
      %add3A_213 = arith.addi %mul3A_32, %mul3A_212 : i32
      %dma_start3A_214 = tpu.memref_slice %arg2[%add3A_213, %mul3A_34] : memref<100000x128xf32, #tpu.memory_space<hbm>> -> memref<1000x16xf32, #tpu.memory_space<hbm>>
      %dma_start3A_215 = tpu.memref_slice %arg2[%add3A_213, %mul3A_34] : memref<100000x128xf32, #tpu.memory_space<hbm>> -> memref<1000x16xf32, #tpu.memory_space<hbm>>
      tpu.enqueue_dma source(%dma_start3A_215 : memref<1000x16xf32, #tpu.memory_space<hbm>>) target(%arg7 : memref<1000x16xf32, #tpu.memory_space<vmem>>) target_semaphore(%arg16 : memref<!tpu.dma_semaphore, #tpu.memory_space<semaphore_mem>>)
      %mul3A_216 = arith.constant 1000 : i32
      %mul3A_217 = arith.muli %add3A_210, %mul3A_216 : i32
      %add3A_218 = arith.addi %mul3A_32, %mul3A_217 : i32
      %dma_start3A_219 = arith.constant 0 : i32
      %dma_start3A_220 = tpu.memref_slice %arg8[%dma_start3A_219] : memref<1016xi32, #tpu.memory_space<vmem>> -> memref<1000xi32, #tpu.memory_space<vmem>>
      %dma_start3A_221 = tpu.memref_slice %arg3[%add3A_218] : memref<100000xi32, #tpu.memory_space<hbm>> -> memref<1000xi32, #tpu.memory_space<hbm>>
      %dma_start3A_222 = arith.constant 0 : i32
      %dma_start3A_223 = tpu.memref_slice %arg8[%dma_start3A_222] : memref<1016xi32, #tpu.memory_space<vmem>> -> memref<1000xi32, #tpu.memory_space<vmem>>
      %dma_start3A_224 = tpu.memref_slice %arg3[%add3A_218] : memref<100000xi32, #tpu.memory_space<hbm>> -> memref<1000xi32, #tpu.memory_space<hbm>>
      tpu.enqueue_dma source(%dma_start3A_224 : memref<1000xi32, #tpu.memory_space<hbm>>) target(%dma_start3A_223 : memref<1000xi32, #tpu.memory_space<vmem>>) target_semaphore(%arg16 : memref<!tpu.dma_semaphore, #tpu.memory_space<semaphore_mem>>)
      %scan3A_225 = arith.constant 0 : i32
      %scan3A_226 = arith.constant 31 : i32
      %scan3A_227 = arith.addi %scan3A_225, %scan3A_226 : i32
      %scan3A_228 = arith.constant 1 : i32
      %scan3A_229:2 = scf.for %scan3A_251 = %scan3A_225 to %scan3A_227 step %scan3A_228 iter_args(%scan3A_252 = %scan3A_183#0, %scan3A_253 = %scan3A_183#1) -> (i32, f32)  : i32 {
        %mul3A_254 = arith.constant 32 : i32
        %mul3A_255 = arith.muli %scan3A_251, %mul3A_254 : i32
        %get3A_256 = arith.index_cast %mul3A_255 : i32 to index
        %get3A_257 = tpu.vector_load %arg10[%get3A_256] {strides = array<i32>} : memref<1016xi32, #tpu.memory_space<vmem>>, vector<16xi32>,
        %get3A_258 = vector.shape_cast %get3A_257 : vector<16xi32> to vector<16xi32>
        %slice3A = vector.extract_strided_slice %get3A_258 {offsets = [0], sizes = [1], strides = [1]} : vector<16xi32> to vector<1xi32>
        %squeeze3A = vector.extract %slice3A[0] : i32 from vector<1xi32>
        %add3A_259 = arith.constant 16 : i32
        %add3A_260 = arith.addi %mul3A_255, %add3A_259 : i32
        %get3A_261 = arith.index_cast %add3A_260 : i32 to index
        %get3A_262 = tpu.vector_load %arg10[%get3A_261] {strides = array<i32>} : memref<1016xi32, #tpu.memory_space<vmem>>, vector<16xi32>,
        %get3A_263 = vector.shape_cast %get3A_262 : vector<16xi32> to vector<16xi32>
        %slice3A_264 = vector.extract_strided_slice %get3A_263 {offsets = [15], sizes = [1], strides = [1]} : vector<16xi32> to vector<1xi32>
        %squeeze3A_265 = vector.extract %slice3A_264[0] : i32 from vector<1xi32>
        %eq3A_266 = arith.cmpi eq, %squeeze3A, %scan3A_252 : i32
        %eq3A_267 = arith.cmpi eq, %squeeze3A_265, %scan3A_252 : i32
        %and3A_268 = arith.andi %eq3A_266, %eq3A_267 : i1
        %convert_element_type3A = arith.extui %and3A_268 : i1 to i32
        %cond3A = arith.constant 0 : i32
        %cond3A_269 = arith.cmpi ne, %convert_element_type3A, %cond3A : i32
        %cond3A_270:2 = scf.if %cond3A_269 -> (i32, f32) {
          %get3A_271 = arith.constant 0 : index
          %get3A_272 = tpu.vector_load %arg14[%get3A_271] {strides = array<i32>} : memref<16xf32, #tpu.memory_space<vmem>>, vector<16xf32>,
          %get3A_273 = vector.shape_cast %get3A_272 : vector<16xf32> to vector<16xf32>
          %get3A_274 = arith.constant 0 : index
          %get3A_275 = tpu.vector_load %arg15[%get3A_274] {strides = array<i32>} : memref<16xf32, #tpu.memory_space<vmem>>, vector<16xf32>,
          %get3A_276 = vector.shape_cast %get3A_275 : vector<16xf32> to vector<16xf32>
          %add3A_277 = arith.constant 0 : i32
          %add3A_278 = arith.addi %mul3A_255, %add3A_277 : i32
          %get3A_279 = arith.index_cast %add3A_278 : i32 to index
          %get3A_280 = arith.constant 0 : index
          %get3A_281 = tpu.vector_load %arg9[%get3A_279, %get3A_280] {strides = array<i32>} : memref<1000x16xf32, #tpu.memory_space<vmem>>, vector<1x16xf32>,
          %get3A_282 = vector.shape_cast %get3A_281 : vector<1x16xf32> to vector<16xf32>
          %add3A_283 = arith.addf %get3A_273, %get3A_282 : vector<16xf32>
          %max3A = arith.maximumf %get3A_276, %get3A_282 : vector<16xf32>
          %add3A_284 = arith.constant 1 : i32
          %add3A_285 = arith.addi %mul3A_255, %add3A_284 : i32
          %get3A_286 = arith.index_cast %add3A_285 : i32 to index
          %get3A_287 = arith.constant 0 : index
          %get3A_288 = tpu.vector_load %arg9[%get3A_286, %get3A_287] {strides = array<i32>} : memref<1000x16xf32, #tpu.memory_space<vmem>>, vector<1x16xf32>,
          %get3A_289 = vector.shape_cast %get3A_288 : vector<1x16xf32> to vector<16xf32>
          %add3A_290 = arith.addf %add3A_283, %get3A_289 : vector<16xf32>
          %max3A_291 = arith.maximumf %max3A, %get3A_289 : vector<16xf32>
          %add3A_292 = arith.constant 2 : i32
          %add3A_293 = arith.addi %mul3A_255, %add3A_292 : i32
          %get3A_294 = arith.index_cast %add3A_293 : i32 to index
          %get3A_295 = arith.constant 0 : index
          %get3A_296 = tpu.vector_load %arg9[%get3A_294, %get3A_295] {strides = array<i32>} : memref<1000x16xf32, #tpu.memory_space<vmem>>, vector<1x16xf32>,
          %get3A_297 = vector.shape_cast %get3A_296 : vector<1x16xf32> to vector<16xf32>
          %add3A_298 = arith.addf %add3A_290, %get3A_297 : vector<16xf32>
          %max3A_299 = arith.maximumf %max3A_291, %get3A_297 : vector<16xf32>
          %add3A_300 = arith.constant 3 : i32
          %add3A_301 = arith.addi %mul3A_255, %add3A_300 : i32
          %get3A_302 = arith.index_cast %add3A_301 : i32 to index
          %get3A_303 = arith.constant 0 : index
          %get3A_304 = tpu.vector_load %arg9[%get3A_302, %get3A_303] {strides = array<i32>} : memref<1000x16xf32, #tpu.memory_space<vmem>>, vector<1x16xf32>,
          %get3A_305 = vector.shape_cast %get3A_304 : vector<1x16xf32> to vector<16xf32>
          %add3A_306 = arith.addf %add3A_298, %get3A_305 : vector<16xf32>
          %max3A_307 = arith.maximumf %max3A_299, %get3A_305 : vector<16xf32>
          %add3A_308 = arith.constant 4 : i32
          %add3A_309 = arith.addi %mul3A_255, %add3A_308 : i32
          %get3A_310 = arith.index_cast %add3A_309 : i32 to index
          %get3A_311 = arith.constant 0 : index
          %get3A_312 = tpu.vector_load %arg9[%get3A_310, %get3A_311] {strides = array<i32>} : memref<1000x16xf32, #tpu.memory_space<vmem>>, vector<1x16xf32>,
          %get3A_313 = vector.shape_cast %get3A_312 : vector<1x16xf32> to vector<16xf32>
          %add3A_314 = arith.addf %add3A_306, %get3A_313 : vector<16xf32>
          %max3A_315 = arith.maximumf %max3A_307, %get3A_313 : vector<16xf32>
          %add3A_316 = arith.constant 5 : i32
          %add3A_317 = arith.addi %mul3A_255, %add3A_316 : i32
          %get3A_318 = arith.index_cast %add3A_317 : i32 to index
          %get3A_319 = arith.constant 0 : index
          %get3A_320 = tpu.vector_load %arg9[%get3A_318, %get3A_319] {strides = array<i32>} : memref<1000x16xf32, #tpu.memory_space<vmem>>, vector<1x16xf32>,
          %get3A_321 = vector.shape_cast %get3A_320 : vector<1x16xf32> to vector<16xf32>
          %add3A_322 = arith.addf %add3A_314, %get3A_321 : vector<16xf32>
          %max3A_323 = arith.maximumf %max3A_315, %get3A_321 : vector<16xf32>
          %add3A_324 = arith.constant 6 : i32
          %add3A_325 = arith.addi %mul3A_255, %add3A_324 : i32
          %get3A_326 = arith.index_cast %add3A_325 : i32 to index
          %get3A_327 = arith.constant 0 : index
          %get3A_328 = tpu.vector_load %arg9[%get3A_326, %get3A_327] {strides = array<i32>} : memref<1000x16xf32, #tpu.memory_space<vmem>>, vector<1x16xf32>,
          %get3A_329 = vector.shape_cast %get3A_328 : vector<1x16xf32> to vector<16xf32>
          %add3A_330 = arith.addf %add3A_322, %get3A_329 : vector<16xf32>
          %max3A_331 = arith.maximumf %max3A_323, %get3A_329 : vector<16xf32>
          %add3A_332 = arith.constant 7 : i32
          %add3A_333 = arith.addi %mul3A_255, %add3A_332 : i32
          %get3A_334 = arith.index_cast %add3A_333 : i32 to index
          %get3A_335 = arith.constant 0 : index
          %get3A_336 = tpu.vector_load %arg9[%get3A_334, %get3A_335] {strides = array<i32>} : memref<1000x16xf32, #tpu.memory_space<vmem>>, vector<1x16xf32>,
          %get3A_337 = vector.shape_cast %get3A_336 : vector<1x16xf32> to vector<16xf32>
          %add3A_338 = arith.addf %add3A_330, %get3A_337 : vector<16xf32>
          %max3A_339 = arith.maximumf %max3A_331, %get3A_337 : vector<16xf32>
          %add3A_340 = arith.constant 8 : i32
          %add3A_341 = arith.addi %mul3A_255, %add3A_340 : i32
          %get3A_342 = arith.index_cast %add3A_341 : i32 to index
          %get3A_343 = arith.constant 0 : index
          %get3A_344 = tpu.vector_load %arg9[%get3A_342, %get3A_343] {strides = array<i32>} : memref<1000x16xf32, #tpu.memory_space<vmem>>, vector<1x16xf32>,
          %get3A_345 = vector.shape_cast %get3A_344 : vector<1x16xf32> to vector<16xf32>
          %add3A_346 = arith.addf %add3A_338, %get3A_345 : vector<16xf32>
          %max3A_347 = arith.maximumf %max3A_339, %get3A_345 : vector<16xf32>
          %add3A_348 = arith.constant 9 : i32
          %add3A_349 = arith.addi %mul3A_255, %add3A_348 : i32
          %get3A_350 = arith.index_cast %add3A_349 : i32 to index
          %get3A_351 = arith.constant 0 : index
          %get3A_352 = tpu.vector_load %arg9[%get3A_350, %get3A_351] {strides = array<i32>} : memref<1000x16xf32, #tpu.memory_space<vmem>>, vector<1x16xf32>,
          %get3A_353 = vector.shape_cast %get3A_352 : vector<1x16xf32> to vector<16xf32>
          %add3A_354 = arith.addf %add3A_346, %get3A_353 : vector<16xf32>
          %max3A_355 = arith.maximumf %max3A_347, %get3A_353 : vector<16xf32>
          %add3A_356 = arith.constant 10 : i32
          %add3A_357 = arith.addi %mul3A_255, %add3A_356 : i32
          %get3A_358 = arith.index_cast %add3A_357 : i32 to index
          %get3A_359 = arith.constant 0 : index
          %get3A_360 = tpu.vector_load %arg9[%get3A_358, %get3A_359] {strides = array<i32>} : memref<1000x16xf32, #tpu.memory_space<vmem>>, vector<1x16xf32>,
          %get3A_361 = vector.shape_cast %get3A_360 : vector<1x16xf32> to vector<16xf32>
          %add3A_362 = arith.addf %add3A_354, %get3A_361 : vector<16xf32>
          %max3A_363 = arith.maximumf %max3A_355, %get3A_361 : vector<16xf32>
          %add3A_364 = arith.constant 11 : i32
          %add3A_365 = arith.addi %mul3A_255, %add3A_364 : i32
          %get3A_366 = arith.index_cast %add3A_365 : i32 to index
          %get3A_367 = arith.constant 0 : index
          %get3A_368 = tpu.vector_load %arg9[%get3A_366, %get3A_367] {strides = array<i32>} : memref<1000x16xf32, #tpu.memory_space<vmem>>, vector<1x16xf32>,
          %get3A_369 = vector.shape_cast %get3A_368 : vector<1x16xf32> to vector<16xf32>
          %add3A_370 = arith.addf %add3A_362, %get3A_369 : vector<16xf32>
          %max3A_371 = arith.maximumf %max3A_363, %get3A_369 : vector<16xf32>
          %add3A_372 = arith.constant 12 : i32
          %add3A_373 = arith.addi %mul3A_255, %add3A_372 : i32
          %get3A_374 = arith.index_cast %add3A_373 : i32 to index
          %get3A_375 = arith.constant 0 : index
          %get3A_376 = tpu.vector_load %arg9[%get3A_374, %get3A_375] {strides = array<i32>} : memref<1000x16xf32, #tpu.memory_space<vmem>>, vector<1x16xf32>,
          %get3A_377 = vector.shape_cast %get3A_376 : vector<1x16xf32> to vector<16xf32>
          %add3A_378 = arith.addf %add3A_370, %get3A_377 : vector<16xf32>
          %max3A_379 = arith.maximumf %max3A_371, %get3A_377 : vector<16xf32>
          %add3A_380 = arith.constant 13 : i32
          %add3A_381 = arith.addi %mul3A_255, %add3A_380 : i32
          %get3A_382 = arith.index_cast %add3A_381 : i32 to index
          %get3A_383 = arith.constant 0 : index
          %get3A_384 = tpu.vector_load %arg9[%get3A_382, %get3A_383] {strides = array<i32>} : memref<1000x16xf32, #tpu.memory_space<vmem>>, vector<1x16xf32>,
          %get3A_385 = vector.shape_cast %get3A_384 : vector<1x16xf32> to vector<16xf32>
          %add3A_386 = arith.addf %add3A_378, %get3A_385 : vector<16xf32>
          %max3A_387 = arith.maximumf %max3A_379, %get3A_385 : vector<16xf32>
          %add3A_388 = arith.constant 14 : i32
          %add3A_389 = arith.addi %mul3A_255, %add3A_388 : i32
          %get3A_390 = arith.index_cast %add3A_389 : i32 to index
          %get3A_391 = arith.constant 0 : index
          %get3A_392 = tpu.vector_load %arg9[%get3A_390, %get3A_391] {strides = array<i32>} : memref<1000x16xf32, #tpu.memory_space<vmem>>, vector<1x16xf32>,
          %get3A_393 = vector.shape_cast %get3A_392 : vector<1x16xf32> to vector<16xf32>
          %add3A_394 = arith.addf %add3A_386, %get3A_393 : vector<16xf32>
          %max3A_395 = arith.maximumf %max3A_387, %get3A_393 : vector<16xf32>
          %add3A_396 = arith.constant 15 : i32
          %add3A_397 = arith.addi %mul3A_255, %add3A_396 : i32
          %get3A_398 = arith.index_cast %add3A_397 : i32 to index
          %get3A_399 = arith.constant 0 : index
          %get3A_400 = tpu.vector_load %arg9[%get3A_398, %get3A_399] {strides = array<i32>} : memref<1000x16xf32, #tpu.memory_space<vmem>>, vector<1x16xf32>,
          %get3A_401 = vector.shape_cast %get3A_400 : vector<1x16xf32> to vector<16xf32>
          %add3A_402 = arith.addf %add3A_394, %get3A_401 : vector<16xf32>
          %max3A_403 = arith.maximumf %max3A_395, %get3A_401 : vector<16xf32>
          %add3A_404 = arith.constant 16 : i32
          %add3A_405 = arith.addi %mul3A_255, %add3A_404 : i32
          %get3A_406 = arith.index_cast %add3A_405 : i32 to index
          %get3A_407 = arith.constant 0 : index
          %get3A_408 = tpu.vector_load %arg9[%get3A_406, %get3A_407] {strides = array<i32>} : memref<1000x16xf32, #tpu.memory_space<vmem>>, vector<1x16xf32>,
          %get3A_409 = vector.shape_cast %get3A_408 : vector<1x16xf32> to vector<16xf32>
          %add3A_410 = arith.addf %add3A_402, %get3A_409 : vector<16xf32>
          %max3A_411 = arith.maximumf %max3A_403, %get3A_409 : vector<16xf32>
          %add3A_412 = arith.constant 17 : i32
          %add3A_413 = arith.addi %mul3A_255, %add3A_412 : i32
          %get3A_414 = arith.index_cast %add3A_413 : i32 to index
          %get3A_415 = arith.constant 0 : index
          %get3A_416 = tpu.vector_load %arg9[%get3A_414, %get3A_415] {strides = array<i32>} : memref<1000x16xf32, #tpu.memory_space<vmem>>, vector<1x16xf32>,
          %get3A_417 = vector.shape_cast %get3A_416 : vector<1x16xf32> to vector<16xf32>
          %add3A_418 = arith.addf %add3A_410, %get3A_417 : vector<16xf32>
          %max3A_419 = arith.maximumf %max3A_411, %get3A_417 : vector<16xf32>
          %add3A_420 = arith.constant 18 : i32
          %add3A_421 = arith.addi %mul3A_255, %add3A_420 : i32
          %get3A_422 = arith.index_cast %add3A_421 : i32 to index
          %get3A_423 = arith.constant 0 : index
          %get3A_424 = tpu.vector_load %arg9[%get3A_422, %get3A_423] {strides = array<i32>} : memref<1000x16xf32, #tpu.memory_space<vmem>>, vector<1x16xf32>,
          %get3A_425 = vector.shape_cast %get3A_424 : vector<1x16xf32> to vector<16xf32>
          %add3A_426 = arith.addf %add3A_418, %get3A_425 : vector<16xf32>
          %max3A_427 = arith.maximumf %max3A_419, %get3A_425 : vector<16xf32>
          %add3A_428 = arith.constant 19 : i32
          %add3A_429 = arith.addi %mul3A_255, %add3A_428 : i32
          %get3A_430 = arith.index_cast %add3A_429 : i32 to index
          %get3A_431 = arith.constant 0 : index
          %get3A_432 = tpu.vector_load %arg9[%get3A_430, %get3A_431] {strides = array<i32>} : memref<1000x16xf32, #tpu.memory_space<vmem>>, vector<1x16xf32>,
          %get3A_433 = vector.shape_cast %get3A_432 : vector<1x16xf32> to vector<16xf32>
          %add3A_434 = arith.addf %add3A_426, %get3A_433 : vector<16xf32>
          %max3A_435 = arith.maximumf %max3A_427, %get3A_433 : vector<16xf32>
          %add3A_436 = arith.constant 20 : i32
          %add3A_437 = arith.addi %mul3A_255, %add3A_436 : i32
          %get3A_438 = arith.index_cast %add3A_437 : i32 to index
          %get3A_439 = arith.constant 0 : index
          %get3A_440 = tpu.vector_load %arg9[%get3A_438, %get3A_439] {strides = array<i32>} : memref<1000x16xf32, #tpu.memory_space<vmem>>, vector<1x16xf32>,
          %get3A_441 = vector.shape_cast %get3A_440 : vector<1x16xf32> to vector<16xf32>
          %add3A_442 = arith.addf %add3A_434, %get3A_441 : vector<16xf32>
          %max3A_443 = arith.maximumf %max3A_435, %get3A_441 : vector<16xf32>
          %add3A_444 = arith.constant 21 : i32
          %add3A_445 = arith.addi %mul3A_255, %add3A_444 : i32
          %get3A_446 = arith.index_cast %add3A_445 : i32 to index
          %get3A_447 = arith.constant 0 : index
          %get3A_448 = tpu.vector_load %arg9[%get3A_446, %get3A_447] {strides = array<i32>} : memref<1000x16xf32, #tpu.memory_space<vmem>>, vector<1x16xf32>,
          %get3A_449 = vector.shape_cast %get3A_448 : vector<1x16xf32> to vector<16xf32>
          %add3A_450 = arith.addf %add3A_442, %get3A_449 : vector<16xf32>
          %max3A_451 = arith.maximumf %max3A_443, %get3A_449 : vector<16xf32>
          %add3A_452 = arith.constant 22 : i32
          %add3A_453 = arith.addi %mul3A_255, %add3A_452 : i32
          %get3A_454 = arith.index_cast %add3A_453 : i32 to index
          %get3A_455 = arith.constant 0 : index
          %get3A_456 = tpu.vector_load %arg9[%get3A_454, %get3A_455] {strides = array<i32>} : memref<1000x16xf32, #tpu.memory_space<vmem>>, vector<1x16xf32>,
          %get3A_457 = vector.shape_cast %get3A_456 : vector<1x16xf32> to vector<16xf32>
          %add3A_458 = arith.addf %add3A_450, %get3A_457 : vector<16xf32>
          %max3A_459 = arith.maximumf %max3A_451, %get3A_457 : vector<16xf32>
          %add3A_460 = arith.constant 23 : i32
          %add3A_461 = arith.addi %mul3A_255, %add3A_460 : i32
          %get3A_462 = arith.index_cast %add3A_461 : i32 to index
          %get3A_463 = arith.constant 0 : index
          %get3A_464 = tpu.vector_load %arg9[%get3A_462, %get3A_463] {strides = array<i32>} : memref<1000x16xf32, #tpu.memory_space<vmem>>, vector<1x16xf32>,
          %get3A_465 = vector.shape_cast %get3A_464 : vector<1x16xf32> to vector<16xf32>
          %add3A_466 = arith.addf %add3A_458, %get3A_465 : vector<16xf32>
          %max3A_467 = arith.maximumf %max3A_459, %get3A_465 : vector<16xf32>
          %add3A_468 = arith.constant 24 : i32
          %add3A_469 = arith.addi %mul3A_255, %add3A_468 : i32
          %get3A_470 = arith.index_cast %add3A_469 : i32 to index
          %get3A_471 = arith.constant 0 : index
          %get3A_472 = tpu.vector_load %arg9[%get3A_470, %get3A_471] {strides = array<i32>} : memref<1000x16xf32, #tpu.memory_space<vmem>>, vector<1x16xf32>,
          %get3A_473 = vector.shape_cast %get3A_472 : vector<1x16xf32> to vector<16xf32>
          %add3A_474 = arith.addf %add3A_466, %get3A_473 : vector<16xf32>
          %max3A_475 = arith.maximumf %max3A_467, %get3A_473 : vector<16xf32>
          %add3A_476 = arith.constant 25 : i32
          %add3A_477 = arith.addi %mul3A_255, %add3A_476 : i32
          %get3A_478 = arith.index_cast %add3A_477 : i32 to index
          %get3A_479 = arith.constant 0 : index
          %get3A_480 = tpu.vector_load %arg9[%get3A_478, %get3A_479] {strides = array<i32>} : memref<1000x16xf32, #tpu.memory_space<vmem>>, vector<1x16xf32>,
          %get3A_481 = vector.shape_cast %get3A_480 : vector<1x16xf32> to vector<16xf32>
          %add3A_482 = arith.addf %add3A_474, %get3A_481 : vector<16xf32>
          %max3A_483 = arith.maximumf %max3A_475, %get3A_481 : vector<16xf32>
          %add3A_484 = arith.constant 26 : i32
          %add3A_485 = arith.addi %mul3A_255, %add3A_484 : i32
          %get3A_486 = arith.index_cast %add3A_485 : i32 to index
          %get3A_487 = arith.constant 0 : index
          %get3A_488 = tpu.vector_load %arg9[%get3A_486, %get3A_487] {strides = array<i32>} : memref<1000x16xf32, #tpu.memory_space<vmem>>, vector<1x16xf32>,
          %get3A_489 = vector.shape_cast %get3A_488 : vector<1x16xf32> to vector<16xf32>
          %add3A_490 = arith.addf %add3A_482, %get3A_489 : vector<16xf32>
          %max3A_491 = arith.maximumf %max3A_483, %get3A_489 : vector<16xf32>
          %add3A_492 = arith.constant 27 : i32
          %add3A_493 = arith.addi %mul3A_255, %add3A_492 : i32
          %get3A_494 = arith.index_cast %add3A_493 : i32 to index
          %get3A_495 = arith.constant 0 : index
          %get3A_496 = tpu.vector_load %arg9[%get3A_494, %get3A_495] {strides = array<i32>} : memref<1000x16xf32, #tpu.memory_space<vmem>>, vector<1x16xf32>,
          %get3A_497 = vector.shape_cast %get3A_496 : vector<1x16xf32> to vector<16xf32>
          %add3A_498 = arith.addf %add3A_490, %get3A_497 : vector<16xf32>
          %max3A_499 = arith.maximumf %max3A_491, %get3A_497 : vector<16xf32>
          %add3A_500 = arith.constant 28 : i32
          %add3A_501 = arith.addi %mul3A_255, %add3A_500 : i32
          %get3A_502 = arith.index_cast %add3A_501 : i32 to index
          %get3A_503 = arith.constant 0 : index
          %get3A_504 = tpu.vector_load %arg9[%get3A_502, %get3A_503] {strides = array<i32>} : memref<1000x16xf32, #tpu.memory_space<vmem>>, vector<1x16xf32>,
          %get3A_505 = vector.shape_cast %get3A_504 : vector<1x16xf32> to vector<16xf32>
          %add3A_506 = arith.addf %add3A_498, %get3A_505 : vector<16xf32>
          %max3A_507 = arith.maximumf %max3A_499, %get3A_505 : vector<16xf32>
          %add3A_508 = arith.constant 29 : i32
          %add3A_509 = arith.addi %mul3A_255, %add3A_508 : i32
          %get3A_510 = arith.index_cast %add3A_509 : i32 to index
          %get3A_511 = arith.constant 0 : index
          %get3A_512 = tpu.vector_load %arg9[%get3A_510, %get3A_511] {strides = array<i32>} : memref<1000x16xf32, #tpu.memory_space<vmem>>, vector<1x16xf32>,
          %get3A_513 = vector.shape_cast %get3A_512 : vector<1x16xf32> to vector<16xf32>
          %add3A_514 = arith.addf %add3A_506, %get3A_513 : vector<16xf32>
          %max3A_515 = arith.maximumf %max3A_507, %get3A_513 : vector<16xf32>
          %add3A_516 = arith.constant 30 : i32
          %add3A_517 = arith.addi %mul3A_255, %add3A_516 : i32
          %get3A_518 = arith.index_cast %add3A_517 : i32 to index
          %get3A_519 = arith.constant 0 : index
          %get3A_520 = tpu.vector_load %arg9[%get3A_518, %get3A_519] {strides = array<i32>} : memref<1000x16xf32, #tpu.memory_space<vmem>>, vector<1x16xf32>,
          %get3A_521 = vector.shape_cast %get3A_520 : vector<1x16xf32> to vector<16xf32>
          %add3A_522 = arith.addf %add3A_514, %get3A_521 : vector<16xf32>
          %max3A_523 = arith.maximumf %max3A_515, %get3A_521 : vector<16xf32>
          %add3A_524 = arith.constant 31 : i32
          %add3A_525 = arith.addi %mul3A_255, %add3A_524 : i32
          %get3A_526 = arith.index_cast %add3A_525 : i32 to index
          %get3A_527 = arith.constant 0 : index
          %get3A_528 = tpu.vector_load %arg9[%get3A_526, %get3A_527] {strides = array<i32>} : memref<1000x16xf32, #tpu.memory_space<vmem>>, vector<1x16xf32>,
          %get3A_529 = vector.shape_cast %get3A_528 : vector<1x16xf32> to vector<16xf32>
          %add3A_530 = arith.addf %add3A_522, %get3A_529 : vector<16xf32>
          %max3A_531 = arith.maximumf %max3A_523, %get3A_529 : vector<16xf32>
          %swap3A_532 = arith.constant 0 : index
          %swap3A_533 = tpu.vector_load %arg14[%swap3A_532] {strides = array<i32>} : memref<16xf32, #tpu.memory_space<vmem>>, vector<16xf32>,
          %swap3A_534 = vector.shape_cast %swap3A_533 : vector<16xf32> to vector<16xf32>
          %swap3A_535 = vector.shape_cast %add3A_530 : vector<16xf32> to vector<16xf32>
          tpu.vector_store %arg14[%swap3A_532], %swap3A_535 {strides = array<i32>} : memref<16xf32, #tpu.memory_space<vmem>>, vector<16xf32>,
          %swap3A_536 = arith.constant 0 : index
          %swap3A_537 = tpu.vector_load %arg15[%swap3A_536] {strides = array<i32>} : memref<16xf32, #tpu.memory_space<vmem>>, vector<16xf32>,
          %swap3A_538 = vector.shape_cast %swap3A_537 : vector<16xf32> to vector<16xf32>
          %swap3A_539 = vector.shape_cast %max3A_531 : vector<16xf32> to vector<16xf32>
          tpu.vector_store %arg15[%swap3A_536], %swap3A_539 {strides = array<i32>} : memref<16xf32, #tpu.memory_space<vmem>>, vector<16xf32>,
          %add3A_540 = arith.constant 3.200000e+01 : f32
          %add3A_541 = arith.addf %scan3A_253, %add3A_540 : f32
          scf.yield %scan3A_252, %add3A_541 : i32, f32
        } else {
          %add3A_271 = arith.constant 32 : i32
          %add3A_272 = arith.addi %mul3A_255, %add3A_271 : i32
          %get3A_273 = arith.constant 0 : index
          %get3A_274 = tpu.vector_load %arg14[%get3A_273] {strides = array<i32>} : memref<16xf32, #tpu.memory_space<vmem>>, vector<16xf32>,
          %get3A_275 = vector.shape_cast %get3A_274 : vector<16xf32> to vector<16xf32>
          %get3A_276 = arith.constant 0 : index
          %get3A_277 = tpu.vector_load %arg15[%get3A_276] {strides = array<i32>} : memref<16xf32, #tpu.memory_space<vmem>>, vector<16xf32>,
          %get3A_278 = vector.shape_cast %get3A_277 : vector<16xf32> to vector<16xf32>
          %while3A = arith.subi %add3A_272, %mul3A_255 : i32
          %while3A_279 = arith.addi %mul3A_255, %while3A : i32
          %while3A_280 = arith.constant 1 : i32
          %while3A_281 = arith.divsi %while3A, %while3A_280 : i32
          %while3A_282 = arith.muli %while3A_281, %while3A_280 : i32
          %while3A_283 = arith.addi %mul3A_255, %while3A_282 : i32
          %while3A_284 = arith.constant 1 : i32
          %while3A_285:4 = scf.for %while3A_296 = %mul3A_255 to %while3A_283 step %while3A_284 iter_args(%while3A_297 = %scan3A_252, %while3A_298 = %scan3A_253, %while3A_299 = %get3A_275, %while3A_300 = %get3A_278) -> (i32, f32, vector<16xf32>, vector<16xf32>)  : i32 {
            %get3A_301 = arith.index_cast %while3A_296 : i32 to index
            %get3A_302 = tpu.vector_load %arg10[%get3A_301] {strides = array<i32>} : memref<1016xi32, #tpu.memory_space<vmem>>, vector<16xi32>,
            %get3A_303 = vector.shape_cast %get3A_302 : vector<16xi32> to vector<16xi32>
            %slice3A_304 = vector.extract_strided_slice %get3A_303 {offsets = [0], sizes = [1], strides = [1]} : vector<16xi32> to vector<1xi32>
            %squeeze3A_305 = vector.extract %slice3A_304[0] : i32 from vector<1xi32>
            %get3A_306 = arith.index_cast %while3A_296 : i32 to index
            %get3A_307 = arith.constant 0 : index
            %get3A_308 = tpu.vector_load %arg9[%get3A_306, %get3A_307] {strides = array<i32>} : memref<1000x16xf32, #tpu.memory_space<vmem>>, vector<1x16xf32>,
            %get3A_309 = vector.shape_cast %get3A_308 : vector<1x16xf32> to vector<16xf32>
            %add3A_310 = arith.constant 1 : i32
            %add3A_311 = arith.addi %while3A_297, %add3A_310 : i32
            %mul3A_312 = arith.constant 16 : i32
            %mul3A_313 = arith.muli %add3A_311, %mul3A_312 : i32
            %swap3A_314 = arith.index_cast %mul3A_313 : i32 to index
            %swap3A_315 = tpu.vector_load %arg11[%swap3A_314] {strides = array<i32>} : memref<8208xf32, #tpu.memory_space<vmem>>, vector<16xf32>,
            %swap3A_316 = vector.shape_cast %swap3A_315 : vector<16xf32> to vector<16xf32>
            %swap3A_317 = vector.shape_cast %while3A_299 : vector<16xf32> to vector<16xf32>
            tpu.vector_store %arg11[%swap3A_314], %swap3A_317 {strides = array<i32>} : memref<8208xf32, #tpu.memory_space<vmem>>, vector<16xf32>,
            %swap3A_318 = arith.index_cast %mul3A_313 : i32 to index
            %swap3A_319 = tpu.vector_load %arg12[%swap3A_318] {strides = array<i32>} : memref<8208xf32, #tpu.memory_space<vmem>>, vector<16xf32>,
            %swap3A_320 = vector.shape_cast %swap3A_319 : vector<16xf32> to vector<16xf32>
            %swap3A_321 = vector.shape_cast %while3A_300 : vector<16xf32> to vector<16xf32>
            tpu.vector_store %arg12[%swap3A_318], %swap3A_321 {strides = array<i32>} : memref<8208xf32, #tpu.memory_space<vmem>>, vector<16xf32>,
            %broadcast_in_dim3A_322 = arith.constant 1.000000e+00 : f32
            %broadcast_in_dim3A_323 = vector.broadcast %broadcast_in_dim3A_322 : f32 to vector<16xf32>
            %mul3A_324 = vector.broadcast %while3A_298 : f32 to vector<16xf32>
            %mul3A_325 = arith.mulf %broadcast_in_dim3A_323, %mul3A_324 : vector<16xf32>
            %swap3A_326 = arith.index_cast %mul3A_313 : i32 to index
            %swap3A_327 = tpu.vector_load %arg13[%swap3A_326] {strides = array<i32>} : memref<8208xf32, #tpu.memory_space<vmem>>, vector<16xf32>,
            %swap3A_328 = vector.shape_cast %swap3A_327 : vector<16xf32> to vector<16xf32>
            %swap3A_329 = vector.shape_cast %mul3A_325 : vector<16xf32> to vector<16xf32>
            tpu.vector_store %arg13[%swap3A_326], %swap3A_329 {strides = array<i32>} : memref<8208xf32, #tpu.memory_space<vmem>>, vector<16xf32>,
            %ne3A_330 = arith.cmpi ne, %squeeze3A_305, %while3A_297 : i32
            %add3A_331 = arith.addf %while3A_299, %get3A_309 : vector<16xf32>
            %select_n3A_332 = arith.select %ne3A_330, %get3A_309, %add3A_331 : vector<16xf32>
            %max3A = arith.maximumf %while3A_300, %get3A_309 : vector<16xf32>
            %select_n3A_333 = arith.select %ne3A_330, %get3A_309, %max3A : vector<16xf32>
            %add3A_334 = arith.constant 1.000000e+00 : f32
            %add3A_335 = arith.addf %while3A_298, %add3A_334 : f32
            %jit3A_336 = arith.constant 1.000000e+00 : f32
            %select_n3A_337 = arith.select %ne3A_330, %jit3A_336, %add3A_335 : f32
            scf.yield %squeeze3A_305, %select_n3A_337, %select_n3A_332, %select_n3A_333 : i32, f32, vector<16xf32>, vector<16xf32>
          }
          %while3A_286 = arith.constant 1 : i32
          %while3A_287:4 = scf.for %while3A_296 = %while3A_283 to %while3A_279 step %while3A_286 iter_args(%while3A_297 = %while3A_285#0, %while3A_298 = %while3A_285#1, %while3A_299 = %while3A_285#2, %while3A_300 = %while3A_285#3) -> (i32, f32, vector<16xf32>, vector<16xf32>)  : i32 {
            %get3A_301 = arith.index_cast %while3A_296 : i32 to index
            %get3A_302 = tpu.vector_load %arg10[%get3A_301] {strides = array<i32>} : memref<1016xi32, #tpu.memory_space<vmem>>, vector<16xi32>,
            %get3A_303 = vector.shape_cast %get3A_302 : vector<16xi32> to vector<16xi32>
            %slice3A_304 = vector.extract_strided_slice %get3A_303 {offsets = [0], sizes = [1], strides = [1]} : vector<16xi32> to vector<1xi32>
            %squeeze3A_305 = vector.extract %slice3A_304[0] : i32 from vector<1xi32>
            %get3A_306 = arith.index_cast %while3A_296 : i32 to index
            %get3A_307 = arith.constant 0 : index
            %get3A_308 = tpu.vector_load %arg9[%get3A_306, %get3A_307] {strides = array<i32>} : memref<1000x16xf32, #tpu.memory_space<vmem>>, vector<1x16xf32>,
            %get3A_309 = vector.shape_cast %get3A_308 : vector<1x16xf32> to vector<16xf32>
            %add3A_310 = arith.constant 1 : i32
            %add3A_311 = arith.addi %while3A_297, %add3A_310 : i32
            %mul3A_312 = arith.constant 16 : i32
            %mul3A_313 = arith.muli %add3A_311, %mul3A_312 : i32
            %swap3A_314 = arith.index_cast %mul3A_313 : i32 to index
            %swap3A_315 = tpu.vector_load %arg11[%swap3A_314] {strides = array<i32>} : memref<8208xf32, #tpu.memory_space<vmem>>, vector<16xf32>,
            %swap3A_316 = vector.shape_cast %swap3A_315 : vector<16xf32> to vector<16xf32>
            %swap3A_317 = vector.shape_cast %while3A_299 : vector<16xf32> to vector<16xf32>
            tpu.vector_store %arg11[%swap3A_314], %swap3A_317 {strides = array<i32>} : memref<8208xf32, #tpu.memory_space<vmem>>, vector<16xf32>,
            %swap3A_318 = arith.index_cast %mul3A_313 : i32 to index
            %swap3A_319 = tpu.vector_load %arg12[%swap3A_318] {strides = array<i32>} : memref<8208xf32, #tpu.memory_space<vmem>>, vector<16xf32>,
            %swap3A_320 = vector.shape_cast %swap3A_319 : vector<16xf32> to vector<16xf32>
            %swap3A_321 = vector.shape_cast %while3A_300 : vector<16xf32> to vector<16xf32>
            tpu.vector_store %arg12[%swap3A_318], %swap3A_321 {strides = array<i32>} : memref<8208xf32, #tpu.memory_space<vmem>>, vector<16xf32>,
            %broadcast_in_dim3A_322 = arith.constant 1.000000e+00 : f32
            %broadcast_in_dim3A_323 = vector.broadcast %broadcast_in_dim3A_322 : f32 to vector<16xf32>
            %mul3A_324 = vector.broadcast %while3A_298 : f32 to vector<16xf32>
            %mul3A_325 = arith.mulf %broadcast_in_dim3A_323, %mul3A_324 : vector<16xf32>
            %swap3A_326 = arith.index_cast %mul3A_313 : i32 to index
            %swap3A_327 = tpu.vector_load %arg13[%swap3A_326] {strides = array<i32>} : memref<8208xf32, #tpu.memory_space<vmem>>, vector<16xf32>,
            %swap3A_328 = vector.shape_cast %swap3A_327 : vector<16xf32> to vector<16xf32>
            %swap3A_329 = vector.shape_cast %mul3A_325 : vector<16xf32> to vector<16xf32>
            tpu.vector_store %arg13[%swap3A_326], %swap3A_329 {strides = array<i32>} : memref<8208xf32, #tpu.memory_space<vmem>>, vector<16xf32>,
            %ne3A_330 = arith.cmpi ne, %squeeze3A_305, %while3A_297 : i32
            %add3A_331 = arith.addf %while3A_299, %get3A_309 : vector<16xf32>
            %select_n3A_332 = arith.select %ne3A_330, %get3A_309, %add3A_331 : vector<16xf32>
            %max3A = arith.maximumf %while3A_300, %get3A_309 : vector<16xf32>
            %select_n3A_333 = arith.select %ne3A_330, %get3A_309, %max3A : vector<16xf32>
            %add3A_334 = arith.constant 1.000000e+00 : f32
            %add3A_335 = arith.addf %while3A_298, %add3A_334 : f32
            %jit3A_336 = arith.constant 1.000000e+00 : f32
            %select_n3A_337 = arith.select %ne3A_330, %jit3A_336, %add3A_335 : f32
            scf.yield %squeeze3A_305, %select_n3A_337, %select_n3A_332, %select_n3A_333 : i32, f32, vector<16xf32>, vector<16xf32>
          }
          %swap3A_288 = arith.constant 0 : index
          %swap3A_289 = tpu.vector_load %arg14[%swap3A_288] {strides = array<i32>} : memref<16xf32, #tpu.memory_space<vmem>>, vector<16xf32>,
          %swap3A_290 = vector.shape_cast %swap3A_289 : vector<16xf32> to vector<16xf32>
          %swap3A_291 = vector.shape_cast %while3A_287#2 : vector<16xf32> to vector<16xf32>
          tpu.vector_store %arg14[%swap3A_288], %swap3A_291 {strides = array<i32>} : memref<16xf32, #tpu.memory_space<vmem>>, vector<16xf32>,
          %swap3A_292 = arith.constant 0 : index
          %swap3A_293 = tpu.vector_load %arg15[%swap3A_292] {strides = array<i32>} : memref<16xf32, #tpu.memory_space<vmem>>, vector<16xf32>,
          %swap3A_294 = vector.shape_cast %swap3A_293 : vector<16xf32> to vector<16xf32>
          %swap3A_295 = vector.shape_cast %while3A_287#3 : vector<16xf32> to vector<16xf32>
          tpu.vector_store %arg15[%swap3A_292], %swap3A_295 {strides = array<i32>} : memref<16xf32, #tpu.memory_space<vmem>>, vector<16xf32>,
          scf.yield %while3A_287#0, %while3A_287#1 : i32, f32
        }
        scf.yield %cond3A_270#0, %cond3A_270#1 : i32, f32
      }
      %scan3A_230 = arith.constant 31 : i32
      %get3A_231 = arith.constant 0 : index
      %get3A_232 = tpu.vector_load %arg14[%get3A_231] {strides = array<i32>} : memref<16xf32, #tpu.memory_space<vmem>>, vector<16xf32>,
      %get3A_233 = vector.shape_cast %get3A_232 : vector<16xf32> to vector<16xf32>
      %get3A_234 = arith.constant 0 : index
      %get3A_235 = tpu.vector_load %arg15[%get3A_234] {strides = array<i32>} : memref<16xf32, #tpu.memory_space<vmem>>, vector<16xf32>,
      %get3A_236 = vector.shape_cast %get3A_235 : vector<16xf32> to vector<16xf32>
      %scan3A_237 = arith.constant 992 : i32
      %scan3A_238 = arith.constant 8 : i32
      %scan3A_239 = arith.addi %scan3A_237, %scan3A_238 : i32
      %scan3A_240 = arith.constant 1 : i32
      %scan3A_241:4 = scf.for %scan3A_251 = %scan3A_237 to %scan3A_239 step %scan3A_240 iter_args(%scan3A_252 = %scan3A_229#0, %scan3A_253 = %scan3A_229#1, %scan3A_254 = %get3A_233, %scan3A_255 = %get3A_236) -> (i32, f32, vector<16xf32>, vector<16xf32>)  : i32 {
        %get3A_256 = arith.index_cast %scan3A_251 : i32 to index
        %get3A_257 = tpu.vector_load %arg10[%get3A_256] {strides = array<i32>} : memref<1016xi32, #tpu.memory_space<vmem>>, vector<16xi32>,
        %get3A_258 = vector.shape_cast %get3A_257 : vector<16xi32> to vector<16xi32>
        %slice3A = vector.extract_strided_slice %get3A_258 {offsets = [0], sizes = [1], strides = [1]} : vector<16xi32> to vector<1xi32>
        %squeeze3A = vector.extract %slice3A[0] : i32 from vector<1xi32>
        %get3A_259 = arith.index_cast %scan3A_251 : i32 to index
        %get3A_260 = arith.constant 0 : index
        %get3A_261 = tpu.vector_load %arg9[%get3A_259, %get3A_260] {strides = array<i32>} : memref<1000x16xf32, #tpu.memory_space<vmem>>, vector<1x16xf32>,
        %get3A_262 = vector.shape_cast %get3A_261 : vector<1x16xf32> to vector<16xf32>
        %add3A_263 = arith.constant 1 : i32
        %add3A_264 = arith.addi %scan3A_252, %add3A_263 : i32
        %mul3A_265 = arith.constant 16 : i32
        %mul3A_266 = arith.muli %add3A_264, %mul3A_265 : i32
        %swap3A_267 = arith.index_cast %mul3A_266 : i32 to index
        %swap3A_268 = tpu.vector_load %arg11[%swap3A_267] {strides = array<i32>} : memref<8208xf32, #tpu.memory_space<vmem>>, vector<16xf32>,
        %swap3A_269 = vector.shape_cast %swap3A_268 : vector<16xf32> to vector<16xf32>
        %swap3A_270 = vector.shape_cast %scan3A_254 : vector<16xf32> to vector<16xf32>
        tpu.vector_store %arg11[%swap3A_267], %swap3A_270 {strides = array<i32>} : memref<8208xf32, #tpu.memory_space<vmem>>, vector<16xf32>,
        %swap3A_271 = arith.index_cast %mul3A_266 : i32 to index
        %swap3A_272 = tpu.vector_load %arg12[%swap3A_271] {strides = array<i32>} : memref<8208xf32, #tpu.memory_space<vmem>>, vector<16xf32>,
        %swap3A_273 = vector.shape_cast %swap3A_272 : vector<16xf32> to vector<16xf32>
        %swap3A_274 = vector.shape_cast %scan3A_255 : vector<16xf32> to vector<16xf32>
        tpu.vector_store %arg12[%swap3A_271], %swap3A_274 {strides = array<i32>} : memref<8208xf32, #tpu.memory_space<vmem>>, vector<16xf32>,
        %broadcast_in_dim3A_275 = arith.constant 1.000000e+00 : f32
        %broadcast_in_dim3A_276 = vector.broadcast %broadcast_in_dim3A_275 : f32 to vector<16xf32>
        %mul3A_277 = vector.broadcast %scan3A_253 : f32 to vector<16xf32>
        %mul3A_278 = arith.mulf %broadcast_in_dim3A_276, %mul3A_277 : vector<16xf32>
        %swap3A_279 = arith.index_cast %mul3A_266 : i32 to index
        %swap3A_280 = tpu.vector_load %arg13[%swap3A_279] {strides = array<i32>} : memref<8208xf32, #tpu.memory_space<vmem>>, vector<16xf32>,
        %swap3A_281 = vector.shape_cast %swap3A_280 : vector<16xf32> to vector<16xf32>
        %swap3A_282 = vector.shape_cast %mul3A_278 : vector<16xf32> to vector<16xf32>
        tpu.vector_store %arg13[%swap3A_279], %swap3A_282 {strides = array<i32>} : memref<8208xf32, #tpu.memory_space<vmem>>, vector<16xf32>,
        %ne3A_283 = arith.cmpi ne, %squeeze3A, %scan3A_252 : i32
        %add3A_284 = arith.addf %scan3A_254, %get3A_262 : vector<16xf32>
        %select_n3A_285 = arith.select %ne3A_283, %get3A_262, %add3A_284 : vector<16xf32>
        %max3A = arith.maximumf %scan3A_255, %get3A_262 : vector<16xf32>
        %select_n3A_286 = arith.select %ne3A_283, %get3A_262, %max3A : vector<16xf32>
        %add3A_287 = arith.constant 1.000000e+00 : f32
        %add3A_288 = arith.addf %scan3A_253, %add3A_287 : f32
        %jit3A_289 = arith.constant 1.000000e+00 : f32
        %select_n3A_290 = arith.select %ne3A_283, %jit3A_289, %add3A_288 : f32
        scf.yield %squeeze3A, %select_n3A_290, %select_n3A_285, %select_n3A_286 : i32, f32, vector<16xf32>, vector<16xf32>
      }
      %scan3A_242 = arith.constant 8 : i32
      %swap3A_243 = arith.constant 0 : index
      %swap3A_244 = tpu.vector_load %arg14[%swap3A_243] {strides = array<i32>} : memref<16xf32, #tpu.memory_space<vmem>>, vector<16xf32>,
      %swap3A_245 = vector.shape_cast %swap3A_244 : vector<16xf32> to vector<16xf32>
      %swap3A_246 = vector.shape_cast %scan3A_241#2 : vector<16xf32> to vector<16xf32>
      tpu.vector_store %arg14[%swap3A_243], %swap3A_246 {strides = array<i32>} : memref<16xf32, #tpu.memory_space<vmem>>, vector<16xf32>,
      %swap3A_247 = arith.constant 0 : index
      %swap3A_248 = tpu.vector_load %arg15[%swap3A_247] {strides = array<i32>} : memref<16xf32, #tpu.memory_space<vmem>>, vector<16xf32>,
      %swap3A_249 = vector.shape_cast %swap3A_248 : vector<16xf32> to vector<16xf32>
      %swap3A_250 = vector.shape_cast %scan3A_241#3 : vector<16xf32> to vector<16xf32>
      tpu.vector_store %arg15[%swap3A_247], %swap3A_250 {strides = array<i32>} : memref<16xf32, #tpu.memory_space<vmem>>, vector<16xf32>,
      scf.yield %scan3A_241#0, %scan3A_241#1 : i32, f32
    }
    %scan3A_69 = arith.constant 12 : i32
    %add3A_70 = arith.constant 24000 : i32
    %add3A_71 = arith.addi %mul3A_32, %add3A_70 : i32
    %dma_wait3A = tpu.memref_slice %arg2[%add3A_71, %mul3A_34] : memref<100000x128xf32, #tpu.memory_space<hbm>> -> memref<1000x16xf32, #tpu.memory_space<hbm>>
    %dma_wait3A_72 = tpu.memref_slice %arg2[%add3A_71, %mul3A_34] : memref<100000x128xf32, #tpu.memory_space<hbm>> -> memref<1000x16xf32, #tpu.memory_space<hbm>>
    tpu.wait_dma2 semaphore(%arg16 : memref<!tpu.dma_semaphore, #tpu.memory_space<semaphore_mem>>) src(%dma_wait3A_72 : memref<1000x16xf32, #tpu.memory_space<hbm>>) dst(%arg7 : memref<1000x16xf32, #tpu.memory_space<vmem>>)
    %add3A_73 = arith.constant 24000 : i32
    %add3A_74 = arith.addi %mul3A_32, %add3A_73 : i32
    %dma_wait3A_75 = arith.constant 0 : i32
    %dma_wait3A_76 = tpu.memref_slice %arg8[%dma_wait3A_75] : memref<1016xi32, #tpu.memory_space<vmem>> -> memref<1000xi32, #tpu.memory_space<vmem>>
    %dma_wait3A_77 = tpu.memref_slice %arg3[%add3A_74] : memref<100000xi32, #tpu.memory_space<hbm>> -> memref<1000xi32, #tpu.memory_space<hbm>>
    %dma_wait3A_78 = arith.constant 0 : i32
    %dma_wait3A_79 = tpu.memref_slice %arg8[%dma_wait3A_78] : memref<1016xi32, #tpu.memory_space<vmem>> -> memref<1000xi32, #tpu.memory_space<vmem>>
    %dma_wait3A_80 = tpu.memref_slice %arg3[%add3A_74] : memref<100000xi32, #tpu.memory_space<hbm>> -> memref<1000xi32, #tpu.memory_space<hbm>>
    tpu.wait_dma2 semaphore(%arg16 : memref<!tpu.dma_semaphore, #tpu.memory_space<semaphore_mem>>) src(%dma_wait3A_80 : memref<1000xi32, #tpu.memory_space<hbm>>) dst(%dma_wait3A_79 : memref<1000xi32, #tpu.memory_space<vmem>>)
    %scan3A_81 = arith.constant 0 : i32
    %scan3A_82 = arith.constant 31 : i32
    %scan3A_83 = arith.addi %scan3A_81, %scan3A_82 : i32
    %scan3A_84 = arith.constant 1 : i32
    %scan3A_85:2 = scf.for %scan3A_132 = %scan3A_81 to %scan3A_83 step %scan3A_84 iter_args(%scan3A_133 = %scan3A_68#0, %scan3A_134 = %scan3A_68#1) -> (i32, f32)  : i32 {
      %mul3A_135 = arith.constant 32 : i32
      %mul3A_136 = arith.muli %scan3A_132, %mul3A_135 : i32
      %get3A_137 = arith.index_cast %mul3A_136 : i32 to index
      %get3A_138 = tpu.vector_load %arg8[%get3A_137] {strides = array<i32>} : memref<1016xi32, #tpu.memory_space<vmem>>, vector<16xi32>,
      %get3A_139 = vector.shape_cast %get3A_138 : vector<16xi32> to vector<16xi32>
      %slice3A = vector.extract_strided_slice %get3A_139 {offsets = [0], sizes = [1], strides = [1]} : vector<16xi32> to vector<1xi32>
      %squeeze3A = vector.extract %slice3A[0] : i32 from vector<1xi32>
      %add3A_140 = arith.constant 16 : i32
      %add3A_141 = arith.addi %mul3A_136, %add3A_140 : i32
      %get3A_142 = arith.index_cast %add3A_141 : i32 to index
      %get3A_143 = tpu.vector_load %arg8[%get3A_142] {strides = array<i32>} : memref<1016xi32, #tpu.memory_space<vmem>>, vector<16xi32>,
      %get3A_144 = vector.shape_cast %get3A_143 : vector<16xi32> to vector<16xi32>
      %slice3A_145 = vector.extract_strided_slice %get3A_144 {offsets = [15], sizes = [1], strides = [1]} : vector<16xi32> to vector<1xi32>
      %squeeze3A_146 = vector.extract %slice3A_145[0] : i32 from vector<1xi32>
      %eq3A_147 = arith.cmpi eq, %squeeze3A, %scan3A_133 : i32
      %eq3A_148 = arith.cmpi eq, %squeeze3A_146, %scan3A_133 : i32
      %and3A_149 = arith.andi %eq3A_147, %eq3A_148 : i1
      %convert_element_type3A = arith.extui %and3A_149 : i1 to i32
      %cond3A = arith.constant 0 : i32
      %cond3A_150 = arith.cmpi ne, %convert_element_type3A, %cond3A : i32
      %cond3A_151:2 = scf.if %cond3A_150 -> (i32, f32) {
        %get3A_152 = arith.constant 0 : index
        %get3A_153 = tpu.vector_load %arg14[%get3A_152] {strides = array<i32>} : memref<16xf32, #tpu.memory_space<vmem>>, vector<16xf32>,
        %get3A_154 = vector.shape_cast %get3A_153 : vector<16xf32> to vector<16xf32>
        %get3A_155 = arith.constant 0 : index
        %get3A_156 = tpu.vector_load %arg15[%get3A_155] {strides = array<i32>} : memref<16xf32, #tpu.memory_space<vmem>>, vector<16xf32>,
        %get3A_157 = vector.shape_cast %get3A_156 : vector<16xf32> to vector<16xf32>
        %add3A_158 = arith.constant 0 : i32
        %add3A_159 = arith.addi %mul3A_136, %add3A_158 : i32
        %get3A_160 = arith.index_cast %add3A_159 : i32 to index
        %get3A_161 = arith.constant 0 : index
        %get3A_162 = tpu.vector_load %arg7[%get3A_160, %get3A_161] {strides = array<i32>} : memref<1000x16xf32, #tpu.memory_space<vmem>>, vector<1x16xf32>,
        %get3A_163 = vector.shape_cast %get3A_162 : vector<1x16xf32> to vector<16xf32>
        %add3A_164 = arith.addf %get3A_154, %get3A_163 : vector<16xf32>
        %max3A = arith.maximumf %get3A_157, %get3A_163 : vector<16xf32>
        %add3A_165 = arith.constant 1 : i32
        %add3A_166 = arith.addi %mul3A_136, %add3A_165 : i32
        %get3A_167 = arith.index_cast %add3A_166 : i32 to index
        %get3A_168 = arith.constant 0 : index
        %get3A_169 = tpu.vector_load %arg7[%get3A_167, %get3A_168] {strides = array<i32>} : memref<1000x16xf32, #tpu.memory_space<vmem>>, vector<1x16xf32>,
        %get3A_170 = vector.shape_cast %get3A_169 : vector<1x16xf32> to vector<16xf32>
        %add3A_171 = arith.addf %add3A_164, %get3A_170 : vector<16xf32>
        %max3A_172 = arith.maximumf %max3A, %get3A_170 : vector<16xf32>
        %add3A_173 = arith.constant 2 : i32
        %add3A_174 = arith.addi %mul3A_136, %add3A_173 : i32
        %get3A_175 = arith.index_cast %add3A_174 : i32 to index
        %get3A_176 = arith.constant 0 : index
        %get3A_177 = tpu.vector_load %arg7[%get3A_175, %get3A_176] {strides = array<i32>} : memref<1000x16xf32, #tpu.memory_space<vmem>>, vector<1x16xf32>,
        %get3A_178 = vector.shape_cast %get3A_177 : vector<1x16xf32> to vector<16xf32>
        %add3A_179 = arith.addf %add3A_171, %get3A_178 : vector<16xf32>
        %max3A_180 = arith.maximumf %max3A_172, %get3A_178 : vector<16xf32>
        %add3A_181 = arith.constant 3 : i32
        %add3A_182 = arith.addi %mul3A_136, %add3A_181 : i32
        %get3A_183 = arith.index_cast %add3A_182 : i32 to index
        %get3A_184 = arith.constant 0 : index
        %get3A_185 = tpu.vector_load %arg7[%get3A_183, %get3A_184] {strides = array<i32>} : memref<1000x16xf32, #tpu.memory_space<vmem>>, vector<1x16xf32>,
        %get3A_186 = vector.shape_cast %get3A_185 : vector<1x16xf32> to vector<16xf32>
        %add3A_187 = arith.addf %add3A_179, %get3A_186 : vector<16xf32>
        %max3A_188 = arith.maximumf %max3A_180, %get3A_186 : vector<16xf32>
        %add3A_189 = arith.constant 4 : i32
        %add3A_190 = arith.addi %mul3A_136, %add3A_189 : i32
        %get3A_191 = arith.index_cast %add3A_190 : i32 to index
        %get3A_192 = arith.constant 0 : index
        %get3A_193 = tpu.vector_load %arg7[%get3A_191, %get3A_192] {strides = array<i32>} : memref<1000x16xf32, #tpu.memory_space<vmem>>, vector<1x16xf32>,
        %get3A_194 = vector.shape_cast %get3A_193 : vector<1x16xf32> to vector<16xf32>
        %add3A_195 = arith.addf %add3A_187, %get3A_194 : vector<16xf32>
        %max3A_196 = arith.maximumf %max3A_188, %get3A_194 : vector<16xf32>
        %add3A_197 = arith.constant 5 : i32
        %add3A_198 = arith.addi %mul3A_136, %add3A_197 : i32
        %get3A_199 = arith.index_cast %add3A_198 : i32 to index
        %get3A_200 = arith.constant 0 : index
        %get3A_201 = tpu.vector_load %arg7[%get3A_199, %get3A_200] {strides = array<i32>} : memref<1000x16xf32, #tpu.memory_space<vmem>>, vector<1x16xf32>,
        %get3A_202 = vector.shape_cast %get3A_201 : vector<1x16xf32> to vector<16xf32>
        %add3A_203 = arith.addf %add3A_195, %get3A_202 : vector<16xf32>
        %max3A_204 = arith.maximumf %max3A_196, %get3A_202 : vector<16xf32>
        %add3A_205 = arith.constant 6 : i32
        %add3A_206 = arith.addi %mul3A_136, %add3A_205 : i32
        %get3A_207 = arith.index_cast %add3A_206 : i32 to index
        %get3A_208 = arith.constant 0 : index
        %get3A_209 = tpu.vector_load %arg7[%get3A_207, %get3A_208] {strides = array<i32>} : memref<1000x16xf32, #tpu.memory_space<vmem>>, vector<1x16xf32>,
        %get3A_210 = vector.shape_cast %get3A_209 : vector<1x16xf32> to vector<16xf32>
        %add3A_211 = arith.addf %add3A_203, %get3A_210 : vector<16xf32>
        %max3A_212 = arith.maximumf %max3A_204, %get3A_210 : vector<16xf32>
        %add3A_213 = arith.constant 7 : i32
        %add3A_214 = arith.addi %mul3A_136, %add3A_213 : i32
        %get3A_215 = arith.index_cast %add3A_214 : i32 to index
        %get3A_216 = arith.constant 0 : index
        %get3A_217 = tpu.vector_load %arg7[%get3A_215, %get3A_216] {strides = array<i32>} : memref<1000x16xf32, #tpu.memory_space<vmem>>, vector<1x16xf32>,
        %get3A_218 = vector.shape_cast %get3A_217 : vector<1x16xf32> to vector<16xf32>
        %add3A_219 = arith.addf %add3A_211, %get3A_218 : vector<16xf32>
        %max3A_220 = arith.maximumf %max3A_212, %get3A_218 : vector<16xf32>
        %add3A_221 = arith.constant 8 : i32
        %add3A_222 = arith.addi %mul3A_136, %add3A_221 : i32
        %get3A_223 = arith.index_cast %add3A_222 : i32 to index
        %get3A_224 = arith.constant 0 : index
        %get3A_225 = tpu.vector_load %arg7[%get3A_223, %get3A_224] {strides = array<i32>} : memref<1000x16xf32, #tpu.memory_space<vmem>>, vector<1x16xf32>,
        %get3A_226 = vector.shape_cast %get3A_225 : vector<1x16xf32> to vector<16xf32>
        %add3A_227 = arith.addf %add3A_219, %get3A_226 : vector<16xf32>
        %max3A_228 = arith.maximumf %max3A_220, %get3A_226 : vector<16xf32>
        %add3A_229 = arith.constant 9 : i32
        %add3A_230 = arith.addi %mul3A_136, %add3A_229 : i32
        %get3A_231 = arith.index_cast %add3A_230 : i32 to index
        %get3A_232 = arith.constant 0 : index
        %get3A_233 = tpu.vector_load %arg7[%get3A_231, %get3A_232] {strides = array<i32>} : memref<1000x16xf32, #tpu.memory_space<vmem>>, vector<1x16xf32>,
        %get3A_234 = vector.shape_cast %get3A_233 : vector<1x16xf32> to vector<16xf32>
        %add3A_235 = arith.addf %add3A_227, %get3A_234 : vector<16xf32>
        %max3A_236 = arith.maximumf %max3A_228, %get3A_234 : vector<16xf32>
        %add3A_237 = arith.constant 10 : i32
        %add3A_238 = arith.addi %mul3A_136, %add3A_237 : i32
        %get3A_239 = arith.index_cast %add3A_238 : i32 to index
        %get3A_240 = arith.constant 0 : index
        %get3A_241 = tpu.vector_load %arg7[%get3A_239, %get3A_240] {strides = array<i32>} : memref<1000x16xf32, #tpu.memory_space<vmem>>, vector<1x16xf32>,
        %get3A_242 = vector.shape_cast %get3A_241 : vector<1x16xf32> to vector<16xf32>
        %add3A_243 = arith.addf %add3A_235, %get3A_242 : vector<16xf32>
        %max3A_244 = arith.maximumf %max3A_236, %get3A_242 : vector<16xf32>
        %add3A_245 = arith.constant 11 : i32
        %add3A_246 = arith.addi %mul3A_136, %add3A_245 : i32
        %get3A_247 = arith.index_cast %add3A_246 : i32 to index
        %get3A_248 = arith.constant 0 : index
        %get3A_249 = tpu.vector_load %arg7[%get3A_247, %get3A_248] {strides = array<i32>} : memref<1000x16xf32, #tpu.memory_space<vmem>>, vector<1x16xf32>,
        %get3A_250 = vector.shape_cast %get3A_249 : vector<1x16xf32> to vector<16xf32>
        %add3A_251 = arith.addf %add3A_243, %get3A_250 : vector<16xf32>
        %max3A_252 = arith.maximumf %max3A_244, %get3A_250 : vector<16xf32>
        %add3A_253 = arith.constant 12 : i32
        %add3A_254 = arith.addi %mul3A_136, %add3A_253 : i32
        %get3A_255 = arith.index_cast %add3A_254 : i32 to index
        %get3A_256 = arith.constant 0 : index
        %get3A_257 = tpu.vector_load %arg7[%get3A_255, %get3A_256] {strides = array<i32>} : memref<1000x16xf32, #tpu.memory_space<vmem>>, vector<1x16xf32>,
        %get3A_258 = vector.shape_cast %get3A_257 : vector<1x16xf32> to vector<16xf32>
        %add3A_259 = arith.addf %add3A_251, %get3A_258 : vector<16xf32>
        %max3A_260 = arith.maximumf %max3A_252, %get3A_258 : vector<16xf32>
        %add3A_261 = arith.constant 13 : i32
        %add3A_262 = arith.addi %mul3A_136, %add3A_261 : i32
        %get3A_263 = arith.index_cast %add3A_262 : i32 to index
        %get3A_264 = arith.constant 0 : index
        %get3A_265 = tpu.vector_load %arg7[%get3A_263, %get3A_264] {strides = array<i32>} : memref<1000x16xf32, #tpu.memory_space<vmem>>, vector<1x16xf32>,
        %get3A_266 = vector.shape_cast %get3A_265 : vector<1x16xf32> to vector<16xf32>
        %add3A_267 = arith.addf %add3A_259, %get3A_266 : vector<16xf32>
        %max3A_268 = arith.maximumf %max3A_260, %get3A_266 : vector<16xf32>
        %add3A_269 = arith.constant 14 : i32
        %add3A_270 = arith.addi %mul3A_136, %add3A_269 : i32
        %get3A_271 = arith.index_cast %add3A_270 : i32 to index
        %get3A_272 = arith.constant 0 : index
        %get3A_273 = tpu.vector_load %arg7[%get3A_271, %get3A_272] {strides = array<i32>} : memref<1000x16xf32, #tpu.memory_space<vmem>>, vector<1x16xf32>,
        %get3A_274 = vector.shape_cast %get3A_273 : vector<1x16xf32> to vector<16xf32>
        %add3A_275 = arith.addf %add3A_267, %get3A_274 : vector<16xf32>
        %max3A_276 = arith.maximumf %max3A_268, %get3A_274 : vector<16xf32>
        %add3A_277 = arith.constant 15 : i32
        %add3A_278 = arith.addi %mul3A_136, %add3A_277 : i32
        %get3A_279 = arith.index_cast %add3A_278 : i32 to index
        %get3A_280 = arith.constant 0 : index
        %get3A_281 = tpu.vector_load %arg7[%get3A_279, %get3A_280] {strides = array<i32>} : memref<1000x16xf32, #tpu.memory_space<vmem>>, vector<1x16xf32>,
        %get3A_282 = vector.shape_cast %get3A_281 : vector<1x16xf32> to vector<16xf32>
        %add3A_283 = arith.addf %add3A_275, %get3A_282 : vector<16xf32>
        %max3A_284 = arith.maximumf %max3A_276, %get3A_282 : vector<16xf32>
        %add3A_285 = arith.constant 16 : i32
        %add3A_286 = arith.addi %mul3A_136, %add3A_285 : i32
        %get3A_287 = arith.index_cast %add3A_286 : i32 to index
        %get3A_288 = arith.constant 0 : index
        %get3A_289 = tpu.vector_load %arg7[%get3A_287, %get3A_288] {strides = array<i32>} : memref<1000x16xf32, #tpu.memory_space<vmem>>, vector<1x16xf32>,
        %get3A_290 = vector.shape_cast %get3A_289 : vector<1x16xf32> to vector<16xf32>
        %add3A_291 = arith.addf %add3A_283, %get3A_290 : vector<16xf32>
        %max3A_292 = arith.maximumf %max3A_284, %get3A_290 : vector<16xf32>
        %add3A_293 = arith.constant 17 : i32
        %add3A_294 = arith.addi %mul3A_136, %add3A_293 : i32
        %get3A_295 = arith.index_cast %add3A_294 : i32 to index
        %get3A_296 = arith.constant 0 : index
        %get3A_297 = tpu.vector_load %arg7[%get3A_295, %get3A_296] {strides = array<i32>} : memref<1000x16xf32, #tpu.memory_space<vmem>>, vector<1x16xf32>,
        %get3A_298 = vector.shape_cast %get3A_297 : vector<1x16xf32> to vector<16xf32>
        %add3A_299 = arith.addf %add3A_291, %get3A_298 : vector<16xf32>
        %max3A_300 = arith.maximumf %max3A_292, %get3A_298 : vector<16xf32>
        %add3A_301 = arith.constant 18 : i32
        %add3A_302 = arith.addi %mul3A_136, %add3A_301 : i32
        %get3A_303 = arith.index_cast %add3A_302 : i32 to index
        %get3A_304 = arith.constant 0 : index
        %get3A_305 = tpu.vector_load %arg7[%get3A_303, %get3A_304] {strides = array<i32>} : memref<1000x16xf32, #tpu.memory_space<vmem>>, vector<1x16xf32>,
        %get3A_306 = vector.shape_cast %get3A_305 : vector<1x16xf32> to vector<16xf32>
        %add3A_307 = arith.addf %add3A_299, %get3A_306 : vector<16xf32>
        %max3A_308 = arith.maximumf %max3A_300, %get3A_306 : vector<16xf32>
        %add3A_309 = arith.constant 19 : i32
        %add3A_310 = arith.addi %mul3A_136, %add3A_309 : i32
        %get3A_311 = arith.index_cast %add3A_310 : i32 to index
        %get3A_312 = arith.constant 0 : index
        %get3A_313 = tpu.vector_load %arg7[%get3A_311, %get3A_312] {strides = array<i32>} : memref<1000x16xf32, #tpu.memory_space<vmem>>, vector<1x16xf32>,
        %get3A_314 = vector.shape_cast %get3A_313 : vector<1x16xf32> to vector<16xf32>
        %add3A_315 = arith.addf %add3A_307, %get3A_314 : vector<16xf32>
        %max3A_316 = arith.maximumf %max3A_308, %get3A_314 : vector<16xf32>
        %add3A_317 = arith.constant 20 : i32
        %add3A_318 = arith.addi %mul3A_136, %add3A_317 : i32
        %get3A_319 = arith.index_cast %add3A_318 : i32 to index
        %get3A_320 = arith.constant 0 : index
        %get3A_321 = tpu.vector_load %arg7[%get3A_319, %get3A_320] {strides = array<i32>} : memref<1000x16xf32, #tpu.memory_space<vmem>>, vector<1x16xf32>,
        %get3A_322 = vector.shape_cast %get3A_321 : vector<1x16xf32> to vector<16xf32>
        %add3A_323 = arith.addf %add3A_315, %get3A_322 : vector<16xf32>
        %max3A_324 = arith.maximumf %max3A_316, %get3A_322 : vector<16xf32>
        %add3A_325 = arith.constant 21 : i32
        %add3A_326 = arith.addi %mul3A_136, %add3A_325 : i32
        %get3A_327 = arith.index_cast %add3A_326 : i32 to index
        %get3A_328 = arith.constant 0 : index
        %get3A_329 = tpu.vector_load %arg7[%get3A_327, %get3A_328] {strides = array<i32>} : memref<1000x16xf32, #tpu.memory_space<vmem>>, vector<1x16xf32>,
        %get3A_330 = vector.shape_cast %get3A_329 : vector<1x16xf32> to vector<16xf32>
        %add3A_331 = arith.addf %add3A_323, %get3A_330 : vector<16xf32>
        %max3A_332 = arith.maximumf %max3A_324, %get3A_330 : vector<16xf32>
        %add3A_333 = arith.constant 22 : i32
        %add3A_334 = arith.addi %mul3A_136, %add3A_333 : i32
        %get3A_335 = arith.index_cast %add3A_334 : i32 to index
        %get3A_336 = arith.constant 0 : index
        %get3A_337 = tpu.vector_load %arg7[%get3A_335, %get3A_336] {strides = array<i32>} : memref<1000x16xf32, #tpu.memory_space<vmem>>, vector<1x16xf32>,
        %get3A_338 = vector.shape_cast %get3A_337 : vector<1x16xf32> to vector<16xf32>
        %add3A_339 = arith.addf %add3A_331, %get3A_338 : vector<16xf32>
        %max3A_340 = arith.maximumf %max3A_332, %get3A_338 : vector<16xf32>
        %add3A_341 = arith.constant 23 : i32
        %add3A_342 = arith.addi %mul3A_136, %add3A_341 : i32
        %get3A_343 = arith.index_cast %add3A_342 : i32 to index
        %get3A_344 = arith.constant 0 : index
        %get3A_345 = tpu.vector_load %arg7[%get3A_343, %get3A_344] {strides = array<i32>} : memref<1000x16xf32, #tpu.memory_space<vmem>>, vector<1x16xf32>,
        %get3A_346 = vector.shape_cast %get3A_345 : vector<1x16xf32> to vector<16xf32>
        %add3A_347 = arith.addf %add3A_339, %get3A_346 : vector<16xf32>
        %max3A_348 = arith.maximumf %max3A_340, %get3A_346 : vector<16xf32>
        %add3A_349 = arith.constant 24 : i32
        %add3A_350 = arith.addi %mul3A_136, %add3A_349 : i32
        %get3A_351 = arith.index_cast %add3A_350 : i32 to index
        %get3A_352 = arith.constant 0 : index
        %get3A_353 = tpu.vector_load %arg7[%get3A_351, %get3A_352] {strides = array<i32>} : memref<1000x16xf32, #tpu.memory_space<vmem>>, vector<1x16xf32>,
        %get3A_354 = vector.shape_cast %get3A_353 : vector<1x16xf32> to vector<16xf32>
        %add3A_355 = arith.addf %add3A_347, %get3A_354 : vector<16xf32>
        %max3A_356 = arith.maximumf %max3A_348, %get3A_354 : vector<16xf32>
        %add3A_357 = arith.constant 25 : i32
        %add3A_358 = arith.addi %mul3A_136, %add3A_357 : i32
        %get3A_359 = arith.index_cast %add3A_358 : i32 to index
        %get3A_360 = arith.constant 0 : index
        %get3A_361 = tpu.vector_load %arg7[%get3A_359, %get3A_360] {strides = array<i32>} : memref<1000x16xf32, #tpu.memory_space<vmem>>, vector<1x16xf32>,
        %get3A_362 = vector.shape_cast %get3A_361 : vector<1x16xf32> to vector<16xf32>
        %add3A_363 = arith.addf %add3A_355, %get3A_362 : vector<16xf32>
        %max3A_364 = arith.maximumf %max3A_356, %get3A_362 : vector<16xf32>
        %add3A_365 = arith.constant 26 : i32
        %add3A_366 = arith.addi %mul3A_136, %add3A_365 : i32
        %get3A_367 = arith.index_cast %add3A_366 : i32 to index
        %get3A_368 = arith.constant 0 : index
        %get3A_369 = tpu.vector_load %arg7[%get3A_367, %get3A_368] {strides = array<i32>} : memref<1000x16xf32, #tpu.memory_space<vmem>>, vector<1x16xf32>,
        %get3A_370 = vector.shape_cast %get3A_369 : vector<1x16xf32> to vector<16xf32>
        %add3A_371 = arith.addf %add3A_363, %get3A_370 : vector<16xf32>
        %max3A_372 = arith.maximumf %max3A_364, %get3A_370 : vector<16xf32>
        %add3A_373 = arith.constant 27 : i32
        %add3A_374 = arith.addi %mul3A_136, %add3A_373 : i32
        %get3A_375 = arith.index_cast %add3A_374 : i32 to index
        %get3A_376 = arith.constant 0 : index
        %get3A_377 = tpu.vector_load %arg7[%get3A_375, %get3A_376] {strides = array<i32>} : memref<1000x16xf32, #tpu.memory_space<vmem>>, vector<1x16xf32>,
        %get3A_378 = vector.shape_cast %get3A_377 : vector<1x16xf32> to vector<16xf32>
        %add3A_379 = arith.addf %add3A_371, %get3A_378 : vector<16xf32>
        %max3A_380 = arith.maximumf %max3A_372, %get3A_378 : vector<16xf32>
        %add3A_381 = arith.constant 28 : i32
        %add3A_382 = arith.addi %mul3A_136, %add3A_381 : i32
        %get3A_383 = arith.index_cast %add3A_382 : i32 to index
        %get3A_384 = arith.constant 0 : index
        %get3A_385 = tpu.vector_load %arg7[%get3A_383, %get3A_384] {strides = array<i32>} : memref<1000x16xf32, #tpu.memory_space<vmem>>, vector<1x16xf32>,
        %get3A_386 = vector.shape_cast %get3A_385 : vector<1x16xf32> to vector<16xf32>
        %add3A_387 = arith.addf %add3A_379, %get3A_386 : vector<16xf32>
        %max3A_388 = arith.maximumf %max3A_380, %get3A_386 : vector<16xf32>
        %add3A_389 = arith.constant 29 : i32
        %add3A_390 = arith.addi %mul3A_136, %add3A_389 : i32
        %get3A_391 = arith.index_cast %add3A_390 : i32 to index
        %get3A_392 = arith.constant 0 : index
        %get3A_393 = tpu.vector_load %arg7[%get3A_391, %get3A_392] {strides = array<i32>} : memref<1000x16xf32, #tpu.memory_space<vmem>>, vector<1x16xf32>,
        %get3A_394 = vector.shape_cast %get3A_393 : vector<1x16xf32> to vector<16xf32>
        %add3A_395 = arith.addf %add3A_387, %get3A_394 : vector<16xf32>
        %max3A_396 = arith.maximumf %max3A_388, %get3A_394 : vector<16xf32>
        %add3A_397 = arith.constant 30 : i32
        %add3A_398 = arith.addi %mul3A_136, %add3A_397 : i32
        %get3A_399 = arith.index_cast %add3A_398 : i32 to index
        %get3A_400 = arith.constant 0 : index
        %get3A_401 = tpu.vector_load %arg7[%get3A_399, %get3A_400] {strides = array<i32>} : memref<1000x16xf32, #tpu.memory_space<vmem>>, vector<1x16xf32>,
        %get3A_402 = vector.shape_cast %get3A_401 : vector<1x16xf32> to vector<16xf32>
        %add3A_403 = arith.addf %add3A_395, %get3A_402 : vector<16xf32>
        %max3A_404 = arith.maximumf %max3A_396, %get3A_402 : vector<16xf32>
        %add3A_405 = arith.constant 31 : i32
        %add3A_406 = arith.addi %mul3A_136, %add3A_405 : i32
        %get3A_407 = arith.index_cast %add3A_406 : i32 to index
        %get3A_408 = arith.constant 0 : index
        %get3A_409 = tpu.vector_load %arg7[%get3A_407, %get3A_408] {strides = array<i32>} : memref<1000x16xf32, #tpu.memory_space<vmem>>, vector<1x16xf32>,
        %get3A_410 = vector.shape_cast %get3A_409 : vector<1x16xf32> to vector<16xf32>
        %add3A_411 = arith.addf %add3A_403, %get3A_410 : vector<16xf32>
        %max3A_412 = arith.maximumf %max3A_404, %get3A_410 : vector<16xf32>
        %swap3A_413 = arith.constant 0 : index
        %swap3A_414 = tpu.vector_load %arg14[%swap3A_413] {strides = array<i32>} : memref<16xf32, #tpu.memory_space<vmem>>, vector<16xf32>,
        %swap3A_415 = vector.shape_cast %swap3A_414 : vector<16xf32> to vector<16xf32>
        %swap3A_416 = vector.shape_cast %add3A_411 : vector<16xf32> to vector<16xf32>
        tpu.vector_store %arg14[%swap3A_413], %swap3A_416 {strides = array<i32>} : memref<16xf32, #tpu.memory_space<vmem>>, vector<16xf32>,
        %swap3A_417 = arith.constant 0 : index
        %swap3A_418 = tpu.vector_load %arg15[%swap3A_417] {strides = array<i32>} : memref<16xf32, #tpu.memory_space<vmem>>, vector<16xf32>,
        %swap3A_419 = vector.shape_cast %swap3A_418 : vector<16xf32> to vector<16xf32>
        %swap3A_420 = vector.shape_cast %max3A_412 : vector<16xf32> to vector<16xf32>
        tpu.vector_store %arg15[%swap3A_417], %swap3A_420 {strides = array<i32>} : memref<16xf32, #tpu.memory_space<vmem>>, vector<16xf32>,
        %add3A_421 = arith.constant 3.200000e+01 : f32
        %add3A_422 = arith.addf %scan3A_134, %add3A_421 : f32
        scf.yield %scan3A_133, %add3A_422 : i32, f32
      } else {
        %add3A_152 = arith.constant 32 : i32
        %add3A_153 = arith.addi %mul3A_136, %add3A_152 : i32
        %get3A_154 = arith.constant 0 : index
        %get3A_155 = tpu.vector_load %arg14[%get3A_154] {strides = array<i32>} : memref<16xf32, #tpu.memory_space<vmem>>, vector<16xf32>,
        %get3A_156 = vector.shape_cast %get3A_155 : vector<16xf32> to vector<16xf32>
        %get3A_157 = arith.constant 0 : index
        %get3A_158 = tpu.vector_load %arg15[%get3A_157] {strides = array<i32>} : memref<16xf32, #tpu.memory_space<vmem>>, vector<16xf32>,
        %get3A_159 = vector.shape_cast %get3A_158 : vector<16xf32> to vector<16xf32>
        %while3A = arith.subi %add3A_153, %mul3A_136 : i32
        %while3A_160 = arith.addi %mul3A_136, %while3A : i32
        %while3A_161 = arith.constant 1 : i32
        %while3A_162 = arith.divsi %while3A, %while3A_161 : i32
        %while3A_163 = arith.muli %while3A_162, %while3A_161 : i32
        %while3A_164 = arith.addi %mul3A_136, %while3A_163 : i32
        %while3A_165 = arith.constant 1 : i32
        %while3A_166:4 = scf.for %while3A_177 = %mul3A_136 to %while3A_164 step %while3A_165 iter_args(%while3A_178 = %scan3A_133, %while3A_179 = %scan3A_134, %while3A_180 = %get3A_156, %while3A_181 = %get3A_159) -> (i32, f32, vector<16xf32>, vector<16xf32>)  : i32 {
          %get3A_182 = arith.index_cast %while3A_177 : i32 to index
          %get3A_183 = tpu.vector_load %arg8[%get3A_182] {strides = array<i32>} : memref<1016xi32, #tpu.memory_space<vmem>>, vector<16xi32>,
          %get3A_184 = vector.shape_cast %get3A_183 : vector<16xi32> to vector<16xi32>
          %slice3A_185 = vector.extract_strided_slice %get3A_184 {offsets = [0], sizes = [1], strides = [1]} : vector<16xi32> to vector<1xi32>
          %squeeze3A_186 = vector.extract %slice3A_185[0] : i32 from vector<1xi32>
          %get3A_187 = arith.index_cast %while3A_177 : i32 to index
          %get3A_188 = arith.constant 0 : index
          %get3A_189 = tpu.vector_load %arg7[%get3A_187, %get3A_188] {strides = array<i32>} : memref<1000x16xf32, #tpu.memory_space<vmem>>, vector<1x16xf32>,
          %get3A_190 = vector.shape_cast %get3A_189 : vector<1x16xf32> to vector<16xf32>
          %add3A_191 = arith.constant 1 : i32
          %add3A_192 = arith.addi %while3A_178, %add3A_191 : i32
          %mul3A_193 = arith.constant 16 : i32
          %mul3A_194 = arith.muli %add3A_192, %mul3A_193 : i32
          %swap3A_195 = arith.index_cast %mul3A_194 : i32 to index
          %swap3A_196 = tpu.vector_load %arg11[%swap3A_195] {strides = array<i32>} : memref<8208xf32, #tpu.memory_space<vmem>>, vector<16xf32>,
          %swap3A_197 = vector.shape_cast %swap3A_196 : vector<16xf32> to vector<16xf32>
          %swap3A_198 = vector.shape_cast %while3A_180 : vector<16xf32> to vector<16xf32>
          tpu.vector_store %arg11[%swap3A_195], %swap3A_198 {strides = array<i32>} : memref<8208xf32, #tpu.memory_space<vmem>>, vector<16xf32>,
          %swap3A_199 = arith.index_cast %mul3A_194 : i32 to index
          %swap3A_200 = tpu.vector_load %arg12[%swap3A_199] {strides = array<i32>} : memref<8208xf32, #tpu.memory_space<vmem>>, vector<16xf32>,
          %swap3A_201 = vector.shape_cast %swap3A_200 : vector<16xf32> to vector<16xf32>
          %swap3A_202 = vector.shape_cast %while3A_181 : vector<16xf32> to vector<16xf32>
          tpu.vector_store %arg12[%swap3A_199], %swap3A_202 {strides = array<i32>} : memref<8208xf32, #tpu.memory_space<vmem>>, vector<16xf32>,
          %broadcast_in_dim3A_203 = arith.constant 1.000000e+00 : f32
          %broadcast_in_dim3A_204 = vector.broadcast %broadcast_in_dim3A_203 : f32 to vector<16xf32>
          %mul3A_205 = vector.broadcast %while3A_179 : f32 to vector<16xf32>
          %mul3A_206 = arith.mulf %broadcast_in_dim3A_204, %mul3A_205 : vector<16xf32>
          %swap3A_207 = arith.index_cast %mul3A_194 : i32 to index
          %swap3A_208 = tpu.vector_load %arg13[%swap3A_207] {strides = array<i32>} : memref<8208xf32, #tpu.memory_space<vmem>>, vector<16xf32>,
          %swap3A_209 = vector.shape_cast %swap3A_208 : vector<16xf32> to vector<16xf32>
          %swap3A_210 = vector.shape_cast %mul3A_206 : vector<16xf32> to vector<16xf32>
          tpu.vector_store %arg13[%swap3A_207], %swap3A_210 {strides = array<i32>} : memref<8208xf32, #tpu.memory_space<vmem>>, vector<16xf32>,
          %ne3A_211 = arith.cmpi ne, %squeeze3A_186, %while3A_178 : i32
          %add3A_212 = arith.addf %while3A_180, %get3A_190 : vector<16xf32>
          %select_n3A_213 = arith.select %ne3A_211, %get3A_190, %add3A_212 : vector<16xf32>
          %max3A = arith.maximumf %while3A_181, %get3A_190 : vector<16xf32>
          %select_n3A_214 = arith.select %ne3A_211, %get3A_190, %max3A : vector<16xf32>
          %add3A_215 = arith.constant 1.000000e+00 : f32
          %add3A_216 = arith.addf %while3A_179, %add3A_215 : f32
          %jit3A_217 = arith.constant 1.000000e+00 : f32
          %select_n3A_218 = arith.select %ne3A_211, %jit3A_217, %add3A_216 : f32
          scf.yield %squeeze3A_186, %select_n3A_218, %select_n3A_213, %select_n3A_214 : i32, f32, vector<16xf32>, vector<16xf32>
        }
        %while3A_167 = arith.constant 1 : i32
        %while3A_168:4 = scf.for %while3A_177 = %while3A_164 to %while3A_160 step %while3A_167 iter_args(%while3A_178 = %while3A_166#0, %while3A_179 = %while3A_166#1, %while3A_180 = %while3A_166#2, %while3A_181 = %while3A_166#3) -> (i32, f32, vector<16xf32>, vector<16xf32>)  : i32 {
          %get3A_182 = arith.index_cast %while3A_177 : i32 to index
          %get3A_183 = tpu.vector_load %arg8[%get3A_182] {strides = array<i32>} : memref<1016xi32, #tpu.memory_space<vmem>>, vector<16xi32>,
          %get3A_184 = vector.shape_cast %get3A_183 : vector<16xi32> to vector<16xi32>
          %slice3A_185 = vector.extract_strided_slice %get3A_184 {offsets = [0], sizes = [1], strides = [1]} : vector<16xi32> to vector<1xi32>
          %squeeze3A_186 = vector.extract %slice3A_185[0] : i32 from vector<1xi32>
          %get3A_187 = arith.index_cast %while3A_177 : i32 to index
          %get3A_188 = arith.constant 0 : index
          %get3A_189 = tpu.vector_load %arg7[%get3A_187, %get3A_188] {strides = array<i32>} : memref<1000x16xf32, #tpu.memory_space<vmem>>, vector<1x16xf32>,
          %get3A_190 = vector.shape_cast %get3A_189 : vector<1x16xf32> to vector<16xf32>
          %add3A_191 = arith.constant 1 : i32
          %add3A_192 = arith.addi %while3A_178, %add3A_191 : i32
          %mul3A_193 = arith.constant 16 : i32
          %mul3A_194 = arith.muli %add3A_192, %mul3A_193 : i32
          %swap3A_195 = arith.index_cast %mul3A_194 : i32 to index
          %swap3A_196 = tpu.vector_load %arg11[%swap3A_195] {strides = array<i32>} : memref<8208xf32, #tpu.memory_space<vmem>>, vector<16xf32>,
          %swap3A_197 = vector.shape_cast %swap3A_196 : vector<16xf32> to vector<16xf32>
          %swap3A_198 = vector.shape_cast %while3A_180 : vector<16xf32> to vector<16xf32>
          tpu.vector_store %arg11[%swap3A_195], %swap3A_198 {strides = array<i32>} : memref<8208xf32, #tpu.memory_space<vmem>>, vector<16xf32>,
          %swap3A_199 = arith.index_cast %mul3A_194 : i32 to index
          %swap3A_200 = tpu.vector_load %arg12[%swap3A_199] {strides = array<i32>} : memref<8208xf32, #tpu.memory_space<vmem>>, vector<16xf32>,
          %swap3A_201 = vector.shape_cast %swap3A_200 : vector<16xf32> to vector<16xf32>
          %swap3A_202 = vector.shape_cast %while3A_181 : vector<16xf32> to vector<16xf32>
          tpu.vector_store %arg12[%swap3A_199], %swap3A_202 {strides = array<i32>} : memref<8208xf32, #tpu.memory_space<vmem>>, vector<16xf32>,
          %broadcast_in_dim3A_203 = arith.constant 1.000000e+00 : f32
          %broadcast_in_dim3A_204 = vector.broadcast %broadcast_in_dim3A_203 : f32 to vector<16xf32>
          %mul3A_205 = vector.broadcast %while3A_179 : f32 to vector<16xf32>
          %mul3A_206 = arith.mulf %broadcast_in_dim3A_204, %mul3A_205 : vector<16xf32>
          %swap3A_207 = arith.index_cast %mul3A_194 : i32 to index
          %swap3A_208 = tpu.vector_load %arg13[%swap3A_207] {strides = array<i32>} : memref<8208xf32, #tpu.memory_space<vmem>>, vector<16xf32>,
          %swap3A_209 = vector.shape_cast %swap3A_208 : vector<16xf32> to vector<16xf32>
          %swap3A_210 = vector.shape_cast %mul3A_206 : vector<16xf32> to vector<16xf32>
          tpu.vector_store %arg13[%swap3A_207], %swap3A_210 {strides = array<i32>} : memref<8208xf32, #tpu.memory_space<vmem>>, vector<16xf32>,
          %ne3A_211 = arith.cmpi ne, %squeeze3A_186, %while3A_178 : i32
          %add3A_212 = arith.addf %while3A_180, %get3A_190 : vector<16xf32>
          %select_n3A_213 = arith.select %ne3A_211, %get3A_190, %add3A_212 : vector<16xf32>
          %max3A = arith.maximumf %while3A_181, %get3A_190 : vector<16xf32>
          %select_n3A_214 = arith.select %ne3A_211, %get3A_190, %max3A : vector<16xf32>
          %add3A_215 = arith.constant 1.000000e+00 : f32
          %add3A_216 = arith.addf %while3A_179, %add3A_215 : f32
          %jit3A_217 = arith.constant 1.000000e+00 : f32
          %select_n3A_218 = arith.select %ne3A_211, %jit3A_217, %add3A_216 : f32
          scf.yield %squeeze3A_186, %select_n3A_218, %select_n3A_213, %select_n3A_214 : i32, f32, vector<16xf32>, vector<16xf32>
        }
        %swap3A_169 = arith.constant 0 : index
        %swap3A_170 = tpu.vector_load %arg14[%swap3A_169] {strides = array<i32>} : memref<16xf32, #tpu.memory_space<vmem>>, vector<16xf32>,
        %swap3A_171 = vector.shape_cast %swap3A_170 : vector<16xf32> to vector<16xf32>
        %swap3A_172 = vector.shape_cast %while3A_168#2 : vector<16xf32> to vector<16xf32>
        tpu.vector_store %arg14[%swap3A_169], %swap3A_172 {strides = array<i32>} : memref<16xf32, #tpu.memory_space<vmem>>, vector<16xf32>,
        %swap3A_173 = arith.constant 0 : index
        %swap3A_174 = tpu.vector_load %arg15[%swap3A_173] {strides = array<i32>} : memref<16xf32, #tpu.memory_space<vmem>>, vector<16xf32>,
        %swap3A_175 = vector.shape_cast %swap3A_174 : vector<16xf32> to vector<16xf32>
        %swap3A_176 = vector.shape_cast %while3A_168#3 : vector<16xf32> to vector<16xf32>
        tpu.vector_store %arg15[%swap3A_173], %swap3A_176 {strides = array<i32>} : memref<16xf32, #tpu.memory_space<vmem>>, vector<16xf32>,
        scf.yield %while3A_168#0, %while3A_168#1 : i32, f32
      }
      scf.yield %cond3A_151#0, %cond3A_151#1 : i32, f32
    }
    %scan3A_86 = arith.constant 31 : i32
    %get3A = arith.constant 0 : index
    %get3A_87 = tpu.vector_load %arg14[%get3A] {strides = array<i32>} : memref<16xf32, #tpu.memory_space<vmem>>, vector<16xf32>,
    %get3A_88 = vector.shape_cast %get3A_87 : vector<16xf32> to vector<16xf32>
    %get3A_89 = arith.constant 0 : index
    %get3A_90 = tpu.vector_load %arg15[%get3A_89] {strides = array<i32>} : memref<16xf32, #tpu.memory_space<vmem>>, vector<16xf32>,
    %get3A_91 = vector.shape_cast %get3A_90 : vector<16xf32> to vector<16xf32>
    %scan3A_92 = arith.constant 992 : i32
    %scan3A_93 = arith.constant 8 : i32
    %scan3A_94 = arith.addi %scan3A_92, %scan3A_93 : i32
    %scan3A_95 = arith.constant 1 : i32
    %scan3A_96:4 = scf.for %scan3A_132 = %scan3A_92 to %scan3A_94 step %scan3A_95 iter_args(%scan3A_133 = %scan3A_85#0, %scan3A_134 = %scan3A_85#1, %scan3A_135 = %get3A_88, %scan3A_136 = %get3A_91) -> (i32, f32, vector<16xf32>, vector<16xf32>)  : i32 {
      %get3A_137 = arith.index_cast %scan3A_132 : i32 to index
      %get3A_138 = tpu.vector_load %arg8[%get3A_137] {strides = array<i32>} : memref<1016xi32, #tpu.memory_space<vmem>>, vector<16xi32>,
      %get3A_139 = vector.shape_cast %get3A_138 : vector<16xi32> to vector<16xi32>
      %slice3A = vector.extract_strided_slice %get3A_139 {offsets = [0], sizes = [1], strides = [1]} : vector<16xi32> to vector<1xi32>
      %squeeze3A = vector.extract %slice3A[0] : i32 from vector<1xi32>
      %get3A_140 = arith.index_cast %scan3A_132 : i32 to index
      %get3A_141 = arith.constant 0 : index
      %get3A_142 = tpu.vector_load %arg7[%get3A_140, %get3A_141] {strides = array<i32>} : memref<1000x16xf32, #tpu.memory_space<vmem>>, vector<1x16xf32>,
      %get3A_143 = vector.shape_cast %get3A_142 : vector<1x16xf32> to vector<16xf32>
      %add3A_144 = arith.constant 1 : i32
      %add3A_145 = arith.addi %scan3A_133, %add3A_144 : i32
      %mul3A_146 = arith.constant 16 : i32
      %mul3A_147 = arith.muli %add3A_145, %mul3A_146 : i32
      %swap3A_148 = arith.index_cast %mul3A_147 : i32 to index
      %swap3A_149 = tpu.vector_load %arg11[%swap3A_148] {strides = array<i32>} : memref<8208xf32, #tpu.memory_space<vmem>>, vector<16xf32>,
      %swap3A_150 = vector.shape_cast %swap3A_149 : vector<16xf32> to vector<16xf32>
      %swap3A_151 = vector.shape_cast %scan3A_135 : vector<16xf32> to vector<16xf32>
      tpu.vector_store %arg11[%swap3A_148], %swap3A_151 {strides = array<i32>} : memref<8208xf32, #tpu.memory_space<vmem>>, vector<16xf32>,
      %swap3A_152 = arith.index_cast %mul3A_147 : i32 to index
      %swap3A_153 = tpu.vector_load %arg12[%swap3A_152] {strides = array<i32>} : memref<8208xf32, #tpu.memory_space<vmem>>, vector<16xf32>,
      %swap3A_154 = vector.shape_cast %swap3A_153 : vector<16xf32> to vector<16xf32>
      %swap3A_155 = vector.shape_cast %scan3A_136 : vector<16xf32> to vector<16xf32>
      tpu.vector_store %arg12[%swap3A_152], %swap3A_155 {strides = array<i32>} : memref<8208xf32, #tpu.memory_space<vmem>>, vector<16xf32>,
      %broadcast_in_dim3A_156 = arith.constant 1.000000e+00 : f32
      %broadcast_in_dim3A_157 = vector.broadcast %broadcast_in_dim3A_156 : f32 to vector<16xf32>
      %mul3A_158 = vector.broadcast %scan3A_134 : f32 to vector<16xf32>
      %mul3A_159 = arith.mulf %broadcast_in_dim3A_157, %mul3A_158 : vector<16xf32>
      %swap3A_160 = arith.index_cast %mul3A_147 : i32 to index
      %swap3A_161 = tpu.vector_load %arg13[%swap3A_160] {strides = array<i32>} : memref<8208xf32, #tpu.memory_space<vmem>>, vector<16xf32>,
      %swap3A_162 = vector.shape_cast %swap3A_161 : vector<16xf32> to vector<16xf32>
      %swap3A_163 = vector.shape_cast %mul3A_159 : vector<16xf32> to vector<16xf32>
      tpu.vector_store %arg13[%swap3A_160], %swap3A_163 {strides = array<i32>} : memref<8208xf32, #tpu.memory_space<vmem>>, vector<16xf32>,
      %ne3A_164 = arith.cmpi ne, %squeeze3A, %scan3A_133 : i32
      %add3A_165 = arith.addf %scan3A_135, %get3A_143 : vector<16xf32>
      %select_n3A_166 = arith.select %ne3A_164, %get3A_143, %add3A_165 : vector<16xf32>
      %max3A = arith.maximumf %scan3A_136, %get3A_143 : vector<16xf32>
      %select_n3A_167 = arith.select %ne3A_164, %get3A_143, %max3A : vector<16xf32>
      %add3A_168 = arith.constant 1.000000e+00 : f32
      %add3A_169 = arith.addf %scan3A_134, %add3A_168 : f32
      %jit3A_170 = arith.constant 1.000000e+00 : f32
      %select_n3A_171 = arith.select %ne3A_164, %jit3A_170, %add3A_169 : f32
      scf.yield %squeeze3A, %select_n3A_171, %select_n3A_166, %select_n3A_167 : i32, f32, vector<16xf32>, vector<16xf32>
    }
    %scan3A_97 = arith.constant 8 : i32
    %swap3A_98 = arith.constant 0 : index
    %swap3A_99 = tpu.vector_load %arg14[%swap3A_98] {strides = array<i32>} : memref<16xf32, #tpu.memory_space<vmem>>, vector<16xf32>,
    %swap3A_100 = vector.shape_cast %swap3A_99 : vector<16xf32> to vector<16xf32>
    %swap3A_101 = vector.shape_cast %scan3A_96#2 : vector<16xf32> to vector<16xf32>
    tpu.vector_store %arg14[%swap3A_98], %swap3A_101 {strides = array<i32>} : memref<16xf32, #tpu.memory_space<vmem>>, vector<16xf32>,
    %swap3A_102 = arith.constant 0 : index
    %swap3A_103 = tpu.vector_load %arg15[%swap3A_102] {strides = array<i32>} : memref<16xf32, #tpu.memory_space<vmem>>, vector<16xf32>,
    %swap3A_104 = vector.shape_cast %swap3A_103 : vector<16xf32> to vector<16xf32>
    %swap3A_105 = vector.shape_cast %scan3A_96#3 : vector<16xf32> to vector<16xf32>
    tpu.vector_store %arg15[%swap3A_102], %swap3A_105 {strides = array<i32>} : memref<16xf32, #tpu.memory_space<vmem>>, vector<16xf32>,
    %add3A_106 = arith.constant 1 : i32
    %add3A_107 = arith.addi %scan3A_96#0, %add3A_106 : i32
    %mul3A_108 = arith.constant 16 : i32
    %mul3A_109 = arith.muli %add3A_107, %mul3A_108 : i32
    %get3A_110 = arith.constant 0 : index
    %get3A_111 = tpu.vector_load %arg14[%get3A_110] {strides = array<i32>} : memref<16xf32, #tpu.memory_space<vmem>>, vector<16xf32>,
    %get3A_112 = vector.shape_cast %get3A_111 : vector<16xf32> to vector<16xf32>
    %swap3A_113 = arith.index_cast %mul3A_109 : i32 to index
    %swap3A_114 = tpu.vector_load %arg11[%swap3A_113] {strides = array<i32>} : memref<8208xf32, #tpu.memory_space<vmem>>, vector<16xf32>,
    %swap3A_115 = vector.shape_cast %swap3A_114 : vector<16xf32> to vector<16xf32>
    %swap3A_116 = vector.shape_cast %get3A_112 : vector<16xf32> to vector<16xf32>
    tpu.vector_store %arg11[%swap3A_113], %swap3A_116 {strides = array<i32>} : memref<8208xf32, #tpu.memory_space<vmem>>, vector<16xf32>,
    %get3A_117 = arith.constant 0 : index
    %get3A_118 = tpu.vector_load %arg15[%get3A_117] {strides = array<i32>} : memref<16xf32, #tpu.memory_space<vmem>>, vector<16xf32>,
    %get3A_119 = vector.shape_cast %get3A_118 : vector<16xf32> to vector<16xf32>
    %swap3A_120 = arith.index_cast %mul3A_109 : i32 to index
    %swap3A_121 = tpu.vector_load %arg12[%swap3A_120] {strides = array<i32>} : memref<8208xf32, #tpu.memory_space<vmem>>, vector<16xf32>,
    %swap3A_122 = vector.shape_cast %swap3A_121 : vector<16xf32> to vector<16xf32>
    %swap3A_123 = vector.shape_cast %get3A_119 : vector<16xf32> to vector<16xf32>
    tpu.vector_store %arg12[%swap3A_120], %swap3A_123 {strides = array<i32>} : memref<8208xf32, #tpu.memory_space<vmem>>, vector<16xf32>,
    %broadcast_in_dim3A_124 = arith.constant 1.000000e+00 : f32
    %broadcast_in_dim3A_125 = vector.broadcast %broadcast_in_dim3A_124 : f32 to vector<16xf32>
    %mul3A_126 = vector.broadcast %scan3A_96#1 : f32 to vector<16xf32>
    %mul3A_127 = arith.mulf %broadcast_in_dim3A_125, %mul3A_126 : vector<16xf32>
    %swap3A_128 = arith.index_cast %mul3A_109 : i32 to index
    %swap3A_129 = tpu.vector_load %arg13[%swap3A_128] {strides = array<i32>} : memref<8208xf32, #tpu.memory_space<vmem>>, vector<16xf32>,
    %swap3A_130 = vector.shape_cast %swap3A_129 : vector<16xf32> to vector<16xf32>
    %swap3A_131 = vector.shape_cast %mul3A_127 : vector<16xf32> to vector<16xf32>
    tpu.vector_store %arg13[%swap3A_128], %swap3A_131 {strides = array<i32>} : memref<8208xf32, #tpu.memory_space<vmem>>, vector<16xf32>,
    "tpu.region"() ({
      %run_scoped3A = tpu.sem_alloc : memref<!tpu.dma_semaphore, #tpu.memory_space<semaphore_mem>>
      %dma_start3A_132 = arith.constant 16 : i32
      %dma_start3A_133 = tpu.memref_slice %arg11[%dma_start3A_132] : memref<8208xf32, #tpu.memory_space<vmem>> -> memref<8192xf32, #tpu.memory_space<vmem>>
      %dma_start3A_134 = arith.constant 0 : i32
      %dma_start3A_135 = tpu.memref_slice %arg4[%add3A, %dma_start3A_134] : memref<32x8192xf32, #tpu.memory_space<hbm>> -> memref<1x8192xf32, #tpu.memory_space<hbm>>
      %dma_start3A_136 = tpu.memref_squeeze %dma_start3A_135 : memref<1x8192xf32, #tpu.memory_space<hbm>> -> memref<8192xf32, #tpu.memory_space<hbm>>
      %dma_start3A_137 = arith.constant 0 : i32
      %dma_start3A_138 = tpu.memref_slice %arg4[%add3A, %dma_start3A_137] : memref<32x8192xf32, #tpu.memory_space<hbm>> -> memref<1x8192xf32, #tpu.memory_space<hbm>>
      %dma_start3A_139 = tpu.memref_squeeze %dma_start3A_138 : memref<1x8192xf32, #tpu.memory_space<hbm>> -> memref<8192xf32, #tpu.memory_space<hbm>>
      %dma_start3A_140 = arith.constant 16 : i32
      %dma_start3A_141 = tpu.memref_slice %arg11[%dma_start3A_140] : memref<8208xf32, #tpu.memory_space<vmem>> -> memref<8192xf32, #tpu.memory_space<vmem>>
      tpu.enqueue_dma source(%dma_start3A_141 : memref<8192xf32, #tpu.memory_space<vmem>>) target(%dma_start3A_139 : memref<8192xf32, #tpu.memory_space<hbm>>) target_semaphore(%run_scoped3A : memref<!tpu.dma_semaphore, #tpu.memory_space<semaphore_mem>>)
      %dma_wait3A_142 = arith.constant 16 : i32
      %dma_wait3A_143 = tpu.memref_slice %arg11[%dma_wait3A_142] : memref<8208xf32, #tpu.memory_space<vmem>> -> memref<8192xf32, #tpu.memory_space<vmem>>
      %dma_wait3A_144 = arith.constant 0 : i32
      %dma_wait3A_145 = tpu.memref_slice %arg4[%add3A, %dma_wait3A_144] : memref<32x8192xf32, #tpu.memory_space<hbm>> -> memref<1x8192xf32, #tpu.memory_space<hbm>>
      %dma_wait3A_146 = tpu.memref_squeeze %dma_wait3A_145 : memref<1x8192xf32, #tpu.memory_space<hbm>> -> memref<8192xf32, #tpu.memory_space<hbm>>
      %dma_wait3A_147 = arith.constant 0 : i32
      %dma_wait3A_148 = tpu.memref_slice %arg4[%add3A, %dma_wait3A_147] : memref<32x8192xf32, #tpu.memory_space<hbm>> -> memref<1x8192xf32, #tpu.memory_space<hbm>>
      %dma_wait3A_149 = tpu.memref_squeeze %dma_wait3A_148 : memref<1x8192xf32, #tpu.memory_space<hbm>> -> memref<8192xf32, #tpu.memory_space<hbm>>
      %dma_wait3A_150 = arith.constant 16 : i32
      %dma_wait3A_151 = tpu.memref_slice %arg11[%dma_wait3A_150] : memref<8208xf32, #tpu.memory_space<vmem>> -> memref<8192xf32, #tpu.memory_space<vmem>>
      tpu.wait_dma2 semaphore(%run_scoped3A : memref<!tpu.dma_semaphore, #tpu.memory_space<semaphore_mem>>) src(%dma_wait3A_151 : memref<8192xf32, #tpu.memory_space<vmem>>) dst(%dma_wait3A_149 : memref<8192xf32, #tpu.memory_space<hbm>>)
      tpu.yield
    }) : () -> ()
    "tpu.region"() ({
      %run_scoped3A = tpu.sem_alloc : memref<!tpu.dma_semaphore, #tpu.memory_space<semaphore_mem>>
      %dma_start3A_132 = arith.constant 16 : i32
      %dma_start3A_133 = tpu.memref_slice %arg12[%dma_start3A_132] : memref<8208xf32, #tpu.memory_space<vmem>> -> memref<8192xf32, #tpu.memory_space<vmem>>
      %dma_start3A_134 = arith.constant 0 : i32
      %dma_start3A_135 = tpu.memref_slice %arg5[%add3A, %dma_start3A_134] : memref<32x8192xf32, #tpu.memory_space<hbm>> -> memref<1x8192xf32, #tpu.memory_space<hbm>>
      %dma_start3A_136 = tpu.memref_squeeze %dma_start3A_135 : memref<1x8192xf32, #tpu.memory_space<hbm>> -> memref<8192xf32, #tpu.memory_space<hbm>>
      %dma_start3A_137 = arith.constant 0 : i32
      %dma_start3A_138 = tpu.memref_slice %arg5[%add3A, %dma_start3A_137] : memref<32x8192xf32, #tpu.memory_space<hbm>> -> memref<1x8192xf32, #tpu.memory_space<hbm>>
      %dma_start3A_139 = tpu.memref_squeeze %dma_start3A_138 : memref<1x8192xf32, #tpu.memory_space<hbm>> -> memref<8192xf32, #tpu.memory_space<hbm>>
      %dma_start3A_140 = arith.constant 16 : i32
      %dma_start3A_141 = tpu.memref_slice %arg12[%dma_start3A_140] : memref<8208xf32, #tpu.memory_space<vmem>> -> memref<8192xf32, #tpu.memory_space<vmem>>
      tpu.enqueue_dma source(%dma_start3A_141 : memref<8192xf32, #tpu.memory_space<vmem>>) target(%dma_start3A_139 : memref<8192xf32, #tpu.memory_space<hbm>>) target_semaphore(%run_scoped3A : memref<!tpu.dma_semaphore, #tpu.memory_space<semaphore_mem>>)
      %dma_wait3A_142 = arith.constant 16 : i32
      %dma_wait3A_143 = tpu.memref_slice %arg12[%dma_wait3A_142] : memref<8208xf32, #tpu.memory_space<vmem>> -> memref<8192xf32, #tpu.memory_space<vmem>>
      %dma_wait3A_144 = arith.constant 0 : i32
      %dma_wait3A_145 = tpu.memref_slice %arg5[%add3A, %dma_wait3A_144] : memref<32x8192xf32, #tpu.memory_space<hbm>> -> memref<1x8192xf32, #tpu.memory_space<hbm>>
      %dma_wait3A_146 = tpu.memref_squeeze %dma_wait3A_145 : memref<1x8192xf32, #tpu.memory_space<hbm>> -> memref<8192xf32, #tpu.memory_space<hbm>>
      %dma_wait3A_147 = arith.constant 0 : i32
      %dma_wait3A_148 = tpu.memref_slice %arg5[%add3A, %dma_wait3A_147] : memref<32x8192xf32, #tpu.memory_space<hbm>> -> memref<1x8192xf32, #tpu.memory_space<hbm>>
      %dma_wait3A_149 = tpu.memref_squeeze %dma_wait3A_148 : memref<1x8192xf32, #tpu.memory_space<hbm>> -> memref<8192xf32, #tpu.memory_space<hbm>>
      %dma_wait3A_150 = arith.constant 16 : i32
      %dma_wait3A_151 = tpu.memref_slice %arg12[%dma_wait3A_150] : memref<8208xf32, #tpu.memory_space<vmem>> -> memref<8192xf32, #tpu.memory_space<vmem>>
      tpu.wait_dma2 semaphore(%run_scoped3A : memref<!tpu.dma_semaphore, #tpu.memory_space<semaphore_mem>>) src(%dma_wait3A_151 : memref<8192xf32, #tpu.memory_space<vmem>>) dst(%dma_wait3A_149 : memref<8192xf32, #tpu.memory_space<hbm>>)
      tpu.yield
    }) : () -> ()
    "tpu.region"() ({
      %run_scoped3A = tpu.sem_alloc : memref<!tpu.dma_semaphore, #tpu.memory_space<semaphore_mem>>
      %dma_start3A_132 = arith.constant 16 : i32
      %dma_start3A_133 = tpu.memref_slice %arg13[%dma_start3A_132] : memref<8208xf32, #tpu.memory_space<vmem>> -> memref<8192xf32, #tpu.memory_space<vmem>>
      %dma_start3A_134 = arith.constant 0 : i32
      %dma_start3A_135 = tpu.memref_slice %arg6[%add3A, %dma_start3A_134] : memref<32x8192xf32, #tpu.memory_space<hbm>> -> memref<1x8192xf32, #tpu.memory_space<hbm>>
      %dma_start3A_136 = tpu.memref_squeeze %dma_start3A_135 : memref<1x8192xf32, #tpu.memory_space<hbm>> -> memref<8192xf32, #tpu.memory_space<hbm>>
      %dma_start3A_137 = arith.constant 0 : i32
      %dma_start3A_138 = tpu.memref_slice %arg6[%add3A, %dma_start3A_137] : memref<32x8192xf32, #tpu.memory_space<hbm>> -> memref<1x8192xf32, #tpu.memory_space<hbm>>
      %dma_start3A_139 = tpu.memref_squeeze %dma_start3A_138 : memref<1x8192xf32, #tpu.memory_space<hbm>> -> memref<8192xf32, #tpu.memory_space<hbm>>
      %dma_start3A_140 = arith.constant 16 : i32
      %dma_start3A_141 = tpu.memref_slice %arg13[%dma_start3A_140] : memref<8208xf32, #tpu.memory_space<vmem>> -> memref<8192xf32, #tpu.memory_space<vmem>>
      tpu.enqueue_dma source(%dma_start3A_141 : memref<8192xf32, #tpu.memory_space<vmem>>) target(%dma_start3A_139 : memref<8192xf32, #tpu.memory_space<hbm>>) target_semaphore(%run_scoped3A : memref<!tpu.dma_semaphore, #tpu.memory_space<semaphore_mem>>)
      %dma_wait3A_142 = arith.constant 16 : i32
      %dma_wait3A_143 = tpu.memref_slice %arg13[%dma_wait3A_142] : memref<8208xf32, #tpu.memory_space<vmem>> -> memref<8192xf32, #tpu.memory_space<vmem>>
      %dma_wait3A_144 = arith.constant 0 : i32
      %dma_wait3A_145 = tpu.memref_slice %arg6[%add3A, %dma_wait3A_144] : memref<32x8192xf32, #tpu.memory_space<hbm>> -> memref<1x8192xf32, #tpu.memory_space<hbm>>
      %dma_wait3A_146 = tpu.memref_squeeze %dma_wait3A_145 : memref<1x8192xf32, #tpu.memory_space<hbm>> -> memref<8192xf32, #tpu.memory_space<hbm>>
      %dma_wait3A_147 = arith.constant 0 : i32
      %dma_wait3A_148 = tpu.memref_slice %arg6[%add3A, %dma_wait3A_147] : memref<32x8192xf32, #tpu.memory_space<hbm>> -> memref<1x8192xf32, #tpu.memory_space<hbm>>
      %dma_wait3A_149 = tpu.memref_squeeze %dma_wait3A_148 : memref<1x8192xf32, #tpu.memory_space<hbm>> -> memref<8192xf32, #tpu.memory_space<hbm>>
      %dma_wait3A_150 = arith.constant 16 : i32
      %dma_wait3A_151 = tpu.memref_slice %arg13[%dma_wait3A_150] : memref<8208xf32, #tpu.memory_space<vmem>> -> memref<8192xf32, #tpu.memory_space<vmem>>
      tpu.wait_dma2 semaphore(%run_scoped3A : memref<!tpu.dma_semaphore, #tpu.memory_space<semaphore_mem>>) src(%dma_wait3A_151 : memref<8192xf32, #tpu.memory_space<vmem>>) dst(%dma_wait3A_149 : memref<8192xf32, #tpu.memory_space<hbm>>)
      tpu.yield
    }) : () -> ()
    return
  }
}

module attributes {stable_mosaic.version = 14 : i64} {
  func.func @_merge_tc_body(%arg0: memref<512x128xf32, #tpu.memory_space<vmem>>, %arg1: memref<512x128xf32, #tpu.memory_space<vmem>>, %arg2: memref<256x128xf32, #tpu.memory_space<vmem>>, %arg3: memref<1x128xf32, #tpu.memory_space<vmem>>, %arg4: memref<512x128xf32, #tpu.memory_space<vmem>>) attributes {dimension_semantics = [], scalar_prefetch = 0 : i64, scratch_operands = 0 : i64, tpu.core_type = #tpu.core_type<tc>} {
    %get3A = arith.constant 0 : index
    %get3A_0 = arith.constant 0 : index
    %get3A_1 = vector.load %arg0[%get3A, %get3A_0] : memref<512x128xf32, #tpu.memory_space<vmem>>, vector<512x128xf32>
    %get3A_2 = arith.constant 0 : index
    %get3A_3 = arith.constant 0 : index
    %get3A_4 = vector.load %arg1[%get3A_2, %get3A_3] : memref<512x128xf32, #tpu.memory_space<vmem>>, vector<512x128xf32>
    %get3A_5 = arith.constant 0 : index
    %get3A_6 = arith.constant 0 : index
    %get3A_7 = vector.load %arg2[%get3A_5, %get3A_6] : memref<256x128xf32, #tpu.memory_space<vmem>>, vector<128x128xf32>
    %dot_general3A = arith.constant dense<0.000000e+00> : vector<512x128xf32>
    %dot_general3A_8 = tpu.matmul %get3A_1, %get3A_7, %dot_general3A {dimension_numbers = #tpu.dot_dimension_numbers<[1], [0], [0], [1], [0, 0, 1, 1], [], []>, transpose_lhs_hint = false} : vector<512x128xf32>, vector<128x128xf32>, vector<512x128xf32> -> vector<512x128xf32>
    %get3A_9 = arith.constant 128 : index
    %get3A_10 = arith.constant 0 : index
    %get3A_11 = vector.load %arg2[%get3A_9, %get3A_10] : memref<256x128xf32, #tpu.memory_space<vmem>>, vector<128x128xf32>
    %dot_general3A_12 = arith.constant dense<0.000000e+00> : vector<512x128xf32>
    %dot_general3A_13 = tpu.matmul %get3A_4, %get3A_11, %dot_general3A_12 {dimension_numbers = #tpu.dot_dimension_numbers<[1], [0], [0], [1], [0, 0, 1, 1], [], []>, transpose_lhs_hint = false} : vector<512x128xf32>, vector<128x128xf32>, vector<512x128xf32> -> vector<512x128xf32>
    %add3A = arith.addf %dot_general3A_8, %dot_general3A_13 : vector<512x128xf32>
    %get3A_14 = arith.constant 0 : index
    %get3A_15 = arith.constant 0 : index
    %get3A_16 = vector.load %arg3[%get3A_14, %get3A_15] : memref<1x128xf32, #tpu.memory_space<vmem>>, vector<1x128xf32>
    %add3A_17 = vector.broadcast %get3A_16 : vector<1x128xf32> to vector<512x128xf32>
    %add3A_18 = arith.addf %add3A, %add3A_17 : vector<512x128xf32>
    %logistic3A = arith.negf %add3A_18 : vector<512x128xf32>
    %logistic3A_19 = math.exp %logistic3A : vector<512x128xf32>
    %logistic3A_20 = arith.constant 1.000000e+00 : f32
    %logistic3A_21 = vector.broadcast %logistic3A_20 : f32 to vector<512x128xf32>
    %logistic3A_22 = arith.addf %logistic3A_21, %logistic3A_19 : vector<512x128xf32>
    %logistic3A_23 = arith.divf %logistic3A_21, %logistic3A_22 : vector<512x128xf32>
    %mul3A = arith.mulf %logistic3A_23, %get3A_1 : vector<512x128xf32>
    %sub3A = arith.constant 1.000000e+00 : f32
    %sub3A_24 = vector.broadcast %sub3A : f32 to vector<512x128xf32>
    %sub3A_25 = arith.subf %sub3A_24, %logistic3A_23 : vector<512x128xf32>
    %mul3A_26 = arith.mulf %sub3A_25, %get3A_4 : vector<512x128xf32>
    %add3A_27 = arith.addf %mul3A, %mul3A_26 : vector<512x128xf32>
    %swap3A = arith.constant 0 : index
    %swap3A_28 = arith.constant 0 : index
    %swap3A_29 = vector.load %arg4[%swap3A, %swap3A_28] : memref<512x128xf32, #tpu.memory_space<vmem>>, vector<512x128xf32>
    tpu.vector_store %arg4[%swap3A, %swap3A_28], %add3A_27 {strides = array<i32>} : memref<512x128xf32, #tpu.memory_space<vmem>>, vector<512x128xf32>,
    return
  }
}

</mosaic_0001>

<sc_bundles>
// kernel: kernel.5.cloned.1.call-start
scs
__scs_entry_jumppad:
0x0: {  	(pc) =	sbr.rel $0x88, $3  }
0x1: {  	(tag) =	ssettag $0x0;
	lr =	simm.s32 $0x1  }
0x2: {  	[smem:$0x3F9D] =	sst lr;
	_ =	strace $0xD0000000  }
0x3: {  	_ = 	snop  }
0x4: {  	_ = 	snop  }
0x5: {  	_ = 	snop  }
0x6: {  	_ = 	snop  }
0x7: {  	_ = 	snop  }
__scs_overlays_trampoline_lowered:
0x8: {  	[smem:$0x3FAC] =	sst s0  }
0x9: {  	[smem:$0x3FAD] =	sst s1  }
0xa: {  	[smem:$0x3FAE] =	sst s2  }
0xb: {  	[smem:$0x3FAF] =	sst s3  }
0xc: {  	[smem:$0x3FB0] =	sst s4  }
0xd: {  	[smem:$0x3FB1] =	sst s5  }
0xe: {  	[smem:$0x3FB2] =	sst s6  }
0xf: {  	[smem:$0x3FB3] =	sst s7  }
0x10: {  	[smem:$0x3FB4] =	sst s8  }
0x11: {  	[smem:$0x3FB5] =	sst s9;
	s0 =	simm.s32 @!p0 $0x0  }
0x12: {  	s1 =	sld [smem:$0x3F9B];
	s0 =	simm.s32 @p0 $0x1  }
0x13: {  	[smem:$0x3FB6] =	sst s0;
	s0 =	simm.s32 @!p1 $0x0  }
0x14: {  	s2 =	sld [smem:$0x3F9A];
	s0 =	simm.s32 @p1 $0x1  }
0x15: {  	[smem:$0x3FB7] =	sst s0;
	s0 =	simm.s32 @!p2 $0x0  }
0x16: {  	s3 =	sld [smem:$0x3FDB];
	s0 =	simm.s32 @p2 $0x1  }
0x17: {  	s4 =	simm.s32 $0x1BF5;
	[smem:$0x3FB9] =	sst s0  }
0x18: {  	s0 =	sld [smem:$0x3F9C];
	_ =	swait.ge [sflag:s4], $0x0  }
0x19: {  	s7 =	sld [smem:$0x3F9D]  }
0x1a: {  	s8 =	sadd.s32 $0xFFFFE003, lr  }
0x1b: {  	s9 =	sadd.s32 $0xFFFFFEF7, lr;
	s5 =	simm.s32 $0xFFFFFFFF;
	p2 =	slt.u32 s8, $0xFFFFF086  }
0x1c: {  	p1 =	slt.u32 s9, $0xF7A;
	s5 =	simm.s32 @!p2 $0x0  }
0x1d: {  	s5 =	simm.s32 @p1 $0x1;
	p0 =	seq.s32 s7, s2  }
0x1e: {  	s7 =	smul.u32 @!p0 $0xF7A, s2;
	p2 =	seq.s32 @!p0 s5, $0x0  }
0x1f: {  	s9 =	smul.u32 $0xF7A, s1;
	s8 =	simm.s32 @!p0 $0x1BF5;
	p2 =	por !p2, p0  }
0x20: {  	[sflag:s8] =	ssyncset.s32 @!p0 $0xFFFFF086;
	s6 =	sadd.s32 @!p0 s3, s7;
	s7 =	simm.s32 @!p0 $0x108  }
0x21: {  	s3 =	sadd.s32 s3, s9;
	s6 =	sadd.s32 @!p0 $0x88, s6;
	s7 =	simm.s32 @p2 $0x1082  }
0x22: {  	[simem:s7], [sflag:s8] =	dma.local @!p0 [hbm:s6], $0xF7A  }
0x23: {  	s9 =	sor.u32 $0xD0000000, s2;
	s6 =	simm.s32 $0x108;
	_ =	swait.ge @!p0 [sflag:s8], $0x0  }
0x24: {  	s3 =	sadd.s32 $0x88, s3;
	s6 =	simm.s32 @!p1 $0x1082;
	[sflag:s4] =	ssyncset.s32 $0xFFFFF086  }
0x25: {  	[simem:s6], [sflag:s4] =	dma.local [hbm:s3], $0xF7A  }
0x26: {  	[smem:$0x3F9D] =	sst s1;
	(tag) =	ssettag s2;
	_ =	strace s9  }
0x27: {  	s1 =	sld [smem:$0x3FAD]  }
0x28: {  	s2 =	sld [smem:$0x3FAE]  }
0x29: {  	s4 =	sld [smem:$0x3FB0]  }
0x2a: {  	p0 =	seq.s32 s5, $0x0;
	s5 =	sld [smem:$0x3FB1]  }
0x2b: {  	s6 =	sld [smem:$0x3FB2]  }
0x2c: {  	s7 =	sld [smem:$0x3FB3]  }
0x2d: {  	s3 =	simm.s32 $0x108;
	s8 =	sld [smem:$0x3FB4]  }
0x2e: {  	s3 =	simm.s32 @!p0 $0x1082;
	s9 =	sld [smem:$0x3FB5]  }
0x2f: {  	lr =	sadd.s32 s0, s3;
	s0 =	sld [smem:$0x3FAC]  }
0x30: {  	s3 =	sld [smem:$0x3FAF]  }
0x31: {  	[smem:$0x3FB8] =	sst s10  }
0x32: {  	s10 =	sld [smem:$0x3FB6];
	_ =	sdelay $0x3  }
0x33: {  	p0 =	seq.s32 s10, $0x1;
	s10 =	sld [smem:$0x3FB8];
	_ =	sdelay $0x3  }
0x34: {  	[smem:$0x3FB8] =	sst s10  }
0x35: {  	s10 =	sld [smem:$0x3FB7];
	_ =	sdelay $0x3  }
0x36: {  	p1 =	seq.s32 s10, $0x1;
	s10 =	sld [smem:$0x3FB8];
	_ =	sdelay $0x3  }
0x37: {  	[smem:$0x3FB8] =	sst s10  }
0x38: {  	s10 =	sld [smem:$0x3FB9]  }
0x39: {  	_ = 	snop;
	(pc) =	sbr.ind lr, $3  }
0x3a: {  	_ = 	snop  }
0x3b: {  	_ = 	snop  }
0x3c: {  	p2 =	seq.s32 s10, $0x1;
	s10 =	sld [smem:$0x3FB8]  }
0x3d: {  	_ =	shalt  }
0x3e: {  	_ =	shalt  }
0x3f: {  	_ =	shalt  }
0x40: {  	_ =	shalt  }
0x41: {  	_ =	shalt  }
0x42: {  	_ =	shalt  }
0x43: {  	_ =	shalt  }
0x44: {  	_ =	shalt  }
0x45: {  	_ =	shalt  }
0x46: {  	_ =	shalt  }
0x47: {  	_ =	shalt  }
0x48: {  	_ =	shalt  }
0x49: {  	_ =	shalt  }
0x4a: {  	_ =	shalt  }
0x4b: {  	_ =	shalt  }
0x4c: {  	_ =	shalt  }
0x4d: {  	_ =	shalt  }
0x4e: {  	_ =	shalt  }
0x4f: {  	_ =	shalt  }
0x50: {  	_ =	shalt  }
0x51: {  	_ =	shalt  }
0x52: {  	_ =	shalt  }
0x53: {  	_ =	shalt  }
0x54: {  	_ =	shalt  }
0x55: {  	_ =	shalt  }
0x56: {  	_ =	shalt  }
0x57: {  	_ =	shalt  }
0x58: {  	_ =	shalt  }
0x59: {  	_ =	shalt  }
0x5a: {  	_ =	shalt  }
0x5b: {  	_ =	shalt  }
0x5c: {  	_ =	shalt  }
0x5d: {  	_ =	shalt  }
0x5e: {  	_ =	shalt  }
0x5f: {  	_ =	shalt  }
0x60: {  	_ =	shalt  }
0x61: {  	_ =	shalt  }
0x62: {  	_ =	shalt  }
0x63: {  	_ =	shalt  }
0x64: {  	_ =	shalt  }
0x65: {  	_ =	shalt  }
0x66: {  	_ =	shalt  }
0x67: {  	_ =	shalt  }
0x68: {  	_ =	shalt  }
0x69: {  	_ =	shalt  }
0x6a: {  	_ =	shalt  }
0x6b: {  	_ =	shalt  }
0x6c: {  	_ =	shalt  }
0x6d: {  	_ =	shalt  }
0x6e: {  	_ =	shalt  }
0x6f: {  	_ =	shalt  }
0x70: {  	_ =	shalt  }
0x71: {  	_ =	shalt  }
0x72: {  	_ =	shalt  }
0x73: {  	_ =	shalt  }
0x74: {  	_ =	shalt  }
0x75: {  	_ =	shalt  }
0x76: {  	_ =	shalt  }
0x77: {  	_ =	shalt  }
0x78: {  	_ =	shalt  }
0x79: {  	_ =	shalt  }
0x7a: {  	_ =	shalt  }
0x7b: {  	_ =	shalt  }
0x7c: {  	_ =	shalt  }
0x7d: {  	_ =	shalt  }
0x7e: {  	_ =	shalt  }
0x7f: {  	_ =	shalt  }
0x80: {  	_ =	shalt  }
0x81: {  	_ =	shalt  }
0x82: {  	_ =	shalt  }
0x83: {  	_ =	shalt  }
0x84: {  	_ =	shalt  }
0x85: {  	_ =	shalt  }
0x86: {  	_ =	shalt  }
0x87: {  	_ =	shalt  }
.Lfunc_end0:
.L_simem_size_0:
called_computation_lowered:
.L_overlay_start_0:
0x88: {  	s2 =	sld [smem:$0x3FD9]  }
0x89: {  	s3 =	sld [smem:$0x3FFE];
	_ =	sdelay $0x1  }
0x8a: {  	s1 =	srdreg.scid  }
0x8b: {  	s0 =	sand.u32 $0x1, s1  }
0x8c: {  	s17 =	sshll.u32 s0, $0xA;
	s2 =	sadd.s32 s3, s2  }
0x8d: {  	s2 =	sadd.s32 s2, s17  }
0x8e: {  	[smem:$0x3FC4] =	sst s2  }
0x8f: {  	_ = 	snop  }
0x90: {  	s2 =	sld [smem:$0x3FC9]  }
0x91: {  	s18 =	sld [smem:$0x3FC8];
	(tm) =	ssettm $0x1  }
0x92: {  	s4 =	sld [smem:$0x3FFB];
	_ =	sdelay $0x3  }
0x93: {  	_ =	strace s4  }
0x94: {  	s4 =	sld [smem:$0x3FFC];
	_ =	sdelay $0x3  }
0x95: {  	_ =	strace s4  }
0x96: {  	s4 =	sld [smem:$0x3FFD];
	_ =	sdelay $0x3  }
0x97: {  	_ =	strace s4  }
0x98: {  	_ =	strace $0x8FFFFFFF  }
0x99: {  	s19 =	sld [smem:$0x3FDB];
	_ =	sdelay $0x1  }
0x9a: {  	s5 =	simm.s32 $_scs_section_size  }
0x9b: {  	s6 =	simm.s32 $_size__tile_overlayer_lowered;
	s7 =	simm.s32 $_tile_overlayer_lowered  }
0x9c: {  	s22 =	simm.s32 $0x1BFF;
	s21 =	sshll.u32 s7, $0x1;
	s4 =	sadd.s32 s5, s19  }
0x9d: {  	s8 =	simm.s32 $0x0;
	s20 =	sshll.u32 s6, $0x1;
	s6 =	sadd.s32 s21, s4  }
0x9e: {  	[timem:s8], [sflag:s22] =	dma.local [hbm:s6], s20  }
0x9f: {  	_ =	swait.ge [sflag:s22], s20  }
0xa0: {  	s5 =	ssub.s32 $0x0, s20;
	[sflag:s22] =	ssyncset.done $0x0  }
0xa1: {  	[sflag:s22] =	ssyncadd.s32 s5;
	_ =	sdelay $0x1  }
0xa2: {  	s23 =	simm.s32 $0x1B8B  }
0xa3: {  	_ =	swait.ge [sflag:s23], $0x1  }
0xa4: {  	[sflag:s23] =	ssyncset.done $0x0  }
0xa5: {  	s25 =	simm.s32 $0x1B8E;
	s24 =	sld [smem:$0x3FFE];
	[sflag:s23] =	ssyncadd.s32 $0xFFFFFFFF  }
0xa6: {  	s26 =	simm.s32 $execute0_lowered;
	[smem:$0x3FD2] =	sst s25  }
0xa7: {  	s6 =	sshll.u32 s26, $0x1;
	_ =	strace $0x80000046;
	[dreg:$0x1] =	wrdreg $0xFFFFFFFF  }
0xa8: {  	s28 =	simm.s32 $_size_execute0_lowered;
	s4 =	sadd.s32 s4, s6;
	[dreg:$0x0] =	wrdreg $0x0  }
0xa9: {  	s6 =	sshll.u32 s28, $0x1;
	[dreg:$0x2] =	wrdreg s4  }
0xaa: {  	[dreg:$0x3] =	wrdreg s6  }
0xab: {  	[dreg:$0x4] =	wrdreg $0xC0  }
0xac: {  	_ =	task [dreg:s8], $0x5FFFF  }
0xad: {  	[dreg:$0x1] =	wrdreg $0xFFFFFFFF  }
0xae: {  	[dreg:$0x0] =	wrdreg $0x60  }
0xaf: {  	[dreg:$0x2] =	wrdreg s2  }
0xb0: {  	[dreg:$0x3] =	wrdreg s18  }
0xb1: {  	[dreg:$0x4] =	wrdreg s24  }
0xb2: {  	[dreg:$0x5] =	wrdreg $0x9  }
0xb3: {  	_ =	task.clear_ibuf [dreg:s8], $0x6FFFF;
	_ =	strace $0x90000046  }
0xb4: {  	s29 =	simm.s32 $0x9;
	_ =	strace $0x80000048  }
0xb5: {  	_ =	swait.ge [sflag:s29], $0x1  }
0xb6: {  	[sflag:s29] =	ssyncadd.s32 $0xFFFFFFFF  }
0xb7: {  	_ =	strace $0x90000048  }
0xb8: {  	_ =	sfence  }
0xb9: {  	s30 =	sld [smem:$0x0];
	_ =	sdelay $0x2  }
0xba: {  	s31 =	sshll.u32 s1, $0xD;
	s1 =	sshrl.u32 s1, $0x2  }
0xbb: {  	s3 =	sand.u32 $0x4000, s31;
	s1 =	sadd.s32 s1, s30  }
0xbc: {  	s0 =	sor.u32 s3, s0;
	s1 =	sshll.u32 s1, $0x11  }
0xbd: {  	s0 =	sor.u32 s1, s0  }
0xbe: {  	s0 =	sadd.s32 $0x8F2B, s0  }
0xbf: {  	[sflag:s0] =	ssyncadd.remote.s32 $0x1  }
0xc0: {  	_ =	sfence.sel $0xFFFF  }
0xc1: {  	[dreg:$0x0] =	wrdreg $0xFFFFFFFF;
	(pc) =	sbr.abs _section_cstart, $3  }
0xc2: {  	[dreg:$0x1] =	wrdreg $0xFFFFFFFF  }
0xc3: {  	_ =	task.clear_ibuf [dreg:s8], $0x2FFFF;
	_ =	strace $0x9FFFFFFF  }
0xc4: {  	(tm) =	ssettm $0x7FFFFFFF  }
0xc5: {  	_ =	shalt  }
tec
execute0_lowered:
.L_overlay_start_1:
0x0: {  	(tag) =	ssettag $0x1  }
0x1: {  	s0 =	srdreg.scid;
	s1 =	rddreg [dreg:$0x0]  }
0x2: {  	s3 =	stileid.u32;
	s6 =	rddreg [dreg:$0x2];
	s7 =	simm.s32 $0x1  }
0x3: {  	s4 =	simm.s32 $0x0;
	s15 =	simm.s32 $0x10;
	s16 =	simm.s32 $0x80  }
0x4: {  	s17 =	simm.s32 $0x3E80;
	s18 =	simm.s32 $0x4278;
	s0 =	sand.u32 $0x1, s0  }
0x5: {  	s19 =	simm.s32 $0x80F8;
	s20 =	simm.s32 $0x2;
	s2 =	sshll.u32 s0, $0x4  }
0x6: {  	s22 =	simm.s32 $0x3;
	s5 =	sand.u32 $0x7, s3;
	s2 =	sor.u32 s3, s2  }
0x7: {  	s25 =	simm.s32 $0x0;
	p1 =	sne.s32 s5, $0x0;
	p0 =	seq.s32 s2, $0x0  }
0x8: {  	[smem:$0x7FF] =	sst s4;
	s0 =	ssub.s32 $0x2, s0;
	p0 =	por !p1, !p0  }
0x9: {  	s5 =	sshll.u32 s5, $0x4;
	s3 =	rddreg [dreg:$0x1];
	p0 =	por !p0, !p0  }
0xa: {  	_ =	strace $0x80000047;
	s8 =	sshrl.u32 s2, $0x3;
	s7 =	simm.s32 @!p0 $0x0  }
0xb: {  	s9 =	sshrl.u32 s0, $0x1;
	s2 =	sshll.u32 s2, $0xA;
	s7 =	ssub.s32 s8, s7  }
0xc: {  	s0 =	ssub.s32 s0, s9;
	s2 =	sadd.s32 s2, s6;
	s8 =	smul.u32 $0x30D400, s7  }
0xd: {  	s6 =	simm.s32 $0x1;
	s30 =	sadd.s32 $0x1600, s2;
	s31 =	sadd.s32 $0x9600, s2  }
0xe: {  	[dreg:$0x6] =	wrdreg s30;
	s7 =	smul.u32 $0x61A8, s7;
	s8 =	sor.u32 s5, s8  }
0xf: {  	s2 =	sadd.s32 $0x11600, s2;
	[dreg:$0x7] =	wrdreg s31;
	s8 =	sshrl.u32 s8, $0x3  }
0x10: {  	[dreg:$0x8] =	wrdreg s2;
	s29 =	sshrl.u32 s7, $0x3;
	s8 =	sadd.s32 s1, s8  }
0x11: {  	s14 =	smax.u32 s0, $0x1;
	[dreg:$0x4] =	wrdreg s8;
	s8 =	sadd.s32 s3, s29  }
0x12: {  	v0 =	vimm.f32 $0.0e+00;
	v1 =	vimm.f32 $-Inf;
	s9 =	sadd.s32 $0x3E8, s7;
	s10 =	sadd.s32 $0x7D0, s7;
	[dreg:$0x5] =	wrdreg s8  }
.LBB2_1:
0x13: {  	s0 =	simm.s32 $0x40;
	s2 =	simm.s32 $0x0  }
.LBB2_2:
0x14: {  	p0 =	sne.s32 s0, $0x8000;
	[tilespmem:s2+$0xC510] =	vst v0;
	s7 =	smov.u32 s0;
	s0 =	sadd.s32 $0x40, s0  }
.Ltmp0:
0x15: {  	[tilespmem:s2+$0x84F0] =	vst v0;
	(pc) =	sbr.rel @p0 .LBB2_2-.Ltmp0, $2  }
0x16: {  	[tilespmem:s2+$0xA500] =	vst v1;
	_ =	sdelay $0x2  }
0x17: {  	s2 =	sshra.s32 s7, $0x2  }
0x18: {  	[tilespmem:s2+$0xC510] =	vst v0  }
0x19: {  	[tilespmem:s2+$0x84F0] =	vst v0  }
0x1a: {  	[tilespmem:s2+$0xA500] =	vst v1  }
0x1b: {  	s0 =	rddreg [dreg:$0x4];
	[tilespmem:$0xE520] =	vst v0  }
0x1c: {  	s26 =	simm.s32 $0x0;
	s31 =	rddreg [dreg:$0x5];
	[tilespmem:$0xE530] =	vst v1  }
0x1d: {  	[tilespmem:s26], [sflag:$0x1] =	stream.strided.gather [hbm4b:s0+s15], $0x3E80, s16, s15, $0x38;
	[tilespmem:$0xE540] =	vst v63  }
0x1e: {  	s11 =	simm.s32 $0xFFFFFFFF;
	s29 =	simm.f32 $0.0e+00;
	s28 =	simm.s32 $0x0  }
0x1f: {  	[tilespmem:s17], [sflag:$0x1] =	stream.linear.gather [hbm4b:s31+s26], $0x3E8, $0x38;
	[tilespmem:$0xE540] =	vst v63  }
.LBB2_4:
0x20: {  	s31 =	smul.u32 $0x7D0, s28  }
0x21: {  	_ =	swait.ge [sflag:s6], $0x3E80  }
0x22: {  	[sflag:s6] =	ssyncset.done $0x0;
	s0 =	sadd.s32 s31, s9  }
0x23: {  	[sflag:s6] =	ssyncadd.s32 $0xFFFFC180;
	s2 =	sshll.u32 s0, $0x7  }
0x24: {  	_ =	swait.ge [sflag:s6], $0x3E8;
	s2 =	sor.u32 s5, s2  }
0x25: {  	s0 =	sshrl.u32 s0, $0x3;
	[sflag:s6] =	ssyncset.done $0x0;
	s2 =	sshrl.u32 s2, $0x3  }
.Ltmp1:
0x26: {  	[sflag:s6] =	ssyncadd.s32 $0xFFFFFC18;
	s2 =	sadd.s32 s1, s2;
	(pc) =	sbr.rel .LBB2_5-.Ltmp1, $4  }
0x27: {  	[tilespmem:s18], [sflag:$0x2] =	stream.strided.gather [hbm4b:s2+s15], $0x3E80, s16, s15, $0x38;
	[tilespmem:$0xE540] =	vst v63  }
0x28: {  	s0 =	sadd.s32 s3, s0  }
0x29: {  	[tilespmem:s19], [sflag:$0x2] =	stream.linear.gather [hbm4b:s0+s26], $0x3E8, $0x38;
	[tilespmem:$0xE540] =	vst v63  }
0x2a: {  	s21 =	simm.s32 $0x0;
	s2 =	simm.s32 $0x3E80;
	s0 =	simm.s32 $0x0  }
.LBB2_43:
0x2b: {  	s7 =	sshll.u32 s21, $0x9  }
0x2c: {  	s23 =	sand.u32 $0x3FFFFE00, s7  }
0x2d: {  	v4 =	vld [tilespmem:s23+$0x0];
	_ =	sdelay $0x1  }
0x2e: {  	v5 =	vld [tilespmem:s23+$0x10];
	_ =	sdelay $0x1  }
0x2f: {  	v6 =	vld [tilespmem:s23+$0x20]  }
0x30: {  	v3 =	vadd.f32 v4, v3  }
0x31: {  	v7 =	vld [tilespmem:s23+$0x30]  }
0x32: {  	v3 =	vadd.f32 v5, v3  }
0x33: {  	v8 =	vld [tilespmem:s23+$0x40]  }
0x34: {  	v3 =	vadd.f32 v6, v3  }
0x35: {  	v9 =	vld [tilespmem:s23+$0x50]  }
0x36: {  	v3 =	vadd.f32 v7, v3  }
0x37: {  	v10 =	vld [tilespmem:s23+$0x60]  }
0x38: {  	v3 =	vadd.f32 v8, v3  }
0x39: {  	v11 =	vld [tilespmem:s23+$0x70]  }
0x3a: {  	v3 =	vadd.f32 v9, v3  }
0x3b: {  	v12 =	vld [tilespmem:s23+$0x80]  }
0x3c: {  	v3 =	vadd.f32 v10, v3  }
0x3d: {  	v13 =	vld [tilespmem:s23+$0x90]  }
0x3e: {  	v3 =	vadd.f32 v11, v3  }
0x3f: {  	v14 =	vld [tilespmem:s23+$0xA0]  }
0x40: {  	v3 =	vadd.f32 v12, v3  }
0x41: {  	v15 =	vld [tilespmem:s23+$0xB0]  }
0x42: {  	v3 =	vadd.f32 v13, v3  }
0x43: {  	v16 =	vld [tilespmem:s23+$0xC0]  }
0x44: {  	v3 =	vadd.f32 v14, v3  }
0x45: {  	v17 =	vld [tilespmem:s23+$0xD0]  }
0x46: {  	v3 =	vadd.f32 v15, v3  }
0x47: {  	v18 =	vld [tilespmem:s23+$0xE0]  }
0x48: {  	s30 =	sor.u32 $0x10, s8;
	v3 =	vadd.f32 v16, v3  }
0x49: {  	s7 =	sshll.u32 s30, $0x4;
	v19 =	vld [tilespmem:s23+$0xF0]  }
0x4a: {  	s7 =	sand.u32 $0x3FFFFFF0, s7;
	v3 =	vadd.f32 v17, v3  }
0x4b: {  	v20 =	vld [tilespmem:s7+$0x0]  }
0x4c: {  	v3 =	vadd.f32 v18, v3  }
0x4d: {  	v21 =	vld [tilespmem:s23+$0x110]  }
0x4e: {  	v3 =	vadd.f32 v19, v3  }
0x4f: {  	v22 =	vld [tilespmem:s23+$0x120];
	v2 =	vmax.f32 v2, v4  }
0x50: {  	v2 =	vmax.f32 v2, v5;
	v3 =	vadd.f32 v20, v3  }
0x51: {  	v4 =	vld [tilespmem:s23+$0x130];
	v2 =	vmax.f32 v2, v6  }
0x52: {  	v2 =	vmax.f32 v2, v7;
	v3 =	vadd.f32 v21, v3  }
0x53: {  	v5 =	vld [tilespmem:s23+$0x140];
	v2 =	vmax.f32 v2, v8  }
0x54: {  	v2 =	vmax.f32 v2, v9;
	v3 =	vadd.f32 v22, v3  }
0x55: {  	v55 =	vld [tilespmem:s23+$0x150];
	v2 =	vmax.f32 v2, v10  }
0x56: {  	v2 =	vmax.f32 v2, v11;
	v3 =	vadd.f32 v4, v3  }
0x57: {  	v56 =	vld [tilespmem:s23+$0x160];
	v2 =	vmax.f32 v2, v12  }
0x58: {  	v2 =	vmax.f32 v2, v13;
	v3 =	vadd.f32 v5, v3  }
0x59: {  	v57 =	vld [tilespmem:s23+$0x170];
	v2 =	vmax.f32 v2, v14  }
0x5a: {  	v2 =	vmax.f32 v2, v15;
	v3 =	vadd.f32 v55, v3  }
0x5b: {  	v58 =	vld [tilespmem:s23+$0x180];
	v2 =	vmax.f32 v2, v16  }
0x5c: {  	v2 =	vmax.f32 v2, v17;
	v3 =	vadd.f32 v56, v3  }
0x5d: {  	v59 =	vld [tilespmem:s23+$0x190];
	v2 =	vmax.f32 v2, v18  }
0x5e: {  	v2 =	vmax.f32 v2, v19;
	v3 =	vadd.f32 v57, v3  }
0x5f: {  	v60 =	vld [tilespmem:s23+$0x1A0];
	v2 =	vmax.f32 v2, v20  }
0x60: {  	v2 =	vmax.f32 v2, v21;
	v3 =	vadd.f32 v58, v3  }
0x61: {  	v61 =	vld [tilespmem:s23+$0x1B0];
	v2 =	vmax.f32 v2, v22  }
0x62: {  	v2 =	vmax.f32 v2, v4;
	v3 =	vadd.f32 v59, v3  }
0x63: {  	v62 =	vld [tilespmem:s23+$0x1C0];
	v2 =	vmax.f32 v2, v5  }
0x64: {  	v2 =	vmax.f32 v2, v55;
	v3 =	vadd.f32 v60, v3  }
0x65: {  	v2 =	vmax.f32 v2, v56;
	v4 =	vld [tilespmem:s23+$0x1D0]  }
0x66: {  	v2 =	vmax.f32 v2, v57;
	v3 =	vadd.f32 v61, v3  }
0x67: {  	v2 =	vmax.f32 v2, v58;
	v5 =	vld [tilespmem:s23+$0x1E0]  }
0x68: {  	v2 =	vmax.f32 v2, v59;
	v3 =	vadd.f32 v62, v3  }
0x69: {  	v63 =	vld [tilespmem:s23+$0x1F0];
	v2 =	vmax.f32 v2, v60  }
0x6a: {  	v2 =	vmax.f32 v2, v61;
	v3 =	vadd.f32 v4, v3  }
0x6b: {  	v2 =	vmax.f32 v2, v62  }
0x6c: {  	v2 =	vmax.f32 v2, v4;
	v3 =	vadd.f32 v5, v3  }
0x6d: {  	v2 =	vmax.f32 v2, v5  }
0x6e: {  	v4 =	vadd.f32 v63, v3;
	v3 =	vmax.f32 v2, v63  }
0x6f: {  	[tilespmem:$0xE530] =	vst v3  }
0x70: {  	s29 =	sadd.f32 $3.200000000e+01, s29;
	[tilespmem:$0xE520] =	vst v4  }
.LBB2_13:
0x71: {  	s21 =	sadd.s32 $0x1, s21  }
0x72: {  	p0 =	sne.s32 s21, $0x1F  }
.Ltmp2:
0x73: {  	_ = 	snop;
	(pc) =	sbr.rel @!p0 .LBB2_14-.Ltmp2, $2  }
0x74: {  	_ =	sdelay $0x2  }
0x75: {  	s0 =	sadd.s32 $0x200, s0;
	s2 =	sadd.s32 $0x20, s2  }
.LBB2_5:
0x76: {  	s8 =	sshll.u32 s21, $0x5  }
0x77: {  	v2 =	vld [tilespmem:s8+$0x3E80]  }
0x78: {  	v3 =	vld [tilespmem:s8+$0x3E90];
	_ =	sdelay $0x3  }
0x79: {  	(v2sf) =	vpush v2, $0x0  }
0x7a: {  	(v2sf) =	vpush v3, $0xF;
	_ =	sdelay $0xd  }
0x7b: {  	s7 =	spop (v2sf)  }
0x7c: {  	s12 =	spop (v2sf);
	p0 =	sne.s32 s7, s11  }
0x7d: {  	p1 =	sne.s32 @!p0 s12, s11  }
0x7e: {  	p1 =	por p0, p1  }
.Ltmp3:
0x7f: {  	_ = 	snop;
	(pc) =	sbr.rel @!p1 .LBB2_43-.Ltmp3, $3  }
0x80: {  	_ =	sdelay $0x1  }
0x81: {  	v2 =	vld [tilespmem:$0xE530]  }
0x82: {  	v3 =	vld [tilespmem:$0xE520]  }
0x83: {  	v5 =	vmov s2;
	_ =	sdelay $0x1  }
0x84: {  	s7 =	simm.s32 $0x0  }
0x85: {  	s7 =	simm.s32 @p0 $0x0  }
0x86: {  	s12 =	sshra.s32 s7, $0x2  }
0x87: {  	p1 =	sne.s32 s7, $0x7C;
	v4 =	vld.idx.msk [tilespmem:v5+s12+$0x0 ss:$0x1], $0xffff  }
.Ltmp4:
0x88: {  	_ = 	snop;
	(pc) =	sbr.rel @!p1 .LBB2_7-.Ltmp4, $3  }
0x89: {  	_ =	sdelay $0x1  }
0x8a: {  	s8 =	smov.u32 s0;
	s29 =	smov.u32 @p0 s29;
	s11 =	smov.u32 @p0 s11  }
0x8b: {  	s8 =	smov.u32 @p0 s0;
	s7 =	sadd.s32 $0x4, s7;
	v2 =	vpsel p0, v2, v2;
	v3 =	vpsel p0, v3, v3;
	p0 =	por $0x0, $0x0;
	(v2sf) =	vpush v4, $0x0  }
0x8c: {  	_ =	sdelay $0x5  }
0x8d: {  	s12 =	sshll.u32 s11, $0x4;
	v6 =	vmov s29  }
0x8e: {  	v4 =	vld [tilespmem:s8+$0x0];
	[tilespmem:s12+$0xC520] =	vst v6  }
0x8f: {  	[tilespmem:s12+$0x8500] =	vst v3  }
0x90: {  	s24 =	sshra.s32 s7, $0x2;
	[tilespmem:s12+$0xA510] =	vst v2  }
0x91: {  	p2 =	sne.s32 s7, $0x7C;
	v7 =	vld.idx.msk [tilespmem:v5+s24+$0x0 ss:$0x1], $0xffff  }
.Ltmp5:
0x92: {  	_ = 	snop;
	(pc) =	sbr.rel @!p2 .LBB2_9-.Ltmp5, $4  }
0x93: {  	_ = 	snop  }
0x94: {  	p0 =	por $0x1, $0x1  }
0x95: {  	s23 =	smov.u32 s8;
	s24 =	sadd.f32 $1.000000000e+00, s29;
	s30 =	spop (v2sf)  }
0x96: {  	s12 =	sadd.s32 $0x4, s7;
	v6 =	vadd.f32 v4, v3;
	(v2sf) =	vpush v7, $0x0;
	v7 =	vmax.f32 v2, v4;
	p1 =	seq.s32 s30, s11;
	s7 =	smov.u32 s30  }
.LBB2_10:
0x97: {  	s24 =	simm.s32 @!p1 $0x3F800000  }
0x98: {  	v6 =	vpsel p1, v6, v4;
	v7 =	vpsel p1, v7, v4;
	s23 =	sadd.s32 $0x10, s23;
	s11 =	smov.u32 s12;
	s13 =	sadd.s32 $0x4, s12  }
0x99: {  	p2 =	sne.s32 s12, $0x7C;
	s12 =	sshll.u32 s30, $0x4;
	v4 =	vld [tilespmem:s23+$0x0];
	v8 =	vmov s24  }
0x9a: {  	[tilespmem:s12+$0xC520] =	vst v8  }
0x9b: {  	[tilespmem:s12+$0x8500] =	vst v6  }
0x9c: {  	[tilespmem:s12+$0xA510] =	vst v7;
	_ =	sdelay $0x3  }
0x9d: {  	s11 =	sshra.s32 s11, $0x2  }
0x9e: {  	v8 =	vld.idx.msk [tilespmem:v5+s11+$0x0 ss:$0x1], $0xffff;
	_ =	sdelay $0x1  }
.Ltmp6:
0x9f: {  	(pc) =	sbr.rel @p2 .LBB2_10-.Ltmp6, $3  }
0xa0: {  	_ =	sdelay $0x1  }
0xa1: {  	s24 =	sadd.f32 $1.000000000e+00, s24;
	v6 =	vadd.f32 v4, v6;
	s30 =	spop (v2sf)  }
0xa2: {  	s12 =	smov.u32 s13;
	v7 =	vmax.f32 v7, v4;
	(v2sf) =	vpush v8, $0x0;
	p1 =	seq.s32 s30, s7;
	s7 =	smov.u32 s30  }
0xa3: {  	s11 =	smov.u32 s30  }
.LBB2_12:
0xa4: {  	_ =	sdelay $0x5  }
0xa5: {  	s12 =	sadd.s32 @p0 $0x10, s23  }
0xa6: {  	s8 =	smov.u32 @p0 s12  }
0xa7: {  	v5 =	vld [tilespmem:s8+$0x0];
	_ =	sdelay $0x1  }
0xa8: {  	p1 =	por !p1, !p0  }
0xa9: {  	v6 =	vpsel p1, v4, v6  }
0xaa: {  	s30 =	sshll.u32 s11, $0x4;
	s24 =	simm.s32 @p1 $0x3F800000;
	v4 =	vpsel p1, v4, v7;
	v3 =	vpsel p0, v6, v3  }
.Ltmp7:
0xab: {  	s29 =	smov.u32 @p0 s24;
	v2 =	vpsel p0, v4, v2;
	[tilespmem:s30+$0x8500] =	vst v3;
	v63 =	vadd.f32 v5, v3;
	s11 =	spop (v2sf);
	(pc) =	sbr.rel .LBB2_13-.Ltmp7, $4  }
0xac: {  	v62 =	vmov s29;
	[tilespmem:s30+$0xA510] =	vst v2;
	p0 =	seq.s32 s11, s7  }
0xad: {  	s29 =	sadd.f32 $1.000000000e+00, s29;
	[tilespmem:s30+$0xC520] =	vst v62;
	v2 =	vmax.f32 v2, v5;
	v4 =	vpsel p0, v63, v5  }
0xae: {  	v3 =	vpsel p0, v2, v5;
	[tilespmem:$0xE520] =	vst v4  }
0xaf: {  	s29 =	simm.s32 @!p0 $0x3F800000;
	[tilespmem:$0xE530] =	vst v3  }
.LBB2_7:
.Ltmp8:
0xb0: {  	(pc) =	sbr.rel .LBB2_12-.Ltmp8, $2  }
0xb1: {  	_ =	sdelay $0x2  }
0xb2: {  	s23 =	smov.u32 s8;
	s7 =	smov.u32 s11  }
.LBB2_9:
.Ltmp9:
0xb3: {  	(pc) =	sbr.rel .LBB2_12-.Ltmp9, $2  }
0xb4: {  	_ =	sdelay $0x2  }
0xb5: {  	s23 =	smov.u32 s8;
	s11 =	smov.u32 s30;
	s7 =	smov.u32 s30  }
.LBB2_14:
0xb6: {  	s0 =	simm.s32 $0x0  }
0xb7: {  	v2 =	vld [tilespmem:s0+$0x4260];
	_ =	sdelay $0x4  }
0xb8: {  	(v2sf) =	vpush v2, $0x0;
	_ =	sdelay $0x3  }
0xb9: {  	v4 =	vld [tilespmem:$0xE520];
	_ =	sdelay $0x2  }
0xba: {  	s2 =	simm.s32 $0x3E00;
	s24 =	sshll.u32 s11, $0x4;
	v5 =	vmov s29  }
0xbb: {  	v2 =	vld [tilespmem:s2+$0x0];
	[tilespmem:s24+$0xC520] =	vst v5  }
0xbc: {  	[tilespmem:s24+$0x8500] =	vst v4  }
0xbd: {  	s30 =	simm.s32 $0x1;
	[tilespmem:s24+$0xA510] =	vst v3  }
0xbe: {  	v5 =	vld [tilespmem:s30+$0x4260];
	_ =	sdelay $0x3  }
0xbf: {  	s0 =	sadd.f32 $1.000000000e+00, s29;
	s8 =	spop (v2sf)  }
0xc0: {  	s12 =	simm.s32 $0x8;
	v4 =	vadd.f32 v2, v4;
	v3 =	vmax.f32 v3, v2;
	(v2sf) =	vpush v5, $0x0;
	p1 =	seq.s32 s8, s11;
	s7 =	smov.u32 s8  }
.LBB2_15:
0xc1: {  	s0 =	simm.s32 @!p1 $0x3F800000  }
0xc2: {  	v4 =	vpsel p1, v4, v2;
	v3 =	vpsel p1, v3, v2;
	s2 =	sadd.s32 $0x10, s2;
	s11 =	smov.u32 s12;
	s13 =	sadd.s32 $0x4, s12  }
0xc3: {  	p0 =	sne.s32 s12, $0x1C;
	s8 =	sshll.u32 s8, $0x4;
	v2 =	vld [tilespmem:s2+$0x0];
	v5 =	vmov s0  }
0xc4: {  	[tilespmem:s8+$0xC520] =	vst v5  }
0xc5: {  	[tilespmem:s8+$0x8500] =	vst v4  }
0xc6: {  	[tilespmem:s8+$0xA510] =	vst v3;
	_ =	sdelay $0x4  }
0xc7: {  	s8 =	sshra.s32 s11, $0x2  }
0xc8: {  	v5 =	vld [tilespmem:s8+$0x4260]  }
.Ltmp10:
0xc9: {  	(pc) =	sbr.rel @p0 .LBB2_15-.Ltmp10, $3  }
0xca: {  	_ =	sdelay $0x1  }
0xcb: {  	s0 =	sadd.f32 $1.000000000e+00, s0;
	v4 =	vadd.f32 v2, v4;
	s8 =	spop (v2sf)  }
0xcc: {  	s12 =	smov.u32 s13;
	v3 =	vmax.f32 v3, v2;
	(v2sf) =	vpush v5, $0x0;
	p1 =	seq.s32 s8, s7;
	s7 =	smov.u32 s8  }
0xcd: {  	_ =	sdelay $0x7  }
0xce: {  	s2 =	sadd.s32 $0x10, s2  }
0xcf: {  	v5 =	vld [tilespmem:s2+$0x0];
	_ =	sdelay $0x3  }
0xd0: {  	v4 =	vpsel p1, v4, v2;
	s13 =	sshll.u32 s8, $0x4  }
0xd1: {  	s0 =	simm.s32 @!p1 $0x3F800000;
	v2 =	vpsel p1, v3, v2;
	[tilespmem:s13+$0x8500] =	vst v4;
	v63 =	vadd.f32 v5, v4;
	s21 =	spop (v2sf)  }
0xd2: {  	v6 =	vmov s0;
	[tilespmem:s13+$0xA510] =	vst v2;
	p0 =	seq.s32 s21, s7  }
0xd3: {  	[tilespmem:s13+$0xC520] =	vst v6;
	v2 =	vmax.f32 v2, v5;
	v3 =	vpsel p0, v63, v5  }
0xd4: {  	v2 =	vpsel p0, v2, v5;
	[tilespmem:$0xE520] =	vst v3  }
0xd5: {  	[tilespmem:$0xE530] =	vst v2  }
0xd6: {  	_ =	swait.ge [sflag:s20], $0x3E80  }
0xd7: {  	s23 =	sadd.s32 s31, s10;
	s30 =	simm.s32 $0x0;
	[sflag:s20] =	ssyncset.done $0x0  }
0xd8: {  	s24 =	sshll.u32 s23, $0x7;
	s2 =	sshrl.u32 s23, $0x3;
	[sflag:s20] =	ssyncadd.s32 $0xFFFFC180  }
0xd9: {  	s29 =	sadd.f32 $1.000000000e+00, s0;
	s7 =	sor.u32 s5, s24;
	_ =	swait.ge [sflag:s20], $0x3E8  }
.Ltmp11:
0xda: {  	s7 =	sshrl.u32 s7, $0x3;
	[sflag:s20] =	ssyncset.done $0x0;
	(pc) =	sbr.rel .LBB2_17-.Ltmp11, $4  }
0xdb: {  	s0 =	simm.s32 $0x4278;
	s7 =	sadd.s32 s1, s7;
	[sflag:s20] =	ssyncadd.s32 $0xFFFFFC18  }
0xdc: {  	[tilespmem:s30], [sflag:$0x1] =	stream.strided.gather [hbm4b:s7+s15], $0x3E80, s16, s15, $0x38;
	[tilespmem:$0xE540] =	vst v63  }
0xdd: {  	s31 =	sadd.s32 s3, s2;
	s2 =	simm.s32 $0x80F8;
	s29 =	simm.s32 @!p0 $0x3F800000  }
0xde: {  	[tilespmem:s17], [sflag:$0x1] =	stream.linear.gather [hbm4b:s31+s30], $0x3E8, $0x38;
	[tilespmem:$0xE540] =	vst v63  }
.LBB2_44:
0xdf: {  	s8 =	sshll.u32 s30, $0x9  }
0xe0: {  	s23 =	sand.u32 $0x3FFFFE00, s8  }
0xe1: {  	v4 =	vld [tilespmem:s23+$0x4278];
	_ =	sdelay $0x1  }
0xe2: {  	v5 =	vld [tilespmem:s23+$0x4288];
	_ =	sdelay $0x1  }
0xe3: {  	v6 =	vld [tilespmem:s23+$0x4298]  }
0xe4: {  	v3 =	vadd.f32 v4, v3  }
0xe5: {  	v7 =	vld [tilespmem:s23+$0x42A8]  }
0xe6: {  	v3 =	vadd.f32 v5, v3  }
0xe7: {  	v8 =	vld [tilespmem:s23+$0x42B8]  }
0xe8: {  	v3 =	vadd.f32 v6, v3  }
0xe9: {  	v9 =	vld [tilespmem:s23+$0x42C8]  }
0xea: {  	v3 =	vadd.f32 v7, v3  }
0xeb: {  	v10 =	vld [tilespmem:s23+$0x42D8]  }
0xec: {  	v3 =	vadd.f32 v8, v3  }
0xed: {  	v11 =	vld [tilespmem:s23+$0x42E8]  }
0xee: {  	v3 =	vadd.f32 v9, v3  }
0xef: {  	v12 =	vld [tilespmem:s23+$0x42F8]  }
0xf0: {  	v3 =	vadd.f32 v10, v3  }
0xf1: {  	v13 =	vld [tilespmem:s23+$0x4308]  }
0xf2: {  	v3 =	vadd.f32 v11, v3  }
0xf3: {  	v14 =	vld [tilespmem:s23+$0x4318]  }
0xf4: {  	v3 =	vadd.f32 v12, v3  }
0xf5: {  	v15 =	vld [tilespmem:s23+$0x4328]  }
0xf6: {  	v3 =	vadd.f32 v13, v3  }
0xf7: {  	v16 =	vld [tilespmem:s23+$0x4338]  }
0xf8: {  	v3 =	vadd.f32 v14, v3  }
0xf9: {  	v17 =	vld [tilespmem:s23+$0x4348]  }
0xfa: {  	v3 =	vadd.f32 v15, v3  }
0xfb: {  	v18 =	vld [tilespmem:s23+$0x4358]  }
0xfc: {  	s7 =	sor.u32 $0x10, s7;
	v3 =	vadd.f32 v16, v3  }
0xfd: {  	s7 =	sshll.u32 s7, $0x4;
	v19 =	vld [tilespmem:s23+$0x4368]  }
0xfe: {  	s7 =	sand.u32 $0x3FFFFFF0, s7;
	v3 =	vadd.f32 v17, v3  }
0xff: {  	v20 =	vld [tilespmem:s7+$0x4278]  }
0x100: {  	v3 =	vadd.f32 v18, v3  }
0x101: {  	v21 =	vld [tilespmem:s23+$0x4388]  }
0x102: {  	v3 =	vadd.f32 v19, v3  }
0x103: {  	v22 =	vld [tilespmem:s23+$0x4398];
	v2 =	vmax.f32 v2, v4  }
0x104: {  	v2 =	vmax.f32 v2, v5;
	v3 =	vadd.f32 v20, v3  }
0x105: {  	v4 =	vld [tilespmem:s23+$0x43A8];
	v2 =	vmax.f32 v2, v6  }
0x106: {  	v2 =	vmax.f32 v2, v7;
	v3 =	vadd.f32 v21, v3  }
0x107: {  	v5 =	vld [tilespmem:s23+$0x43B8];
	v2 =	vmax.f32 v2, v8  }
0x108: {  	v2 =	vmax.f32 v2, v9;
	v3 =	vadd.f32 v22, v3  }
0x109: {  	v55 =	vld [tilespmem:s23+$0x43C8];
	v2 =	vmax.f32 v2, v10  }
0x10a: {  	v2 =	vmax.f32 v2, v11;
	v3 =	vadd.f32 v4, v3  }
0x10b: {  	v56 =	vld [tilespmem:s23+$0x43D8];
	v2 =	vmax.f32 v2, v12  }
0x10c: {  	v2 =	vmax.f32 v2, v13;
	v3 =	vadd.f32 v5, v3  }
0x10d: {  	v57 =	vld [tilespmem:s23+$0x43E8];
	v2 =	vmax.f32 v2, v14  }
0x10e: {  	v2 =	vmax.f32 v2, v15;
	v3 =	vadd.f32 v55, v3  }
0x10f: {  	v58 =	vld [tilespmem:s23+$0x43F8];
	v2 =	vmax.f32 v2, v16  }
0x110: {  	v2 =	vmax.f32 v2, v17;
	v3 =	vadd.f32 v56, v3  }
0x111: {  	v59 =	vld [tilespmem:s23+$0x4408];
	v2 =	vmax.f32 v2, v18  }
0x112: {  	v2 =	vmax.f32 v2, v19;
	v3 =	vadd.f32 v57, v3  }
0x113: {  	v60 =	vld [tilespmem:s23+$0x4418];
	v2 =	vmax.f32 v2, v20  }
0x114: {  	v2 =	vmax.f32 v2, v21;
	v3 =	vadd.f32 v58, v3  }
0x115: {  	v61 =	vld [tilespmem:s23+$0x4428];
	v2 =	vmax.f32 v2, v22  }
0x116: {  	v2 =	vmax.f32 v2, v4;
	v3 =	vadd.f32 v59, v3  }
0x117: {  	v62 =	vld [tilespmem:s23+$0x4438];
	v2 =	vmax.f32 v2, v5  }
0x118: {  	v2 =	vmax.f32 v2, v55;
	v3 =	vadd.f32 v60, v3  }
0x119: {  	v2 =	vmax.f32 v2, v56;
	v4 =	vld [tilespmem:s23+$0x4448]  }
0x11a: {  	v2 =	vmax.f32 v2, v57;
	v3 =	vadd.f32 v61, v3  }
0x11b: {  	v2 =	vmax.f32 v2, v58;
	v5 =	vld [tilespmem:s23+$0x4458]  }
0x11c: {  	v2 =	vmax.f32 v2, v59;
	v3 =	vadd.f32 v62, v3  }
0x11d: {  	v63 =	vld [tilespmem:s23+$0x4468];
	v2 =	vmax.f32 v2, v60  }
0x11e: {  	v2 =	vmax.f32 v2, v61;
	v3 =	vadd.f32 v4, v3  }
0x11f: {  	v2 =	vmax.f32 v2, v62  }
0x120: {  	v2 =	vmax.f32 v2, v4;
	v3 =	vadd.f32 v5, v3  }
0x121: {  	v2 =	vmax.f32 v2, v5  }
0x122: {  	v4 =	vadd.f32 v63, v3;
	v3 =	vmax.f32 v2, v63  }
0x123: {  	[tilespmem:$0xE530] =	vst v3  }
0x124: {  	s29 =	sadd.f32 $3.200000000e+01, s29;
	[tilespmem:$0xE520] =	vst v4  }
.LBB2_25:
0x125: {  	s30 =	sadd.s32 $0x1, s30  }
0x126: {  	p0 =	sne.s32 s30, $0x1F  }
.Ltmp12:
0x127: {  	_ = 	snop;
	(pc) =	sbr.rel @!p0 .LBB2_26-.Ltmp12, $2  }
0x128: {  	_ =	sdelay $0x2  }
0x129: {  	s0 =	sadd.s32 $0x200, s0;
	s2 =	sadd.s32 $0x20, s2  }
.LBB2_17:
0x12a: {  	s7 =	sshll.u32 s30, $0x5  }
0x12b: {  	v2 =	vld [tilespmem:s7+$0x80F8]  }
0x12c: {  	v3 =	vld [tilespmem:s7+$0x8108];
	_ =	sdelay $0x3  }
0x12d: {  	(v2sf) =	vpush v2, $0x0  }
0x12e: {  	(v2sf) =	vpush v3, $0xF;
	_ =	sdelay $0xd  }
0x12f: {  	s8 =	spop (v2sf)  }
0x130: {  	s11 =	spop (v2sf);
	p0 =	sne.s32 s8, s21  }
0x131: {  	p1 =	sne.s32 @!p0 s11, s21  }
0x132: {  	p1 =	por p0, p1  }
.Ltmp13:
0x133: {  	_ = 	snop;
	(pc) =	sbr.rel @!p1 .LBB2_44-.Ltmp13, $3  }
0x134: {  	_ =	sdelay $0x1  }
0x135: {  	v2 =	vld [tilespmem:$0xE530]  }
0x136: {  	v3 =	vld [tilespmem:$0xE520]  }
0x137: {  	v5 =	vmov s2;
	_ =	sdelay $0x1  }
0x138: {  	s7 =	simm.s32 $0x0  }
0x139: {  	s7 =	simm.s32 @p0 $0x0  }
0x13a: {  	s8 =	sshra.s32 s7, $0x2  }
0x13b: {  	p1 =	sne.s32 s7, $0x7C;
	v4 =	vld.idx.msk [tilespmem:v5+s8+$0x0 ss:$0x1], $0xffff  }
.Ltmp14:
0x13c: {  	_ = 	snop;
	(pc) =	sbr.rel @!p1 .LBB2_19-.Ltmp14, $3  }
0x13d: {  	_ =	sdelay $0x1  }
0x13e: {  	s23 =	smov.u32 s0;
	s29 =	smov.u32 @p0 s29;
	s21 =	smov.u32 @p0 s21  }
0x13f: {  	s23 =	smov.u32 @p0 s0;
	s7 =	sadd.s32 $0x4, s7;
	v2 =	vpsel p0, v2, v2;
	v3 =	vpsel p0, v3, v3;
	p0 =	por $0x0, $0x0;
	(v2sf) =	vpush v4, $0x0  }
0x140: {  	_ =	sdelay $0x5  }
0x141: {  	s8 =	sshll.u32 s21, $0x4;
	v6 =	vmov s29  }
0x142: {  	v4 =	vld [tilespmem:s23+$0x0];
	[tilespmem:s8+$0xC520] =	vst v6  }
0x143: {  	[tilespmem:s8+$0x8500] =	vst v3  }
0x144: {  	s31 =	sshra.s32 s7, $0x2;
	[tilespmem:s8+$0xA510] =	vst v2  }
0x145: {  	p2 =	sne.s32 s7, $0x7C;
	v7 =	vld.idx.msk [tilespmem:v5+s31+$0x0 ss:$0x1], $0xffff  }
.Ltmp15:
0x146: {  	_ = 	snop;
	(pc) =	sbr.rel @!p2 .LBB2_21-.Ltmp15, $4  }
0x147: {  	_ = 	snop  }
0x148: {  	s12 =	sadd.s32 $0x4, s7  }
0x149: {  	s24 =	sadd.f32 $1.000000000e+00, s29;
	p0 =	por $0x1, $0x1;
	s11 =	spop (v2sf)  }
0x14a: {  	s8 =	smov.u32 s23;
	v6 =	vadd.f32 v4, v3;
	(v2sf) =	vpush v7, $0x0;
	v7 =	vmax.f32 v2, v4;
	p1 =	seq.s32 s11, s21;
	s7 =	smov.u32 s11  }
.LBB2_22:
0x14b: {  	s24 =	simm.s32 @!p1 $0x3F800000  }
0x14c: {  	v6 =	vpsel p1, v6, v4;
	v7 =	vpsel p1, v7, v4;
	s8 =	sadd.s32 $0x10, s8;
	s13 =	smov.u32 s12;
	s21 =	sadd.s32 $0x4, s12  }
0x14d: {  	p2 =	sne.s32 s12, $0x7C;
	s11 =	sshll.u32 s11, $0x4;
	v4 =	vld [tilespmem:s8+$0x0];
	v8 =	vmov s24  }
0x14e: {  	[tilespmem:s11+$0xC520] =	vst v8  }
0x14f: {  	[tilespmem:s11+$0x8500] =	vst v6  }
0x150: {  	[tilespmem:s11+$0xA510] =	vst v7;
	_ =	sdelay $0x3  }
0x151: {  	s11 =	sshra.s32 s13, $0x2  }
0x152: {  	v8 =	vld.idx.msk [tilespmem:v5+s11+$0x0 ss:$0x1], $0xffff;
	_ =	sdelay $0x1  }
.Ltmp16:
0x153: {  	(pc) =	sbr.rel @p2 .LBB2_22-.Ltmp16, $3  }
0x154: {  	_ =	sdelay $0x1  }
0x155: {  	s24 =	sadd.f32 $1.000000000e+00, s24;
	v6 =	vadd.f32 v4, v6;
	s11 =	spop (v2sf)  }
0x156: {  	s12 =	smov.u32 s21;
	v7 =	vmax.f32 v7, v4;
	(v2sf) =	vpush v8, $0x0;
	p1 =	seq.s32 s11, s7;
	s7 =	smov.u32 s11  }
0x157: {  	s21 =	smov.u32 s11  }
.LBB2_24:
0x158: {  	_ =	sdelay $0x5  }
0x159: {  	s8 =	sadd.s32 @p0 $0x10, s8  }
0x15a: {  	s23 =	smov.u32 @p0 s8  }
0x15b: {  	v5 =	vld [tilespmem:s23+$0x0];
	_ =	sdelay $0x1  }
0x15c: {  	p1 =	por !p1, !p0  }
0x15d: {  	v6 =	vpsel p1, v4, v6  }
0x15e: {  	s31 =	sshll.u32 s21, $0x4;
	s24 =	simm.s32 @p1 $0x3F800000;
	v4 =	vpsel p1, v4, v7;
	v3 =	vpsel p0, v6, v3  }
.Ltmp17:
0x15f: {  	s29 =	smov.u32 @p0 s24;
	v2 =	vpsel p0, v4, v2;
	[tilespmem:s31+$0x8500] =	vst v3;
	v63 =	vadd.f32 v5, v3;
	s21 =	spop (v2sf);
	(pc) =	sbr.rel .LBB2_25-.Ltmp17, $4  }
0x160: {  	v62 =	vmov s29;
	[tilespmem:s31+$0xA510] =	vst v2;
	p0 =	seq.s32 s21, s7  }
0x161: {  	s29 =	sadd.f32 $1.000000000e+00, s29;
	[tilespmem:s31+$0xC520] =	vst v62;
	v2 =	vmax.f32 v2, v5;
	v4 =	vpsel p0, v63, v5  }
0x162: {  	v3 =	vpsel p0, v2, v5;
	[tilespmem:$0xE520] =	vst v4  }
0x163: {  	s29 =	simm.s32 @!p0 $0x3F800000;
	[tilespmem:$0xE530] =	vst v3  }
.LBB2_19:
.Ltmp18:
0x164: {  	(pc) =	sbr.rel .LBB2_24-.Ltmp18, $2  }
0x165: {  	_ =	sdelay $0x2  }
0x166: {  	s8 =	smov.u32 s23;
	s7 =	smov.u32 s21  }
.LBB2_21:
.Ltmp19:
0x167: {  	(pc) =	sbr.rel .LBB2_24-.Ltmp19, $2  }
0x168: {  	_ =	sdelay $0x2  }
0x169: {  	s8 =	smov.u32 s23;
	s21 =	smov.u32 s11;
	s7 =	smov.u32 s11  }
.LBB2_26:
0x16a: {  	s0 =	simm.s32 $0x0  }
0x16b: {  	v2 =	vld [tilespmem:s0+$0x84D8];
	_ =	sdelay $0x4  }
0x16c: {  	(v2sf) =	vpush v2, $0x0;
	_ =	sdelay $0x3  }
0x16d: {  	v4 =	vld [tilespmem:$0xE520];
	_ =	sdelay $0x2  }
0x16e: {  	s2 =	simm.s32 $0x8078;
	s30 =	sshll.u32 s21, $0x4;
	v5 =	vmov s29  }
0x16f: {  	v2 =	vld [tilespmem:s2+$0x0];
	[tilespmem:s30+$0xC520] =	vst v5  }
0x170: {  	[tilespmem:s30+$0x8500] =	vst v4  }
0x171: {  	s31 =	simm.s32 $0x1;
	[tilespmem:s30+$0xA510] =	vst v3  }
0x172: {  	v5 =	vld [tilespmem:s31+$0x84D8];
	_ =	sdelay $0x3  }
0x173: {  	s0 =	sadd.f32 $1.000000000e+00, s29;
	s7 =	spop (v2sf)  }
0x174: {  	s11 =	simm.s32 $0x8;
	v4 =	vadd.f32 v2, v4;
	v3 =	vmax.f32 v3, v2;
	(v2sf) =	vpush v5, $0x0;
	p1 =	seq.s32 s7, s21;
	s8 =	smov.u32 s7  }
.LBB2_27:
0x175: {  	s0 =	simm.s32 @!p1 $0x3F800000  }
0x176: {  	v4 =	vpsel p1, v4, v2;
	v3 =	vpsel p1, v3, v2;
	s2 =	sadd.s32 $0x10, s2;
	s12 =	smov.u32 s11;
	s13 =	sadd.s32 $0x4, s11  }
0x177: {  	p0 =	sne.s32 s11, $0x1C;
	s7 =	sshll.u32 s7, $0x4;
	v2 =	vld [tilespmem:s2+$0x0];
	v5 =	vmov s0  }
0x178: {  	[tilespmem:s7+$0xC520] =	vst v5  }
0x179: {  	[tilespmem:s7+$0x8500] =	vst v4  }
0x17a: {  	[tilespmem:s7+$0xA510] =	vst v3;
	_ =	sdelay $0x4  }
0x17b: {  	s7 =	sshra.s32 s12, $0x2  }
0x17c: {  	v5 =	vld [tilespmem:s7+$0x84D8]  }
.Ltmp20:
0x17d: {  	(pc) =	sbr.rel @p0 .LBB2_27-.Ltmp20, $3  }
0x17e: {  	_ =	sdelay $0x1  }
0x17f: {  	s0 =	sadd.f32 $1.000000000e+00, s0;
	v4 =	vadd.f32 v2, v4;
	s7 =	spop (v2sf)  }
0x180: {  	s11 =	smov.u32 s13;
	v3 =	vmax.f32 v3, v2;
	(v2sf) =	vpush v5, $0x0;
	p1 =	seq.s32 s7, s8;
	s8 =	smov.u32 s7  }
0x181: {  	_ =	sdelay $0x7  }
0x182: {  	s2 =	sadd.s32 $0x10, s2  }
0x183: {  	v5 =	vld [tilespmem:s2+$0x0];
	_ =	sdelay $0x2  }
0x184: {  	s28 =	sadd.s32 $0x1, s28  }
0x185: {  	s0 =	simm.s32 @!p1 $0x3F800000;
	v4 =	vpsel p1, v4, v2;
	s31 =	sshll.u32 s7, $0x4;
	v2 =	vpsel p1, v3, v2;
	p1 =	sne.s32 s28, $0xC  }
.Ltmp21:
0x186: {  	[tilespmem:s31+$0x8500] =	vst v4;
	v63 =	vadd.f32 v5, v4;
	s11 =	spop (v2sf);
	(pc) =	sbr.rel @p1 .LBB2_4-.Ltmp21, $4  }
0x187: {  	v6 =	vmov s0;
	[tilespmem:s31+$0xA510] =	vst v2;
	p0 =	seq.s32 s11, s8  }
0x188: {  	s29 =	sadd.f32 $1.000000000e+00, s0;
	[tilespmem:s31+$0xC520] =	vst v6;
	v2 =	vmax.f32 v2, v5;
	v3 =	vpsel p0, v63, v5  }
0x189: {  	v2 =	vpsel p0, v2, v5;
	[tilespmem:$0xE520] =	vst v3  }
0x18a: {  	s29 =	simm.s32 @!p0 $0x3F800000;
	[tilespmem:$0xE530] =	vst v2  }
0x18b: {  	_ =	swait.ge [sflag:s6], $0x3E80  }
.Ltmp22:
0x18c: {  	[sflag:s6] =	ssyncset.done $0x0;
	(pc) =	sbr.rel .LBB2_30-.Ltmp22, $4  }
0x18d: {  	[sflag:s6] =	ssyncadd.s32 $0xFFFFC180  }
0x18e: {  	_ =	swait.ge [sflag:s6], $0x3E8  }
0x18f: {  	s0 =	simm.s32 $0x0;
	[sflag:s6] =	ssyncset.done $0x0  }
0x190: {  	s2 =	simm.s32 $0x3E80;
	s21 =	simm.s32 $0x0;
	[sflag:s6] =	ssyncadd.s32 $0xFFFFFC18  }
.LBB2_45:
0x191: {  	s7 =	sshll.u32 s21, $0x9  }
0x192: {  	s23 =	sand.u32 $0x3FFFFE00, s7  }
0x193: {  	v4 =	vld [tilespmem:s23+$0x0];
	_ =	sdelay $0x1  }
0x194: {  	v5 =	vld [tilespmem:s23+$0x10];
	_ =	sdelay $0x1  }
0x195: {  	v6 =	vld [tilespmem:s23+$0x20]  }
0x196: {  	v3 =	vadd.f32 v4, v3  }
0x197: {  	v7 =	vld [tilespmem:s23+$0x30]  }
0x198: {  	v3 =	vadd.f32 v5, v3  }
0x199: {  	v8 =	vld [tilespmem:s23+$0x40]  }
0x19a: {  	v3 =	vadd.f32 v6, v3  }
0x19b: {  	v9 =	vld [tilespmem:s23+$0x50]  }
0x19c: {  	v3 =	vadd.f32 v7, v3  }
0x19d: {  	v10 =	vld [tilespmem:s23+$0x60]  }
0x19e: {  	v3 =	vadd.f32 v8, v3  }
0x19f: {  	v11 =	vld [tilespmem:s23+$0x70]  }
0x1a0: {  	v3 =	vadd.f32 v9, v3  }
0x1a1: {  	v12 =	vld [tilespmem:s23+$0x80]  }
0x1a2: {  	v3 =	vadd.f32 v10, v3  }
0x1a3: {  	v13 =	vld [tilespmem:s23+$0x90]  }
0x1a4: {  	v3 =	vadd.f32 v11, v3  }
0x1a5: {  	v14 =	vld [tilespmem:s23+$0xA0]  }
0x1a6: {  	v3 =	vadd.f32 v12, v3  }
0x1a7: {  	v15 =	vld [tilespmem:s23+$0xB0]  }
0x1a8: {  	v3 =	vadd.f32 v13, v3  }
0x1a9: {  	v16 =	vld [tilespmem:s23+$0xC0]  }
0x1aa: {  	v3 =	vadd.f32 v14, v3  }
0x1ab: {  	v17 =	vld [tilespmem:s23+$0xD0]  }
0x1ac: {  	v3 =	vadd.f32 v15, v3  }
0x1ad: {  	v18 =	vld [tilespmem:s23+$0xE0]  }
0x1ae: {  	s31 =	sor.u32 $0x10, s8;
	v3 =	vadd.f32 v16, v3  }
0x1af: {  	s7 =	sshll.u32 s31, $0x4;
	v19 =	vld [tilespmem:s23+$0xF0]  }
0x1b0: {  	s7 =	sand.u32 $0x3FFFFFF0, s7;
	v3 =	vadd.f32 v17, v3  }
0x1b1: {  	v20 =	vld [tilespmem:s7+$0x0]  }
0x1b2: {  	v3 =	vadd.f32 v18, v3  }
0x1b3: {  	v21 =	vld [tilespmem:s23+$0x110]  }
0x1b4: {  	v3 =	vadd.f32 v19, v3  }
0x1b5: {  	v22 =	vld [tilespmem:s23+$0x120];
	v2 =	vmax.f32 v2, v4  }
0x1b6: {  	v2 =	vmax.f32 v2, v5;
	v3 =	vadd.f32 v20, v3  }
0x1b7: {  	v51 =	vld [tilespmem:s23+$0x130];
	v2 =	vmax.f32 v2, v6  }
0x1b8: {  	v2 =	vmax.f32 v2, v7;
	v3 =	vadd.f32 v21, v3  }
0x1b9: {  	v52 =	vld [tilespmem:s23+$0x140];
	v2 =	vmax.f32 v2, v8  }
0x1ba: {  	v2 =	vmax.f32 v2, v9;
	v3 =	vadd.f32 v22, v3  }
0x1bb: {  	v53 =	vld [tilespmem:s23+$0x150];
	v2 =	vmax.f32 v2, v10  }
0x1bc: {  	v2 =	vmax.f32 v2, v11;
	v3 =	vadd.f32 v51, v3  }
0x1bd: {  	v54 =	vld [tilespmem:s23+$0x160];
	v2 =	vmax.f32 v2, v12  }
0x1be: {  	v2 =	vmax.f32 v2, v13;
	v3 =	vadd.f32 v52, v3  }
0x1bf: {  	v55 =	vld [tilespmem:s23+$0x170];
	v2 =	vmax.f32 v2, v14  }
0x1c0: {  	v2 =	vmax.f32 v2, v15;
	v3 =	vadd.f32 v53, v3  }
0x1c1: {  	v56 =	vld [tilespmem:s23+$0x180];
	v2 =	vmax.f32 v2, v16  }
0x1c2: {  	v2 =	vmax.f32 v2, v17;
	v3 =	vadd.f32 v54, v3  }
0x1c3: {  	v57 =	vld [tilespmem:s23+$0x190];
	v2 =	vmax.f32 v2, v18  }
0x1c4: {  	v2 =	vmax.f32 v2, v19;
	v3 =	vadd.f32 v55, v3  }
0x1c5: {  	v58 =	vld [tilespmem:s23+$0x1A0];
	v2 =	vmax.f32 v2, v20  }
0x1c6: {  	v2 =	vmax.f32 v2, v21;
	v3 =	vadd.f32 v56, v3  }
0x1c7: {  	v59 =	vld [tilespmem:s23+$0x1B0];
	v2 =	vmax.f32 v2, v22  }
0x1c8: {  	v2 =	vmax.f32 v2, v51;
	v3 =	vadd.f32 v57, v3  }
0x1c9: {  	v60 =	vld [tilespmem:s23+$0x1C0];
	v2 =	vmax.f32 v2, v52  }
0x1ca: {  	v2 =	vmax.f32 v2, v53;
	v3 =	vadd.f32 v58, v3  }
0x1cb: {  	v61 =	vld [tilespmem:s23+$0x1D0];
	v2 =	vmax.f32 v2, v54  }
0x1cc: {  	v2 =	vmax.f32 v2, v55;
	v3 =	vadd.f32 v59, v3  }
0x1cd: {  	v62 =	vld [tilespmem:s23+$0x1E0];
	v2 =	vmax.f32 v2, v56  }
0x1ce: {  	v2 =	vmax.f32 v2, v57;
	v3 =	vadd.f32 v60, v3  }
0x1cf: {  	v63 =	vld [tilespmem:s23+$0x1F0];
	v2 =	vmax.f32 v2, v58  }
0x1d0: {  	v2 =	vmax.f32 v2, v59;
	v3 =	vadd.f32 v61, v3  }
0x1d1: {  	v2 =	vmax.f32 v2, v60  }
0x1d2: {  	v2 =	vmax.f32 v2, v61;
	v3 =	vadd.f32 v62, v3  }
0x1d3: {  	v2 =	vmax.f32 v2, v62  }
0x1d4: {  	v2 =	vmax.f32 v2, v63;
	v3 =	vadd.f32 v63, v3  }
0x1d5: {  	[tilespmem:$0xE530] =	vst v2  }
0x1d6: {  	s29 =	sadd.f32 $3.200000000e+01, s29;
	[tilespmem:$0xE520] =	vst v3  }
.LBB2_38:
0x1d7: {  	s21 =	sadd.s32 $0x1, s21  }
0x1d8: {  	p0 =	sne.s32 s21, $0x1F  }
.Ltmp23:
0x1d9: {  	_ = 	snop;
	(pc) =	sbr.rel @!p0 .LBB2_39-.Ltmp23, $2  }
0x1da: {  	_ =	sdelay $0x2  }
0x1db: {  	s0 =	sadd.s32 $0x200, s0;
	s2 =	sadd.s32 $0x20, s2  }
.LBB2_30:
0x1dc: {  	s8 =	sshll.u32 s21, $0x5  }
0x1dd: {  	v3 =	vld [tilespmem:s8+$0x3E80]  }
0x1de: {  	v4 =	vld [tilespmem:s8+$0x3E90];
	_ =	sdelay $0x3  }
0x1df: {  	(v2sf) =	vpush v3, $0x0  }
0x1e0: {  	(v2sf) =	vpush v4, $0xF;
	_ =	sdelay $0xd  }
0x1e1: {  	s7 =	spop (v2sf)  }
0x1e2: {  	s12 =	spop (v2sf);
	p0 =	sne.s32 s7, s11  }
0x1e3: {  	p1 =	sne.s32 @!p0 s12, s11  }
0x1e4: {  	p1 =	por p0, p1  }
.Ltmp24:
0x1e5: {  	_ = 	snop;
	(pc) =	sbr.rel @!p1 .LBB2_45-.Ltmp24, $2  }
0x1e6: {  	_ =	sdelay $0x2  }
0x1e7: {  	v3 =	vld [tilespmem:$0xE520]  }
0x1e8: {  	v5 =	vmov s2;
	_ =	sdelay $0x1  }
0x1e9: {  	s7 =	simm.s32 $0x0  }
0x1ea: {  	s7 =	simm.s32 @p0 $0x0  }
0x1eb: {  	s8 =	sshra.s32 s7, $0x2  }
0x1ec: {  	p1 =	sne.s32 s7, $0x7C;
	v4 =	vld.idx.msk [tilespmem:v5+s8+$0x0 ss:$0x1], $0xffff  }
.Ltmp25:
0x1ed: {  	_ = 	snop;
	(pc) =	sbr.rel @!p1 .LBB2_32-.Ltmp25, $3  }
0x1ee: {  	_ =	sdelay $0x1  }
0x1ef: {  	s23 =	smov.u32 s0;
	s29 =	smov.u32 @p0 s29;
	s11 =	smov.u32 @p0 s11  }
0x1f0: {  	v2 =	vpsel p0, v2, v2;
	s23 =	smov.u32 @p0 s0;
	s7 =	sadd.s32 $0x4, s7;
	v3 =	vpsel p0, v3, v3;
	p0 =	por $0x0, $0x0;
	(v2sf) =	vpush v4, $0x0  }
0x1f1: {  	_ =	sdelay $0x5  }
0x1f2: {  	s8 =	sshll.u32 s11, $0x4;
	v6 =	vmov s29  }
0x1f3: {  	v4 =	vld [tilespmem:s23+$0x0];
	[tilespmem:s8+$0xC520] =	vst v6  }
0x1f4: {  	[tilespmem:s8+$0x8500] =	vst v3  }
0x1f5: {  	s31 =	sshra.s32 s7, $0x2;
	[tilespmem:s8+$0xA510] =	vst v2  }
0x1f6: {  	p2 =	sne.s32 s7, $0x7C;
	v7 =	vld.idx.msk [tilespmem:v5+s31+$0x0 ss:$0x1], $0xffff  }
.Ltmp26:
0x1f7: {  	_ = 	snop;
	(pc) =	sbr.rel @!p2 .LBB2_34-.Ltmp26, $4  }
0x1f8: {  	_ = 	snop  }
0x1f9: {  	s12 =	sadd.s32 $0x4, s7  }
0x1fa: {  	s24 =	sadd.f32 $1.000000000e+00, s29;
	p0 =	por $0x1, $0x1;
	s7 =	spop (v2sf)  }
0x1fb: {  	s8 =	smov.u32 s23;
	v6 =	vadd.f32 v4, v3;
	(v2sf) =	vpush v7, $0x0;
	v7 =	vmax.f32 v2, v4;
	p1 =	seq.s32 s7, s11;
	s26 =	smov.u32 s7  }
.LBB2_35:
0x1fc: {  	s24 =	simm.s32 @!p1 $0x3F800000  }
0x1fd: {  	v6 =	vpsel p1, v6, v4;
	v7 =	vpsel p1, v7, v4;
	s8 =	sadd.s32 $0x10, s8;
	s11 =	smov.u32 s12;
	s13 =	sadd.s32 $0x4, s12  }
0x1fe: {  	p2 =	sne.s32 s12, $0x7C;
	s7 =	sshll.u32 s7, $0x4;
	v4 =	vld [tilespmem:s8+$0x0];
	v8 =	vmov s24  }
0x1ff: {  	[tilespmem:s7+$0xC520] =	vst v8  }
0x200: {  	[tilespmem:s7+$0x8500] =	vst v6  }
0x201: {  	[tilespmem:s7+$0xA510] =	vst v7;
	_ =	sdelay $0x3  }
0x202: {  	s7 =	sshra.s32 s11, $0x2  }
0x203: {  	v8 =	vld.idx.msk [tilespmem:v5+s7+$0x0 ss:$0x1], $0xffff;
	_ =	sdelay $0x1  }
.Ltmp27:
0x204: {  	(pc) =	sbr.rel @p2 .LBB2_35-.Ltmp27, $3  }
0x205: {  	_ =	sdelay $0x1  }
0x206: {  	s24 =	sadd.f32 $1.000000000e+00, s24;
	v6 =	vadd.f32 v4, v6;
	s7 =	spop (v2sf)  }
0x207: {  	s12 =	smov.u32 s13;
	v7 =	vmax.f32 v7, v4;
	(v2sf) =	vpush v8, $0x0;
	p1 =	seq.s32 s7, s26;
	s26 =	smov.u32 s7  }
0x208: {  	s11 =	smov.u32 s7  }
.LBB2_37:
0x209: {  	_ =	sdelay $0x5  }
0x20a: {  	s7 =	sadd.s32 @p0 $0x10, s8  }
0x20b: {  	s23 =	smov.u32 @p0 s7  }
0x20c: {  	v5 =	vld [tilespmem:s23+$0x0];
	_ =	sdelay $0x1  }
0x20d: {  	p1 =	por !p1, !p0  }
0x20e: {  	v6 =	vpsel p1, v4, v6  }
0x20f: {  	s31 =	sshll.u32 s11, $0x4;
	s24 =	simm.s32 @p1 $0x3F800000;
	v62 =	vpsel p1, v4, v7;
	v3 =	vpsel p0, v6, v3  }
.Ltmp28:
0x210: {  	s29 =	smov.u32 @p0 s24;
	v2 =	vpsel p0, v62, v2;
	[tilespmem:s31+$0x8500] =	vst v3;
	v63 =	vadd.f32 v5, v3;
	s11 =	spop (v2sf);
	(pc) =	sbr.rel .LBB2_38-.Ltmp28, $4  }
0x211: {  	v61 =	vmov s29;
	[tilespmem:s31+$0xA510] =	vst v2;
	p0 =	seq.s32 s11, s26  }
0x212: {  	s29 =	sadd.f32 $1.000000000e+00, s29;
	[tilespmem:s31+$0xC520] =	vst v61;
	v2 =	vmax.f32 v2, v5;
	v3 =	vpsel p0, v63, v5  }
0x213: {  	v2 =	vpsel p0, v2, v5;
	[tilespmem:$0xE520] =	vst v3  }
0x214: {  	s29 =	simm.s32 @!p0 $0x3F800000;
	[tilespmem:$0xE530] =	vst v2  }
.LBB2_32:
.Ltmp29:
0x215: {  	(pc) =	sbr.rel .LBB2_37-.Ltmp29, $2  }
0x216: {  	_ =	sdelay $0x2  }
0x217: {  	s8 =	smov.u32 s23;
	s26 =	smov.u32 s11  }
.LBB2_34:
.Ltmp30:
0x218: {  	(pc) =	sbr.rel .LBB2_37-.Ltmp30, $2  }
0x219: {  	_ =	sdelay $0x2  }
0x21a: {  	s8 =	smov.u32 s23;
	s11 =	smov.u32 s7;
	s26 =	smov.u32 s7  }
.LBB2_39:
0x21b: {  	s0 =	simm.s32 $0x0  }
0x21c: {  	v3 =	vld [tilespmem:s0+$0x4260];
	_ =	sdelay $0x4  }
0x21d: {  	(v2sf) =	vpush v3, $0x0;
	_ =	sdelay $0x3  }
0x21e: {  	v4 =	vld [tilespmem:$0xE520];
	_ =	sdelay $0x2  }
0x21f: {  	s2 =	simm.s32 $0x3E00;
	s30 =	sshll.u32 s11, $0x4;
	v5 =	vmov s29  }
0x220: {  	v3 =	vld [tilespmem:s2+$0x0];
	[tilespmem:s30+$0xC520] =	vst v5  }
0x221: {  	[tilespmem:s30+$0x8500] =	vst v4  }
0x222: {  	s31 =	simm.s32 $0x1;
	[tilespmem:s30+$0xA510] =	vst v2  }
0x223: {  	v5 =	vld [tilespmem:s31+$0x4260];
	_ =	sdelay $0x3  }
0x224: {  	s0 =	sadd.f32 $1.000000000e+00, s29;
	s8 =	spop (v2sf)  }
0x225: {  	s12 =	simm.s32 $0x8;
	v4 =	vadd.f32 v3, v4;
	v2 =	vmax.f32 v2, v3;
	(v2sf) =	vpush v5, $0x0;
	p1 =	seq.s32 s8, s11;
	s7 =	smov.u32 s8  }
.LBB2_40:
0x226: {  	s0 =	simm.s32 @!p1 $0x3F800000  }
0x227: {  	v4 =	vpsel p1, v4, v3;
	v2 =	vpsel p1, v2, v3;
	s2 =	sadd.s32 $0x10, s2;
	s11 =	smov.u32 s12;
	s13 =	sadd.s32 $0x4, s12  }
0x228: {  	p0 =	sne.s32 s12, $0x1C;
	s8 =	sshll.u32 s8, $0x4;
	v3 =	vld [tilespmem:s2+$0x0];
	v5 =	vmov s0  }
0x229: {  	[tilespmem:s8+$0xC520] =	vst v5  }
0x22a: {  	[tilespmem:s8+$0x8500] =	vst v4  }
0x22b: {  	[tilespmem:s8+$0xA510] =	vst v2;
	_ =	sdelay $0x4  }
0x22c: {  	s8 =	sshra.s32 s11, $0x2  }
0x22d: {  	v5 =	vld [tilespmem:s8+$0x4260]  }
.Ltmp31:
0x22e: {  	(pc) =	sbr.rel @p0 .LBB2_40-.Ltmp31, $3  }
0x22f: {  	_ =	sdelay $0x1  }
0x230: {  	s0 =	sadd.f32 $1.000000000e+00, s0;
	v4 =	vadd.f32 v3, v4;
	s8 =	spop (v2sf)  }
0x231: {  	s12 =	smov.u32 s13;
	v2 =	vmax.f32 v2, v3;
	(v2sf) =	vpush v5, $0x0;
	p1 =	seq.s32 s8, s7;
	s7 =	smov.u32 s8  }
0x232: {  	_ =	sdelay $0x7  }
0x233: {  	s2 =	sadd.s32 $0x10, s2  }
0x234: {  	v5 =	vld [tilespmem:s2+$0x0];
	_ =	sdelay $0x3  }
0x235: {  	v4 =	vpsel p1, v4, v3;
	s13 =	sshll.u32 s8, $0x4  }
0x236: {  	s0 =	simm.s32 @!p1 $0x3F800000;
	v2 =	vpsel p1, v2, v3;
	[tilespmem:s13+$0x8500] =	vst v4;
	v63 =	vadd.f32 v5, v4;
	s21 =	spop (v2sf)  }
0x237: {  	v6 =	vmov s0;
	[tilespmem:s13+$0xA510] =	vst v2;
	p0 =	seq.s32 s21, s7  }
0x238: {  	[tilespmem:s13+$0xC520] =	vst v6;
	v3 =	vpsel p0, v63, v5  }
0x239: {  	[tilespmem:$0xE520] =	vst v3  }
0x23a: {  	v3 =	vld [tilespmem:$0xE520];
	_ =	sdelay $0x1  }
0x23b: {  	v2 =	vmax.f32 v2, v5  }
0x23c: {  	v2 =	vpsel p0, v2, v5  }
0x23d: {  	s23 =	sshll.u32 s21, $0x4;
	[tilespmem:$0xE530] =	vst v2  }
0x23e: {  	[tilespmem:s23+$0x8500] =	vst v3  }
0x23f: {  	v2 =	vld [tilespmem:$0xE530];
	_ =	sdelay $0x1  }
0x240: {  	s0 =	sadd.f32 $1.000000000e+00, s0;
	_ =	sdelay $0x1  }
0x241: {  	s0 =	simm.s32 @!p0 $0x3F800000  }
0x242: {  	[tilespmem:s23+$0xA510] =	vst v2;
	v2 =	vmov s0  }
0x243: {  	s24 =	rddreg [dreg:$0x6];
	s26 =	simm.s32 $0x8500;
	[tilespmem:s23+$0xC520] =	vst v2  }
0x244: {  	[hbm4b:s24+s4] =	stream.linear.scatter [tilespmem:s26], [sflag:$0x3], $0x2000, $0x38;
	[tilespmem:$0xE540] =	vst v63  }
0x245: {  	_ =	swait.ge [sflag:s22], $0x2000  }
0x246: {  	[sflag:s22] =	ssyncset.done $0x0  }
0x247: {  	s29 =	simm.s32 $0xA510;
	s28 =	rddreg [dreg:$0x7];
	[sflag:s22] =	ssyncadd.s32 $0xFFFFE000  }
0x248: {  	[hbm4b:s28+s4] =	stream.linear.scatter [tilespmem:s29], [sflag:$0x3], $0x2000, $0x38;
	[tilespmem:$0xE540] =	vst v63  }
0x249: {  	s25 =	sadd.s32 $0x1, s25;
	_ =	swait.ge [sflag:s22], $0x2000  }
0x24a: {  	s31 =	simm.s32 $0xC520;
	p0 =	sne.s32 s25, s14;
	[sflag:s22] =	ssyncset.done $0x0  }
.Ltmp32:
0x24b: {  	s30 =	rddreg [dreg:$0x8];
	[sflag:s22] =	ssyncadd.s32 $0xFFFFE000;
	(pc) =	sbr.rel @p0 .LBB2_1-.Ltmp32, $4  }
0x24c: {  	[hbm4b:s30+s4] =	stream.linear.scatter [tilespmem:s31], [sflag:$0x3], $0x2000, $0x38;
	[tilespmem:$0xE540] =	vst v63  }
0x24d: {  	_ =	swait.ge [sflag:s22], $0x2000  }
0x24e: {  	[sflag:s22] =	ssyncset.done $0x0  }
0x24f: {  	[sflag:s22] =	ssyncadd.s32 $0xFFFFE000  }
0x250: {  	_ =	sfence.sel $0x180000  }
0x251: {  	[bflag:$0x0] =	sbarrier.arrive $0xFFFF  }
0x252: {  	_ =	strace $0x90000047  }
0x253: {  	s0 =	stileid.u32;
	[bflag:$0x2] =	sbarrier.arrive $0xFFFF  }
0x254: {  	p0 =	sne.s32 s0, $0x0;
	s0 =	rddreg [dreg:$0x3]  }
0x255: {  	s0 =	sadd.s32 @!p0 $0x100000, s0  }
0x256: {  	[sflag:s0] =	ssyncadd.tile.s32 @!p0 $0x1;
	_ =	shalt  }
.Lfunc_end2:
_tile_overlayer_lowered:
.L_overlay_start_2:
0x257: {  	(tag) =	ssettag $0x2  }
0x258: {  	s0 =	rddreg [dreg:$0x0];
	s2 =	stileid.u32  }
0x259: {  	s1 =	rddreg [dreg:$0x1];
	p0 =	sne.s32 s2, $0x0  }
0x25a: {  	s3 =	rddreg [dreg:$0x2];
	[bflag:$0x3] =	sbarrier.arrive $0xFFFF;
	s2 =	simm.s32 @!p0 $0x1C03  }
0x25b: {  	[timem:s3], [sflag:s2] =	dma.local @!p0 [hbm:s0], s1  }
0x25c: {  	s0 =	simm.s32 @!p0 $0x3  }
0x25d: {  	_ =	swait.ge @!p0 [sflag:s0], s1  }
0x25e: {  	s1 =	ssub.s32 @!p0 $0x0, s1;
	[sflag:s0] =	ssyncset.done @!p0 $0x0  }
0x25f: {  	[sflag:s0] =	ssyncadd.s32 @!p0 s1  }
0x260: {  	[bflag:$0x3] =	sbarrier.arrive $0xFFFF  }
0x261: {  	_ =	shalt  }

// kernel: kernel.8.cloned.1.call-start
scs
__scs_entry_jumppad:
0x0: {  	(pc) =	sbr.rel $0x88, $3  }
0x1: {  	(tag) =	ssettag $0x0;
	lr =	simm.s32 $0x1  }
0x2: {  	[smem:$0x3F9D] =	sst lr;
	_ =	strace $0xD0000000  }
0x3: {  	_ = 	snop  }
0x4: {  	_ = 	snop  }
0x5: {  	_ = 	snop  }
0x6: {  	_ = 	snop  }
0x7: {  	_ = 	snop  }
__scs_overlays_trampoline_lowered:
0x8: {  	[smem:$0x3FAC] =	sst s0  }
0x9: {  	[smem:$0x3FAD] =	sst s1  }
0xa: {  	[smem:$0x3FAE] =	sst s2  }
0xb: {  	[smem:$0x3FAF] =	sst s3  }
0xc: {  	[smem:$0x3FB0] =	sst s4  }
0xd: {  	[smem:$0x3FB1] =	sst s5  }
0xe: {  	[smem:$0x3FB2] =	sst s6  }
0xf: {  	[smem:$0x3FB3] =	sst s7  }
0x10: {  	[smem:$0x3FB4] =	sst s8  }
0x11: {  	[smem:$0x3FB5] =	sst s9;
	s0 =	simm.s32 @!p0 $0x0  }
0x12: {  	s1 =	sld [smem:$0x3F9B];
	s0 =	simm.s32 @p0 $0x1  }
0x13: {  	[smem:$0x3FB6] =	sst s0;
	s0 =	simm.s32 @!p1 $0x0  }
0x14: {  	s2 =	sld [smem:$0x3F9A];
	s0 =	simm.s32 @p1 $0x1  }
0x15: {  	[smem:$0x3FB7] =	sst s0;
	s0 =	simm.s32 @!p2 $0x0  }
0x16: {  	s3 =	sld [smem:$0x3FDB];
	s0 =	simm.s32 @p2 $0x1  }
0x17: {  	s4 =	simm.s32 $0x1BF5;
	[smem:$0x3FB9] =	sst s0  }
0x18: {  	s0 =	sld [smem:$0x3F9C];
	_ =	swait.ge [sflag:s4], $0x0  }
0x19: {  	s7 =	sld [smem:$0x3F9D]  }
0x1a: {  	s8 =	sadd.s32 $0xFFFFE003, lr  }
0x1b: {  	s9 =	sadd.s32 $0xFFFFFEF7, lr;
	s5 =	simm.s32 $0xFFFFFFFF;
	p2 =	slt.u32 s8, $0xFFFFF086  }
0x1c: {  	p1 =	slt.u32 s9, $0xF7A;
	s5 =	simm.s32 @!p2 $0x0  }
0x1d: {  	s5 =	simm.s32 @p1 $0x1;
	p0 =	seq.s32 s7, s2  }
0x1e: {  	s7 =	smul.u32 @!p0 $0xF7A, s2;
	p2 =	seq.s32 @!p0 s5, $0x0  }
0x1f: {  	s9 =	smul.u32 $0xF7A, s1;
	s8 =	simm.s32 @!p0 $0x1BF5;
	p2 =	por !p2, p0  }
0x20: {  	[sflag:s8] =	ssyncset.s32 @!p0 $0xFFFFF086;
	s6 =	sadd.s32 @!p0 s3, s7;
	s7 =	simm.s32 @!p0 $0x108  }
0x21: {  	s3 =	sadd.s32 s3, s9;
	s6 =	sadd.s32 @!p0 $0x88, s6;
	s7 =	simm.s32 @p2 $0x1082  }
0x22: {  	[simem:s7], [sflag:s8] =	dma.local @!p0 [hbm:s6], $0xF7A  }
0x23: {  	s9 =	sor.u32 $0xD0000000, s2;
	s6 =	simm.s32 $0x108;
	_ =	swait.ge @!p0 [sflag:s8], $0x0  }
0x24: {  	s3 =	sadd.s32 $0x88, s3;
	s6 =	simm.s32 @!p1 $0x1082;
	[sflag:s4] =	ssyncset.s32 $0xFFFFF086  }
0x25: {  	[simem:s6], [sflag:s4] =	dma.local [hbm:s3], $0xF7A  }
0x26: {  	[smem:$0x3F9D] =	sst s1;
	(tag) =	ssettag s2;
	_ =	strace s9  }
0x27: {  	s1 =	sld [smem:$0x3FAD]  }
0x28: {  	s2 =	sld [smem:$0x3FAE]  }
0x29: {  	s4 =	sld [smem:$0x3FB0]  }
0x2a: {  	p0 =	seq.s32 s5, $0x0;
	s5 =	sld [smem:$0x3FB1]  }
0x2b: {  	s6 =	sld [smem:$0x3FB2]  }
0x2c: {  	s7 =	sld [smem:$0x3FB3]  }
0x2d: {  	s3 =	simm.s32 $0x108;
	s8 =	sld [smem:$0x3FB4]  }
0x2e: {  	s3 =	simm.s32 @!p0 $0x1082;
	s9 =	sld [smem:$0x3FB5]  }
0x2f: {  	lr =	sadd.s32 s0, s3;
	s0 =	sld [smem:$0x3FAC]  }
0x30: {  	s3 =	sld [smem:$0x3FAF]  }
0x31: {  	[smem:$0x3FB8] =	sst s10  }
0x32: {  	s10 =	sld [smem:$0x3FB6];
	_ =	sdelay $0x3  }
0x33: {  	p0 =	seq.s32 s10, $0x1;
	s10 =	sld [smem:$0x3FB8];
	_ =	sdelay $0x3  }
0x34: {  	[smem:$0x3FB8] =	sst s10  }
0x35: {  	s10 =	sld [smem:$0x3FB7];
	_ =	sdelay $0x3  }
0x36: {  	p1 =	seq.s32 s10, $0x1;
	s10 =	sld [smem:$0x3FB8];
	_ =	sdelay $0x3  }
0x37: {  	[smem:$0x3FB8] =	sst s10  }
0x38: {  	s10 =	sld [smem:$0x3FB9]  }
0x39: {  	_ = 	snop;
	(pc) =	sbr.ind lr, $3  }
0x3a: {  	_ = 	snop  }
0x3b: {  	_ = 	snop  }
0x3c: {  	p2 =	seq.s32 s10, $0x1;
	s10 =	sld [smem:$0x3FB8]  }
0x3d: {  	_ =	shalt  }
0x3e: {  	_ =	shalt  }
0x3f: {  	_ =	shalt  }
0x40: {  	_ =	shalt  }
0x41: {  	_ =	shalt  }
0x42: {  	_ =	shalt  }
0x43: {  	_ =	shalt  }
0x44: {  	_ =	shalt  }
0x45: {  	_ =	shalt  }
0x46: {  	_ =	shalt  }
0x47: {  	_ =	shalt  }
0x48: {  	_ =	shalt  }
0x49: {  	_ =	shalt  }
0x4a: {  	_ =	shalt  }
0x4b: {  	_ =	shalt  }
0x4c: {  	_ =	shalt  }
0x4d: {  	_ =	shalt  }
0x4e: {  	_ =	shalt  }
0x4f: {  	_ =	shalt  }
0x50: {  	_ =	shalt  }
0x51: {  	_ =	shalt  }
0x52: {  	_ =	shalt  }
0x53: {  	_ =	shalt  }
0x54: {  	_ =	shalt  }
0x55: {  	_ =	shalt  }
0x56: {  	_ =	shalt  }
0x57: {  	_ =	shalt  }
0x58: {  	_ =	shalt  }
0x59: {  	_ =	shalt  }
0x5a: {  	_ =	shalt  }
0x5b: {  	_ =	shalt  }
0x5c: {  	_ =	shalt  }
0x5d: {  	_ =	shalt  }
0x5e: {  	_ =	shalt  }
0x5f: {  	_ =	shalt  }
0x60: {  	_ =	shalt  }
0x61: {  	_ =	shalt  }
0x62: {  	_ =	shalt  }
0x63: {  	_ =	shalt  }
0x64: {  	_ =	shalt  }
0x65: {  	_ =	shalt  }
0x66: {  	_ =	shalt  }
0x67: {  	_ =	shalt  }
0x68: {  	_ =	shalt  }
0x69: {  	_ =	shalt  }
0x6a: {  	_ =	shalt  }
0x6b: {  	_ =	shalt  }
0x6c: {  	_ =	shalt  }
0x6d: {  	_ =	shalt  }
0x6e: {  	_ =	shalt  }
0x6f: {  	_ =	shalt  }
0x70: {  	_ =	shalt  }
0x71: {  	_ =	shalt  }
0x72: {  	_ =	shalt  }
0x73: {  	_ =	shalt  }
0x74: {  	_ =	shalt  }
0x75: {  	_ =	shalt  }
0x76: {  	_ =	shalt  }
0x77: {  	_ =	shalt  }
0x78: {  	_ =	shalt  }
0x79: {  	_ =	shalt  }
0x7a: {  	_ =	shalt  }
0x7b: {  	_ =	shalt  }
0x7c: {  	_ =	shalt  }
0x7d: {  	_ =	shalt  }
0x7e: {  	_ =	shalt  }
0x7f: {  	_ =	shalt  }
0x80: {  	_ =	shalt  }
0x81: {  	_ =	shalt  }
0x82: {  	_ =	shalt  }
0x83: {  	_ =	shalt  }
0x84: {  	_ =	shalt  }
0x85: {  	_ =	shalt  }
0x86: {  	_ =	shalt  }
0x87: {  	_ =	shalt  }
.Lfunc_end0:
.L_simem_size_0:
called_computation.1_lowered:
.L_overlay_start_0:
0x88: {  	s2 =	sld [smem:$0x3FD9]  }
0x89: {  	s3 =	sld [smem:$0x3FFE];
	_ =	sdelay $0x1  }
0x8a: {  	s1 =	srdreg.scid  }
0x8b: {  	s0 =	sand.u32 $0x1, s1  }
0x8c: {  	s17 =	sshll.u32 s0, $0xA;
	s2 =	sadd.s32 s3, s2  }
0x8d: {  	s2 =	sadd.s32 s2, s17  }
0x8e: {  	[smem:$0x3FC4] =	sst s2  }
0x8f: {  	_ = 	snop  }
0x90: {  	s2 =	sld [smem:$0x3FD0];
	(tm) =	ssettm $0x1  }
0x91: {  	s18 =	sld [smem:$0x3FFB];
	_ =	sdelay $0x3  }
0x92: {  	_ =	strace s18  }
0x93: {  	s3 =	sld [smem:$0x3FFC];
	_ =	sdelay $0x3  }
0x94: {  	_ =	strace s3  }
0x95: {  	s3 =	sld [smem:$0x3FFD];
	_ =	sdelay $0x3  }
0x96: {  	_ =	strace s3  }
0x97: {  	_ =	strace $0x8FFFFFFF  }
0x98: {  	s19 =	sld [smem:$0x3FDB];
	_ =	sdelay $0x1  }
0x99: {  	s4 =	simm.s32 $_scs_section_size  }
0x9a: {  	s5 =	simm.s32 $_size__tile_overlayer_lowered;
	s6 =	simm.s32 $_tile_overlayer_lowered  }
0x9b: {  	s22 =	simm.s32 $0x1BFF;
	s21 =	sshll.u32 s6, $0x1;
	s3 =	sadd.s32 s4, s19  }
0x9c: {  	s7 =	simm.s32 $0x0;
	s20 =	sshll.u32 s5, $0x1;
	s5 =	sadd.s32 s21, s3  }
0x9d: {  	[timem:s7], [sflag:s22] =	dma.local [hbm:s5], s20  }
0x9e: {  	_ =	swait.ge [sflag:s22], s20  }
0x9f: {  	s4 =	ssub.s32 $0x0, s20;
	[sflag:s22] =	ssyncset.done $0x0  }
0xa0: {  	[sflag:s22] =	ssyncadd.s32 s4;
	_ =	sdelay $0x1  }
0xa1: {  	s23 =	simm.s32 $0x1B8B  }
0xa2: {  	_ =	swait.ge [sflag:s23], $0x1  }
0xa3: {  	[sflag:s23] =	ssyncset.done $0x0  }
0xa4: {  	s25 =	simm.s32 $0x1B8E;
	s24 =	sld [smem:$0x3FFE];
	[sflag:s23] =	ssyncadd.s32 $0xFFFFFFFF  }
0xa5: {  	s26 =	simm.s32 $execute0_lowered;
	[smem:$0x3FD2] =	sst s25  }
0xa6: {  	s5 =	sshll.u32 s26, $0x1;
	_ =	strace $0x80000049;
	[dreg:$0x1] =	wrdreg $0xFFFFFFFF  }
0xa7: {  	s28 =	simm.s32 $_size_execute0_lowered;
	s3 =	sadd.s32 s3, s5;
	[dreg:$0x0] =	wrdreg $0x0  }
0xa8: {  	s5 =	sshll.u32 s28, $0x1;
	[dreg:$0x2] =	wrdreg s3  }
0xa9: {  	[dreg:$0x3] =	wrdreg s5  }
0xaa: {  	[dreg:$0x4] =	wrdreg $0xC0  }
0xab: {  	_ =	task [dreg:s7], $0x5FFFF  }
0xac: {  	[dreg:$0x1] =	wrdreg $0xFFFFFFFF  }
0xad: {  	[dreg:$0x0] =	wrdreg $0x60  }
0xae: {  	[dreg:$0x2] =	wrdreg s24  }
0xaf: {  	[dreg:$0x3] =	wrdreg s2  }
0xb0: {  	[dreg:$0x4] =	wrdreg $0x9  }
0xb1: {  	_ =	task.clear_ibuf [dreg:s7], $0x5FFFF;
	_ =	strace $0x90000049  }
0xb2: {  	s29 =	simm.s32 $0x9;
	_ =	strace $0x8000004B  }
0xb3: {  	_ =	swait.ge [sflag:s29], $0x1  }
0xb4: {  	[sflag:s29] =	ssyncadd.s32 $0xFFFFFFFF  }
0xb5: {  	_ =	strace $0x9000004B  }
0xb6: {  	_ =	sfence  }
0xb7: {  	s30 =	sld [smem:$0x0];
	_ =	sdelay $0x2  }
0xb8: {  	s31 =	sshll.u32 s1, $0xD;
	s1 =	sshrl.u32 s1, $0x2  }
0xb9: {  	s3 =	sand.u32 $0x4000, s31;
	s1 =	sadd.s32 s1, s30  }
0xba: {  	s0 =	sor.u32 s3, s0;
	s1 =	sshll.u32 s1, $0x11  }
0xbb: {  	s0 =	sor.u32 s1, s0  }
0xbc: {  	s0 =	sadd.s32 $0x8F2B, s0  }
0xbd: {  	[sflag:s0] =	ssyncadd.remote.s32 $0x1  }
0xbe: {  	_ =	sfence.sel $0xFFFF  }
0xbf: {  	[dreg:$0x0] =	wrdreg $0xFFFFFFFF;
	(pc) =	sbr.abs _section_cstart, $3  }
0xc0: {  	[dreg:$0x1] =	wrdreg $0xFFFFFFFF  }
0xc1: {  	_ =	task.clear_ibuf [dreg:s7], $0x2FFFF;
	_ =	strace $0x9FFFFFFF  }
0xc2: {  	(tm) =	ssettm $0x7FFFFFFF  }
0xc3: {  	_ =	shalt  }
tec
execute0_lowered:
.L_overlay_start_1:
0x0: {  	(tag) =	ssettag $0x1  }
0x1: {  	s0 =	srdreg.scid  }
0x2: {  	s0 =	sand.u32 $0x1, s0  }
0x3: {  	s1 =	stileid.u32;
	p0 =	seq.s32 s0, $0x1  }
0x4: {  	p1 =	sgt.u32 @!p0 s1, $0x7  }
0x5: {  	p0 =	por p0, p1  }
.Ltmp0:
0x6: {  	_ = 	snop;
	(pc) =	sbr.rel @p0 .LBB2_10-.Ltmp0, $4  }
0x7: {  	s3 =	rddreg [dreg:$0x0]  }
0x8: {  	s2 =	rddreg [dreg:$0x1];
	s4 =	simm.s32 $0x0  }
0x9: {  	[smem:$0x7FF] =	sst s4  }
0xa: {  	s0 =	rddreg [dreg:$0x2];
	_ =	strace $0x8000004A  }
0xb: {  	s5 =	sadd.s32 $0x1600, s3;
	s11 =	sshll.u32 s1, $0xA  }
0xc: {  	s21 =	simm.s32 $0x1;
	s6 =	sadd.s32 s5, s11  }
0xd: {  	[tilespmem:s4], [sflag:$0x1] =	stream.linear.gather [hbm4b:s6+s4], $0x2000, $0x38;
	[tilespmem:$0xC000] =	vst v63  }
0xe: {  	_ =	swait.ge [sflag:s21], $0x2000  }
0xf: {  	s12 =	sadd.s32 $0x9600, s3;
	[sflag:s21] =	ssyncset.done $0x0  }
0x10: {  	s8 =	simm.s32 $0x2000;
	s7 =	sadd.s32 s12, s11;
	[sflag:s21] =	ssyncadd.s32 $0xFFFFE000  }
0x11: {  	[tilespmem:s8], [sflag:$0x1] =	stream.linear.gather [hbm4b:s7+s4], $0x2000, $0x38;
	[tilespmem:$0xC000] =	vst v63  }
0x12: {  	_ =	swait.ge [sflag:s21], $0x2000  }
0x13: {  	s13 =	sadd.s32 $0x11600, s3;
	[sflag:s21] =	ssyncset.done $0x0  }
0x14: {  	s23 =	simm.s32 $0x4000;
	s22 =	sadd.s32 s13, s11;
	[sflag:s21] =	ssyncadd.s32 $0xFFFFE000  }
0x15: {  	[tilespmem:s23], [sflag:$0x1] =	stream.linear.gather [hbm4b:s22+s4], $0x2000, $0x38;
	[tilespmem:$0xC000] =	vst v63  }
0x16: {  	_ =	swait.ge [sflag:s21], $0x2000  }
0x17: {  	s24 =	sor.u32 $0x2000, s11;
	[sflag:s21] =	ssyncset.done $0x0  }
0x18: {  	s9 =	simm.s32 $0x6000;
	s25 =	sadd.s32 s5, s24;
	[sflag:s21] =	ssyncadd.s32 $0xFFFFE000  }
0x19: {  	[tilespmem:s9], [sflag:$0x1] =	stream.linear.gather [hbm4b:s25+s4], $0x2000, $0x38;
	[tilespmem:$0xC000] =	vst v63  }
0x1a: {  	_ =	swait.ge [sflag:s21], $0x2000  }
0x1b: {  	[sflag:s21] =	ssyncset.done $0x0  }
0x1c: {  	s28 =	simm.s32 $0x8000;
	s26 =	sadd.s32 s12, s24;
	[sflag:s21] =	ssyncadd.s32 $0xFFFFE000  }
0x1d: {  	[tilespmem:s28], [sflag:$0x1] =	stream.linear.gather [hbm4b:s26+s4], $0x2000, $0x38;
	[tilespmem:$0xC000] =	vst v63  }
0x1e: {  	_ =	swait.ge [sflag:s21], $0x2000  }
0x1f: {  	[sflag:s21] =	ssyncset.done $0x0  }
0x20: {  	s29 =	simm.s32 $0xA000;
	s7 =	sadd.s32 s13, s24;
	[sflag:s21] =	ssyncadd.s32 $0xFFFFE000  }
0x21: {  	[tilespmem:s29], [sflag:$0x1] =	stream.linear.gather [hbm4b:s7+s4], $0x2000, $0x38;
	[tilespmem:$0xC000] =	vst v63  }
0x22: {  	_ =	swait.ge [sflag:s21], $0x2000  }
0x23: {  	[sflag:s21] =	ssyncset.done $0x0  }
0x24: {  	s9 =	simm.s32 $0x0;
	[sflag:s21] =	ssyncadd.s32 $0xFFFFE000  }
0x25: {  	v0 =	vld [tilespmem:s9+$0x8000]  }
0x26: {  	s30 =	sor.u32 $0x4000, s11;
	s14 =	sadd.s32 s11, s3;
	s31 =	sadd.s32 $0x6000, s11;
	v1 =	vld [tilespmem:s9+$0x6000]  }
0x27: {  	s3 =	sadd.s32 s2, s11;
	s11 =	simm.s32 $0x40;
	s10 =	sadd.s32 s5, s30;
	v2 =	vld [tilespmem:s9+$0xA000]  }
0x28: {  	s6 =	sadd.s32 s5, s31;
	s5 =	sadd.s32 s12, s31;
	s2 =	sadd.s32 $0x19600, s14;
	v4 =	vld [tilespmem:s9+$0x0]  }
0x29: {  	s8 =	sadd.s32 s12, s30;
	s7 =	sadd.s32 s13, s30;
	s4 =	sadd.s32 s13, s31;
	v3 =	vld [tilespmem:s9+$0x2000]  }
.LBB2_2:
0x2a: {  	p0 =	sne.s32 s11, $0x7FC0;
	v5 =	vld [tilespmem:s9+$0x4000];
	v6 =	vmov v0;
	_ =	sdelay $0x1  }
0x2b: {  	s12 =	sshra.s32 s11, $0x2  }
.Ltmp1:
0x2c: {  	v0 =	vld [tilespmem:s12+$0x8000];
	v4 =	vadd.f32 v1, v4;
	(pc) =	sbr.rel @p0 .LBB2_2-.Ltmp1, $4  }
0x2d: {  	v1 =	vld [tilespmem:s12+$0x6000]  }
0x2e: {  	v3 =	vmax.f32 v3, v6;
	[tilespmem:s9+$0x0] =	vst v4;
	v5 =	vadd.f32 v2, v5;
	v2 =	vld [tilespmem:s12+$0xA000]  }
0x2f: {  	v4 =	vld [tilespmem:s12+$0x0];
	[tilespmem:s9+$0x2000] =	vst v3  }
0x30: {  	s11 =	sadd.s32 $0x40, s11;
	v3 =	vld [tilespmem:s12+$0x2000];
	[tilespmem:s9+$0x4000] =	vst v5;
	s9 =	smov.u32 s12  }
0x31: {  	v5 =	vld [tilespmem:s9+$0x4000];
	_ =	sdelay $0x2  }
0x32: {  	v1 =	vadd.f32 v1, v4;
	_ =	sdelay $0x1  }
0x33: {  	v0 =	vmax.f32 v3, v0;
	[tilespmem:s9+$0x0] =	vst v1;
	v1 =	vadd.f32 v2, v5  }
0x34: {  	[tilespmem:s9+$0x2000] =	vst v0  }
0x35: {  	s28 =	simm.s32 $0x0;
	s11 =	simm.s32 $0x6000;
	s29 =	simm.s32 $0x1;
	[tilespmem:s9+$0x4000] =	vst v1  }
0x36: {  	[tilespmem:s11], [sflag:$0x1] =	stream.linear.gather [hbm4b:s10+s28], $0x2000, $0x38;
	[tilespmem:$0xC000] =	vst v63  }
0x37: {  	_ =	swait.ge [sflag:s29], $0x2000  }
0x38: {  	[sflag:s29] =	ssyncset.done $0x0  }
0x39: {  	s30 =	simm.s32 $0x8000;
	[sflag:s29] =	ssyncadd.s32 $0xFFFFE000  }
0x3a: {  	[tilespmem:s30], [sflag:$0x1] =	stream.linear.gather [hbm4b:s8+s28], $0x2000, $0x38;
	[tilespmem:$0xC000] =	vst v63  }
0x3b: {  	_ =	swait.ge [sflag:s29], $0x2000  }
0x3c: {  	[sflag:s29] =	ssyncset.done $0x0  }
0x3d: {  	s31 =	simm.s32 $0xA000;
	[sflag:s29] =	ssyncadd.s32 $0xFFFFE000  }
0x3e: {  	[tilespmem:s31], [sflag:$0x1] =	stream.linear.gather [hbm4b:s7+s28], $0x2000, $0x38;
	[tilespmem:$0xC000] =	vst v63  }
0x3f: {  	_ =	swait.ge [sflag:s29], $0x2000  }
0x40: {  	[sflag:s29] =	ssyncset.done $0x0  }
0x41: {  	s7 =	simm.s32 $0x0;
	[sflag:s29] =	ssyncadd.s32 $0xFFFFE000  }
0x42: {  	v1 =	vld [tilespmem:s7+$0x8000]  }
0x43: {  	v2 =	vld [tilespmem:s7+$0x6000]  }
0x44: {  	v0 =	vld [tilespmem:s7+$0xA000]  }
0x45: {  	v4 =	vld [tilespmem:s7+$0x0]  }
0x46: {  	s8 =	simm.s32 $0x40;
	v3 =	vld [tilespmem:s7+$0x2000]  }
.LBB2_4:
0x47: {  	p0 =	sne.s32 s8, $0x7FC0;
	v5 =	vld [tilespmem:s7+$0x4000];
	v6 =	vmov v1;
	_ =	sdelay $0x1  }
0x48: {  	s9 =	sshra.s32 s8, $0x2  }
.Ltmp2:
0x49: {  	v1 =	vld [tilespmem:s9+$0x8000];
	v4 =	vadd.f32 v2, v4;
	(pc) =	sbr.rel @p0 .LBB2_4-.Ltmp2, $4  }
0x4a: {  	v2 =	vld [tilespmem:s9+$0x6000]  }
0x4b: {  	v3 =	vmax.f32 v3, v6;
	[tilespmem:s7+$0x0] =	vst v4;
	v5 =	vadd.f32 v0, v5;
	v0 =	vld [tilespmem:s9+$0xA000]  }
0x4c: {  	v4 =	vld [tilespmem:s9+$0x0];
	[tilespmem:s7+$0x2000] =	vst v3  }
0x4d: {  	s8 =	sadd.s32 $0x40, s8;
	v3 =	vld [tilespmem:s9+$0x2000];
	[tilespmem:s7+$0x4000] =	vst v5;
	s7 =	smov.u32 s9  }
0x4e: {  	v5 =	vld [tilespmem:s7+$0x4000];
	_ =	sdelay $0x2  }
0x4f: {  	v2 =	vadd.f32 v2, v4;
	_ =	sdelay $0x1  }
0x50: {  	v1 =	vmax.f32 v3, v1;
	[tilespmem:s7+$0x0] =	vst v2;
	v0 =	vadd.f32 v0, v5  }
0x51: {  	[tilespmem:s7+$0x2000] =	vst v1  }
0x52: {  	s28 =	simm.s32 $0x0;
	s8 =	simm.s32 $0x6000;
	s29 =	simm.s32 $0x1;
	[tilespmem:s7+$0x4000] =	vst v0  }
0x53: {  	[tilespmem:s8], [sflag:$0x1] =	stream.linear.gather [hbm4b:s6+s28], $0x2000, $0x38;
	[tilespmem:$0xC000] =	vst v63  }
0x54: {  	_ =	swait.ge [sflag:s29], $0x2000  }
0x55: {  	[sflag:s29] =	ssyncset.done $0x0  }
0x56: {  	s30 =	simm.s32 $0x8000;
	[sflag:s29] =	ssyncadd.s32 $0xFFFFE000  }
0x57: {  	[tilespmem:s30], [sflag:$0x1] =	stream.linear.gather [hbm4b:s5+s28], $0x2000, $0x38;
	[tilespmem:$0xC000] =	vst v63  }
0x58: {  	_ =	swait.ge [sflag:s29], $0x2000  }
0x59: {  	[sflag:s29] =	ssyncset.done $0x0  }
0x5a: {  	s31 =	simm.s32 $0xA000;
	[sflag:s29] =	ssyncadd.s32 $0xFFFFE000  }
0x5b: {  	[tilespmem:s31], [sflag:$0x1] =	stream.linear.gather [hbm4b:s4+s28], $0x2000, $0x38;
	[tilespmem:$0xC000] =	vst v63  }
0x5c: {  	_ =	swait.ge [sflag:s29], $0x2000  }
0x5d: {  	[sflag:s29] =	ssyncset.done $0x0  }
0x5e: {  	s4 =	simm.s32 $0x0;
	[sflag:s29] =	ssyncadd.s32 $0xFFFFE000  }
0x5f: {  	v1 =	vld [tilespmem:s4+$0x8000]  }
0x60: {  	v2 =	vld [tilespmem:s4+$0x6000]  }
0x61: {  	v0 =	vld [tilespmem:s4+$0xA000]  }
0x62: {  	v4 =	vld [tilespmem:s4+$0x0]  }
0x63: {  	s6 =	simm.s32 $0x40;
	s5 =	simm.s32 $0x0;
	v3 =	vld [tilespmem:s4+$0x2000]  }
.LBB2_6:
0x64: {  	p0 =	sne.s32 s6, $0x7FC0;
	v5 =	vld [tilespmem:s5+$0x4000];
	v6 =	vmov v1;
	_ =	sdelay $0x1  }
0x65: {  	s7 =	sshra.s32 s6, $0x2  }
.Ltmp3:
0x66: {  	v1 =	vld [tilespmem:s7+$0x8000];
	v4 =	vadd.f32 v2, v4;
	(pc) =	sbr.rel @p0 .LBB2_6-.Ltmp3, $4  }
0x67: {  	v2 =	vld [tilespmem:s7+$0x6000]  }
0x68: {  	v3 =	vmax.f32 v3, v6;
	[tilespmem:s5+$0x0] =	vst v4;
	v5 =	vadd.f32 v0, v5;
	v0 =	vld [tilespmem:s7+$0xA000]  }
0x69: {  	v4 =	vld [tilespmem:s7+$0x0];
	[tilespmem:s5+$0x2000] =	vst v3  }
0x6a: {  	s6 =	sadd.s32 $0x40, s6;
	v3 =	vld [tilespmem:s7+$0x2000];
	[tilespmem:s5+$0x4000] =	vst v5;
	s5 =	smov.u32 s7  }
0x6b: {  	v5 =	vld [tilespmem:s5+$0x4000];
	_ =	sdelay $0x2  }
0x6c: {  	v2 =	vadd.f32 v2, v4;
	_ =	sdelay $0x1  }
0x6d: {  	v1 =	vmax.f32 v3, v1;
	[tilespmem:s5+$0x0] =	vst v2;
	v0 =	vadd.f32 v0, v5  }
0x6e: {  	[tilespmem:s5+$0x2000] =	vst v1  }
0x6f: {  	[tilespmem:s5+$0x4000] =	vst v0  }
0x70: {  	v0 =	vld [tilespmem:s4+$0x4000];
	_ =	sdelay $0x4  }
0x71: {  	s5 =	simm.s32 $0x10;
	v0 =	vmax.f32 v0, $1.000000000e+00  }
0x72: {  	(erf) = vrcp.f32 v0;
	v0 =	vld [tilespmem:s5+$0x4000];
	_ =	sdelay $0x4  }
0x73: {  	v1 =	vmax.f32 v0, $1.000000000e+00;
	v0 =	vld [tilespmem:s4+$0x0];
	_ =	sdelay $0x2  }
0x74: {  	(erf) = vrcp.f32 v1  }
0x75: {  	s6 =	simm.s32 $0x20;
	s7 =	simm.s32 $0xC0;
	v1 =	vpop (erf)  }
.LBB2_8:
0x76: {  	p0 =	sne.s32 s7, $0x7FC0;
	v2 =	vld [tilespmem:s6+$0x4000];
	v0 =	vmul.f32 v1, v0;
	_ =	sdelay $0x1  }
0x77: {  	[tilespmem:s4+$0x0] =	vst v0;
	s4 =	smov.u32 s5;
	s5 =	smov.u32 s6  }
.Ltmp4:
0x78: {  	v0 =	vld [tilespmem:s4+$0x0];
	(pc) =	sbr.rel @p0 .LBB2_8-.Ltmp4, $4  }
0x79: {  	_ = 	snop  }
0x7a: {  	v2 =	vmax.f32 v2, $1.000000000e+00  }
0x7b: {  	(erf) = vrcp.f32 v2  }
0x7c: {  	s6 =	sshra.s32 s7, $0x2;
	s7 =	sadd.s32 $0x40, s7;
	v1 =	vpop (erf)  }
0x7d: {  	v2 =	vld [tilespmem:s6+$0x4000];
	v0 =	vmul.f32 v1, v0;
	_ =	sdelay $0x1  }
0x7e: {  	[tilespmem:s4+$0x0] =	vst v0  }
0x7f: {  	v0 =	vld [tilespmem:s5+$0x0];
	_ =	sdelay $0x1  }
0x80: {  	v61 =	vmax.f32 v2, $1.000000000e+00  }
0x81: {  	(erf) = vrcp.f32 v61  }
0x82: {  	v62 =	vpop (erf)  }
0x83: {  	v0 =	vmul.f32 v62, v0;
	_ =	sdelay $0x1  }
0x84: {  	[tilespmem:s5+$0x0] =	vst v0  }
0x85: {  	v0 =	vld [tilespmem:s6+$0x0];
	_ =	sdelay $0x3  }
0x86: {  	v63 =	vpop (erf)  }
0x87: {  	v0 =	vmul.f32 v63, v0;
	_ =	sdelay $0x1  }
0x88: {  	s29 =	simm.s32 $0x0;
	s30 =	simm.s32 $0x1;
	[tilespmem:s6+$0x0] =	vst v0  }
0x89: {  	[hbm4b:s3+s29] =	stream.linear.scatter [tilespmem:s29], [sflag:$0x1], $0x2000, $0x38;
	[tilespmem:$0xC000] =	vst v63  }
0x8a: {  	_ =	swait.ge [sflag:s30], $0x2000  }
0x8b: {  	[sflag:s30] =	ssyncset.done $0x0  }
0x8c: {  	s31 =	simm.s32 $0x2000;
	[sflag:s30] =	ssyncadd.s32 $0xFFFFE000  }
0x8d: {  	[hbm4b:s2+s29] =	stream.linear.scatter [tilespmem:s31], [sflag:$0x1], $0x2000, $0x38;
	[tilespmem:$0xC000] =	vst v63  }
0x8e: {  	_ =	swait.ge [sflag:s30], $0x2000  }
0x8f: {  	[sflag:s30] =	ssyncset.done $0x0  }
0x90: {  	[sflag:s30] =	ssyncadd.s32 $0xFFFFE000  }
.LBB2_10:
0x91: {  	_ =	sfence.sel $0x180000  }
0x92: {  	[bflag:$0x0] =	sbarrier.arrive $0xFFFF  }
0x93: {  	p0 =	sne.s32 s1, $0x0;
	_ =	strace $0x9000004A  }
0x94: {  	s0 =	sadd.s32 @!p0 $0x100000, s0;
	[bflag:$0x2] =	sbarrier.arrive $0xFFFF  }
0x95: {  	[sflag:s0] =	ssyncadd.tile.s32 @!p0 $0x1;
	_ =	shalt  }
.Lfunc_end2:
_tile_overlayer_lowered:
.L_overlay_start_2:
0x96: {  	(tag) =	ssettag $0x2  }
0x97: {  	s0 =	rddreg [dreg:$0x0];
	s2 =	stileid.u32  }
0x98: {  	s1 =	rddreg [dreg:$0x1];
	p0 =	sne.s32 s2, $0x0  }
0x99: {  	s3 =	rddreg [dreg:$0x2];
	[bflag:$0x3] =	sbarrier.arrive $0xFFFF;
	s2 =	simm.s32 @!p0 $0x1C01  }
0x9a: {  	[timem:s3], [sflag:s2] =	dma.local @!p0 [hbm:s0], s1  }
0x9b: {  	s0 =	simm.s32 @!p0 $0x1  }
0x9c: {  	_ =	swait.ge @!p0 [sflag:s0], s1  }
0x9d: {  	s1 =	ssub.s32 @!p0 $0x0, s1;
	[sflag:s0] =	ssyncset.done @!p0 $0x0  }
0x9e: {  	[sflag:s0] =	ssyncadd.s32 @!p0 s1  }
0x9f: {  	[bflag:$0x3] =	sbarrier.arrive $0xFFFF  }
0xa0: {  	_ =	shalt  }

</sc_bundles>
